<compile_context>
chip_gen: v7x
topology: tpu7x:2x2x1
jax: 0.10.2.dev20260603
libtpu: 0.0.44.dev20260713+nightly
codegen_flags: <defaults>
</compile_context>

<pallas_src>
import functools

import jax
import jax.numpy as jnp
from jax import lax
from jax.experimental import pallas as pl
from jax.experimental.pallas import tpu as pltpu
from jax.experimental.pallas import tpu_sc as plsc

N = 10000
E = 320000
D = 128
MSG_EPS = 1e-7
BN_EPS = 1e-5

TILES = 16
ROWS_PT = 632
LAST_ROWS = N - 15 * ROWS_PT
K = 128
IB = 16
NB = 10
CHUNKS = IB * NB
EPT = CHUNKS * K
E_PAD = EPT * TILES


def _sc_body(qr_hbm, src_hbm, dst_hbm, zero_hbm, out_hbm,
             srcv, dstv, gbuf0, gbuf1, acc, sem0, sem1):
    c = lax.axis_index("c")
    t = lax.axis_index("s")

    @pl.when(t < TILES - 1)
    def _():
        pltpu.sync_copy(zero_hbm.at[pl.ds(0, ROWS_PT)],
                        acc.at[pl.ds(t * ROWS_PT, ROWS_PT)])

    @pl.when(t == TILES - 1)
    def _():
        pltpu.sync_copy(zero_hbm.at[pl.ds(0, LAST_ROWS + 8)],
                        acc.at[pl.ds((TILES - 1) * ROWS_PT, LAST_ROWS + 8)])

    plsc.subcore_barrier()

    def wait_gather(buf, sem):
        pltpu.make_async_copy(qr_hbm.at[pl.ds(0, K)], buf, sem).wait()

    def block(b, carry):
        pltpu.sync_copy(src_hbm.at[(c * TILES + t) * NB + b], srcv)
        pltpu.sync_copy(dst_hbm.at[t * NB + b], dstv)

        pltpu.async_copy(qr_hbm.at[srcv.at[0]], gbuf0, sem0)

        def pair(p, carry2):
            wait_gather(gbuf0, sem0)
            pltpu.async_copy(qr_hbm.at[srcv.at[2 * p + 1]], gbuf1, sem1)
            wait_gather(gbuf1, sem1)

            @pl.when(p < IB // 2 - 1)
            def _():
                pltpu.async_copy(qr_hbm.at[srcv.at[2 * p + 2]], gbuf0, sem0)

            return carry2

        return lax.fori_loop(0, IB // 2, pair, carry, unroll=False)

    lax.fori_loop(0, NB, block, 0, unroll=False)

    plsc.subcore_barrier()

    base = t * ROWS_PT

    @pl.when(t < TILES - 1)
    def _():
        pltpu.sync_copy(acc.at[pl.ds(base, ROWS_PT)],
                        out_hbm.at[pl.ds(c * N + base, ROWS_PT)])

    @pl.when(t == TILES - 1)
    def _():
        b = (TILES - 1) * ROWS_PT
        pltpu.sync_copy(acc.at[pl.ds(b, LAST_ROWS)],
                        out_hbm.at[pl.ds(c * N + b, LAST_ROWS)])


@functools.cache
def _sc_scatter_fn():
    return pl.kernel(
        _sc_body,
        out_type=jax.ShapeDtypeStruct((2 * N, D), jnp.float32),
        mesh=plsc.VectorSubcoreMesh(core_axis_name="c", subcore_axis_name="s"),
        scratch_types=[
            pltpu.VMEM((IB, K), jnp.int32),
            pltpu.VMEM((IB, K), jnp.int32),
            pltpu.VMEM((K, D), jnp.float32),
            pltpu.VMEM((K, D), jnp.float32),
            pltpu.VMEM_SHARED((N + 8, D), jnp.float32),
            pltpu.SemaphoreType.DMA,
            pltpu.SemaphoreType.DMA,
        ],
    )


def _sc_scatter(qr, src2, dst3, zeros):
    return _sc_scatter_fn()(qr, src2, dst3, zeros)


def _qr_store(p, qr_ref):
    m = jnp.max(p, axis=0, keepdims=True)
    q = jnp.exp(p - m)
    qr_ref[pl.ds(0, N)] = q
    qr_ref[pl.ds(N, N)] = q * p


def _prep0_body(x_ref, w_ref, b_ref, h_ref, qr_ref):
    h = jnp.dot(x_ref[...], w_ref[...], preferred_element_type=jnp.float32)
    h = h + b_ref[...]
    h_ref[...] = h
    _qr_store(jnp.maximum(h, 0.0) + MSG_EPS, qr_ref)


def _mid_body(first, s_ref, hmsg_ref, hcar_ref, w_ref, b_ref, g_ref, be_ref,
              h_ref, h2_ref, qr_ref):
    s0 = s_ref[pl.ds(0, N)]
    s1 = s_ref[pl.ds(N, N)]
    hmsg = hmsg_ref[...]
    out = s1 / (s0 + 1e-30) + hmsg
    hn = jnp.dot(out, w_ref[...], preferred_element_type=jnp.float32)
    hn = hn + b_ref[...]
    if not first:
        hn = hn + hcar_ref[...]
    h_ref[...] = hn
    mu = jnp.mean(hn, axis=0, keepdims=True)
    var = jnp.mean((hn - mu) * (hn - mu), axis=0, keepdims=True)
    h1 = (hn - mu) * lax.rsqrt(var + BN_EPS) * g_ref[...] + be_ref[...]
    h2 = jnp.maximum(h1, 0.0)
    h2_ref[...] = h2
    _qr_store(h2 + MSG_EPS, qr_ref)


def _final_body(s_ref, hmsg_ref, hcar_ref, w_ref, b_ref, g_ref, be_ref,
                pw_ref, pb_ref, o_ref):
    s0 = s_ref[pl.ds(0, N)]
    s1 = s_ref[pl.ds(N, N)]
    out = s1 / (s0 + 1e-30) + hmsg_ref[...]
    hn = jnp.dot(out, w_ref[...], preferred_element_type=jnp.float32)
    hn = hn + b_ref[...] + hcar_ref[...]
    mu = jnp.mean(hn, axis=0, keepdims=True)
    var = jnp.mean((hn - mu) * (hn - mu), axis=0, keepdims=True)
    h1 = (hn - mu) * lax.rsqrt(var + BN_EPS) * g_ref[...] + be_ref[...]
    hf = jnp.maximum(h1, 0.0)
    logits = jnp.dot(hf, pw_ref[...], preferred_element_type=jnp.float32)
    logits = logits + pb_ref[...]
    mx = jnp.max(logits, axis=1, keepdims=True)
    lse = mx + jnp.log(jnp.sum(jnp.exp(logits - mx), axis=1, keepdims=True))
    o_ref[...] = logits - lse


_f32 = jnp.float32
_nd = jax.ShapeDtypeStruct((N, D), _f32)
_qrd = jax.ShapeDtypeStruct((2 * N, D), _f32)

_prep0 = pl.pallas_call(_prep0_body, out_shape=[_nd, _qrd])
_mid_first = pl.pallas_call(functools.partial(_mid_body, True),
                            out_shape=[_nd, _nd, _qrd])
_mid_rest = pl.pallas_call(functools.partial(_mid_body, False),
                           out_shape=[_nd, _nd, _qrd])
_final = pl.pallas_call(_final_body, out_shape=_nd)


def kernel(x, edge_index, enc_W, enc_b, gcn_W, gcn_b, gamma, beta, pred_W, pred_b):
    src = edge_index[0]
    dst = edge_index[1]
    pad = E_PAD - E
    srcp = jnp.concatenate([src, jnp.zeros((pad,), jnp.int32)])
    srcp = srcp.reshape(TILES * NB, IB, K)
    dst3 = jnp.concatenate([dst, jnp.full((pad,), N, jnp.int32)])
    dst3 = dst3.reshape(TILES * NB, IB, K)
    src2 = jnp.concatenate([srcp, srcp + N], axis=0)
    zeros = jnp.zeros((ROWS_PT + 8, D), _f32)

    row = lambda v: v.reshape(1, D)

    h_enc, qr = _prep0(x, enc_W, row(enc_b))
    s = _sc_scatter(qr, src2, dst3, zeros)
    h, h2, qr = _mid_first(s, h_enc, h_enc, gcn_W[0], row(gcn_b[0]),
                           row(gamma[0]), row(beta[0]))
    for l in (1, 2):
        s = _sc_scatter(qr, src2, dst3, zeros)
        h, h2, qr = _mid_rest(s, h2, h, gcn_W[l], row(gcn_b[l]),
                              row(gamma[l]), row(beta[l]))
    s = _sc_scatter(qr, src2, dst3, zeros)
    return _final(s, h2, h, gcn_W[3], row(gcn_b[3]), row(gamma[3]),
                  row(beta[3]), pred_W, row(pred_b))

# --- scband reference (transcript-rebuilt; emitter-appended) ---
"""Pipeline reference for scband-deeper-gcn-8246337208545 (READ-ONLY COPY).

The authoritative reference and input builder live on the scoring server;
editing this copy changes nothing except your own understanding.
"""

import jax, jax.numpy as jnp
import numpy as np

N = 10000
E = 320000
D_IN = 128
D_H = 128
D_OUT = 128
NUM_LAYERS = 4
MSG_EPS = 1e-7
BN_EPS = 1e-5
T = 1.0


def setup_inputs(seed: int = 0) -> dict:
    key = jax.random.key(seed)
    ks = jax.random.split(key, 16)
    inp = {}
    inp["x"] = jax.random.normal(ks[0], (N, D_IN), dtype=jnp.float32)
    inp["edge_index"] = jax.random.randint(ks[1], (2, E), 0, N, dtype=jnp.int32)
    s_in = 1.0 / np.sqrt(D_IN)
    s_h = 1.0 / np.sqrt(D_H)
    inp["enc_W"] = jax.random.normal(ks[2], (D_IN, D_H), dtype=jnp.float32) * s_in
    inp["enc_b"] = jnp.zeros((D_H,), dtype=jnp.float32)
    inp["gcn_W"] = jax.random.normal(ks[3], (NUM_LAYERS, D_H, D_H), dtype=jnp.float32) * s_h
    inp["gcn_b"] = jnp.zeros((NUM_LAYERS, D_H), dtype=jnp.float32)
    inp["gamma"] = jnp.ones((NUM_LAYERS, D_H), dtype=jnp.float32)
    inp["beta"] = jnp.zeros((NUM_LAYERS, D_H), dtype=jnp.float32)
    inp["pred_W"] = jax.random.normal(ks[4], (D_H, D_OUT), dtype=jnp.float32) * s_h
    inp["pred_b"] = jnp.zeros((D_OUT,), dtype=jnp.float32)
    return inp


def _segment_softmax_sg(m, dst, n):
    # per-feature segment softmax over incoming edges, with stop-gradient (softmax_sg)
    mx = jax.ops.segment_max(m, dst, num_segments=n)
    mx = jnp.where(jnp.isfinite(mx), mx, 0.0)
    ex = jnp.exp(m - mx[dst])
    den = jax.ops.segment_sum(ex, dst, num_segments=n)
    alpha = ex / (den[dst] + 1e-16)
    return jax.lax.stop_gradient(alpha)


def _gen_conv(h, src, dst, W, b, n):
    # GENConv message: relu(x_j) + eps (no edge attr)
    m = jax.nn.relu(h[src]) + MSG_EPS
    alpha = _segment_softmax_sg(m * T, dst, n)
    out = jax.ops.segment_sum(alpha * m, dst, num_segments=n)
    out = out + h  # x_r residual inside GENConv
    return out @ W + b  # mlp_layers=1 -> single Linear


def _bn(h, g, b):
    # BatchNorm1d in training mode (batch statistics over nodes)
    mu = jnp.mean(h, axis=0)
    var = jnp.var(h, axis=0)
    return (h - mu) / jnp.sqrt(var + BN_EPS) * g + b


def reference(x, edge_index, enc_W, enc_b, gcn_W, gcn_b, gamma, beta, pred_W, pred_b):
    src = edge_index[0]
    dst = edge_index[1]
    n = x.shape[0]
    h = x @ enc_W + enc_b
    # block == 'res+'
    h = _gen_conv(h, src, dst, gcn_W[0], gcn_b[0], n)
    for layer in range(1, NUM_LAYERS):
        h1 = _bn(h, gamma[layer - 1], beta[layer - 1])
        h2 = jax.nn.relu(h1)
        # dropout treated as identity (eval-mode reference)
        h = _gen_conv(h2, src, dst, gcn_W[layer], gcn_b[layer], n) + h
    h = jax.nn.relu(_bn(h, gamma[NUM_LAYERS - 1], beta[NUM_LAYERS - 1]))
    h = h @ pred_W + pred_b
    return jax.nn.log_softmax(h, axis=-1)

if __name__ == "__main__":
    import jax
    _d = setup_inputs()
    print(jax.jit(kernel)(*tuple(_d.values())))

</pallas_src>

<mosaic_0001>
#map = affine_map<(d0, d1) -> (0, 0)>
#map1 = affine_map<(d0, d1) -> (0, 0, 0)>
module attributes {stable_mosaic.version = 14 : i64} {
  func.func @_sc_body(%arg0: i32, %arg1: i32, %arg2: memref<20000x128xf32, #tpu.memory_space<hbm>>, %arg3: memref<320x16x128xi32, #tpu.memory_space<hbm>>, %arg4: memref<160x16x128xi32, #tpu.memory_space<hbm>>, %arg5: memref<640x128xf32, #tpu.memory_space<hbm>>, %arg6: memref<20000x128xf32, #tpu.memory_space<hbm>>, %arg7: memref<16x128xi32, #tpu.memory_space<vmem>>, %arg8: memref<16x128xi32, #tpu.memory_space<vmem>>, %arg9: memref<128x128xf32, #tpu.memory_space<vmem>>, %arg10: memref<128x128xf32, #tpu.memory_space<vmem>>, %arg11: memref<10008x128xf32, #tpu.memory_space<vmem_shared>>, %arg12: memref<!tpu.dma_semaphore, #tpu.memory_space<semaphore_mem>>, %arg13: memref<!tpu.dma_semaphore, #tpu.memory_space<semaphore_mem>>) attributes {dimension_semantics = [#tpu.dimension_semantics<core_parallel>, #tpu.dimension_semantics<subcore_parallel>], iteration_bounds = array<i64: 2, 16>, scalar_prefetch = 0 : i64, scratch_operands = 7 : i64, tpu.core_type = #tpu.core_type<sc_vector_subcore>, window_params = [{transform_indices = #map}, {transform_indices = #map1}, {transform_indices = #map1}, {transform_indices = #map}, {transform_indices = #map}]} {
    %lt3A = arith.constant 15 : i32
    %lt3A_0 = arith.cmpi slt, %arg1, %lt3A : i32
    %convert_element_type3A = arith.extui %lt3A_0 : i1 to i32
    %cond3A = arith.constant 0 : i32
    %cond3A_1 = arith.cmpi ne, %convert_element_type3A, %cond3A : i32
    scf.if %cond3A_1 {
      %mul3A_23 = arith.constant 632 : i32
      %mul3A_24 = arith.muli %arg1, %mul3A_23 : i32
      "tpu.region"() ({
        %run_scoped3A = tpu.sem_alloc : memref<!tpu.dma_semaphore, #tpu.memory_space<semaphore_mem>>
        %dma_start3A = arith.constant 0 : i32
        %dma_start3A_25 = tpu.memref_slice %arg11[%mul3A_24, %dma_start3A] : memref<10008x128xf32, #tpu.memory_space<vmem_shared>> -> memref<632x128xf32, #tpu.memory_space<vmem_shared>>
        %dma_start3A_26 = arith.constant 0 : i32
        %dma_start3A_27 = arith.constant 0 : i32
        %dma_start3A_28 = tpu.memref_slice %arg5[%dma_start3A_26, %dma_start3A_27] : memref<640x128xf32, #tpu.memory_space<hbm>> -> memref<632x128xf32, #tpu.memory_space<hbm>>
        tpu.enqueue_dma source(%dma_start3A_28 : memref<632x128xf32, #tpu.memory_space<hbm>>) target(%dma_start3A_25 : memref<632x128xf32, #tpu.memory_space<vmem_shared>>) target_semaphore(%run_scoped3A : memref<!tpu.dma_semaphore, #tpu.memory_space<semaphore_mem>>)
        %dma_wait3A = arith.constant 0 : i32
        %dma_wait3A_29 = tpu.memref_slice %arg11[%mul3A_24, %dma_wait3A] : memref<10008x128xf32, #tpu.memory_space<vmem_shared>> -> memref<632x128xf32, #tpu.memory_space<vmem_shared>>
        %dma_wait3A_30 = arith.constant 0 : i32
        %dma_wait3A_31 = arith.constant 0 : i32
        %dma_wait3A_32 = tpu.memref_slice %arg5[%dma_wait3A_30, %dma_wait3A_31] : memref<640x128xf32, #tpu.memory_space<hbm>> -> memref<632x128xf32, #tpu.memory_space<hbm>>
        tpu.wait_dma2 semaphore(%run_scoped3A : memref<!tpu.dma_semaphore, #tpu.memory_space<semaphore_mem>>) src(%dma_wait3A_32 : memref<632x128xf32, #tpu.memory_space<hbm>>) dst(%dma_wait3A_29 : memref<632x128xf32, #tpu.memory_space<vmem_shared>>)
        tpu.yield
      }) : () -> ()
    } else {
    }
    %eq3A = arith.constant 15 : i32
    %eq3A_2 = arith.cmpi eq, %arg1, %eq3A : i32
    %convert_element_type3A_3 = arith.extui %eq3A_2 : i1 to i32
    %cond3A_4 = arith.constant 0 : i32
    %cond3A_5 = arith.cmpi ne, %convert_element_type3A_3, %cond3A_4 : i32
    scf.if %cond3A_5 {
      "tpu.region"() ({
        %run_scoped3A = tpu.sem_alloc : memref<!tpu.dma_semaphore, #tpu.memory_space<semaphore_mem>>
        %dma_start3A = arith.constant 9480 : i32
        %dma_start3A_23 = arith.constant 0 : i32
        %dma_start3A_24 = tpu.memref_slice %arg11[%dma_start3A, %dma_start3A_23] : memref<10008x128xf32, #tpu.memory_space<vmem_shared>> -> memref<528x128xf32, #tpu.memory_space<vmem_shared>>
        %dma_start3A_25 = arith.constant 0 : i32
        %dma_start3A_26 = arith.constant 0 : i32
        %dma_start3A_27 = tpu.memref_slice %arg5[%dma_start3A_25, %dma_start3A_26] : memref<640x128xf32, #tpu.memory_space<hbm>> -> memref<528x128xf32, #tpu.memory_space<hbm>>
        tpu.enqueue_dma source(%dma_start3A_27 : memref<528x128xf32, #tpu.memory_space<hbm>>) target(%dma_start3A_24 : memref<528x128xf32, #tpu.memory_space<vmem_shared>>) target_semaphore(%run_scoped3A : memref<!tpu.dma_semaphore, #tpu.memory_space<semaphore_mem>>)
        %dma_wait3A = arith.constant 9480 : i32
        %dma_wait3A_28 = arith.constant 0 : i32
        %dma_wait3A_29 = tpu.memref_slice %arg11[%dma_wait3A, %dma_wait3A_28] : memref<10008x128xf32, #tpu.memory_space<vmem_shared>> -> memref<528x128xf32, #tpu.memory_space<vmem_shared>>
        %dma_wait3A_30 = arith.constant 0 : i32
        %dma_wait3A_31 = arith.constant 0 : i32
        %dma_wait3A_32 = tpu.memref_slice %arg5[%dma_wait3A_30, %dma_wait3A_31] : memref<640x128xf32, #tpu.memory_space<hbm>> -> memref<528x128xf32, #tpu.memory_space<hbm>>
        tpu.wait_dma2 semaphore(%run_scoped3A : memref<!tpu.dma_semaphore, #tpu.memory_space<semaphore_mem>>) src(%dma_wait3A_32 : memref<528x128xf32, #tpu.memory_space<hbm>>) dst(%dma_wait3A_29 : memref<528x128xf32, #tpu.memory_space<vmem_shared>>)
        tpu.yield
      }) : () -> ()
    } else {
    }
    %barrier3A = arith.constant 0 : index
    tpu.barrier barrier_id(%barrier3A)
    %scan3A = arith.constant 0 : i32
    %scan3A_6 = arith.constant 0 : i32
    %scan3A_7 = arith.constant 10 : i32
    %scan3A_8 = arith.addi %scan3A_6, %scan3A_7 : i32
    %scan3A_9 = arith.constant 1 : i32
    scf.for %scan3A_23 = %scan3A_6 to %scan3A_8 step %scan3A_9  : i32 {
      %mul3A_24 = arith.constant 16 : i32
      %mul3A_25 = arith.muli %arg0, %mul3A_24 : i32
      %add3A = arith.addi %mul3A_25, %arg1 : i32
      %mul3A_26 = arith.constant 10 : i32
      %mul3A_27 = arith.muli %add3A, %mul3A_26 : i32
      %add3A_28 = arith.addi %mul3A_27, %scan3A_23 : i32
      "tpu.region"() ({
        %run_scoped3A = tpu.sem_alloc : memref<!tpu.dma_semaphore, #tpu.memory_space<semaphore_mem>>
        %dma_start3A_43 = arith.constant 0 : i32
        %dma_start3A_44 = arith.constant 0 : i32
        %dma_start3A_45 = tpu.memref_slice %arg3[%add3A_28, %dma_start3A_43, %dma_start3A_44] : memref<320x16x128xi32, #tpu.memory_space<hbm>> -> memref<1x16x128xi32, #tpu.memory_space<hbm>>
        %dma_start3A_46 = tpu.memref_squeeze %dma_start3A_45 : memref<1x16x128xi32, #tpu.memory_space<hbm>> -> memref<16x128xi32, #tpu.memory_space<hbm>>
        %dma_start3A_47 = arith.constant 0 : i32
        %dma_start3A_48 = arith.constant 0 : i32
        %dma_start3A_49 = tpu.memref_slice %arg3[%add3A_28, %dma_start3A_47, %dma_start3A_48] : memref<320x16x128xi32, #tpu.memory_space<hbm>> -> memref<1x16x128xi32, #tpu.memory_space<hbm>>
        %dma_start3A_50 = tpu.memref_squeeze %dma_start3A_49 : memref<1x16x128xi32, #tpu.memory_space<hbm>> -> memref<16x128xi32, #tpu.memory_space<hbm>>
        tpu.enqueue_dma source(%dma_start3A_50 : memref<16x128xi32, #tpu.memory_space<hbm>>) target(%arg7 : memref<16x128xi32, #tpu.memory_space<vmem>>) target_semaphore(%run_scoped3A : memref<!tpu.dma_semaphore, #tpu.memory_space<semaphore_mem>>)
        %dma_wait3A = arith.constant 0 : i32
        %dma_wait3A_51 = arith.constant 0 : i32
        %dma_wait3A_52 = tpu.memref_slice %arg3[%add3A_28, %dma_wait3A, %dma_wait3A_51] : memref<320x16x128xi32, #tpu.memory_space<hbm>> -> memref<1x16x128xi32, #tpu.memory_space<hbm>>
        %dma_wait3A_53 = tpu.memref_squeeze %dma_wait3A_52 : memref<1x16x128xi32, #tpu.memory_space<hbm>> -> memref<16x128xi32, #tpu.memory_space<hbm>>
        %dma_wait3A_54 = arith.constant 0 : i32
        %dma_wait3A_55 = arith.constant 0 : i32
        %dma_wait3A_56 = tpu.memref_slice %arg3[%add3A_28, %dma_wait3A_54, %dma_wait3A_55] : memref<320x16x128xi32, #tpu.memory_space<hbm>> -> memref<1x16x128xi32, #tpu.memory_space<hbm>>
        %dma_wait3A_57 = tpu.memref_squeeze %dma_wait3A_56 : memref<1x16x128xi32, #tpu.memory_space<hbm>> -> memref<16x128xi32, #tpu.memory_space<hbm>>
        tpu.wait_dma2 semaphore(%run_scoped3A : memref<!tpu.dma_semaphore, #tpu.memory_space<semaphore_mem>>) src(%dma_wait3A_57 : memref<16x128xi32, #tpu.memory_space<hbm>>) dst(%arg7 : memref<16x128xi32, #tpu.memory_space<vmem>>)
        tpu.yield
      }) : () -> ()
      %mul3A_29 = arith.constant 10 : i32
      %mul3A_30 = arith.muli %arg1, %mul3A_29 : i32
      %add3A_31 = arith.addi %mul3A_30, %scan3A_23 : i32
      "tpu.region"() ({
        %run_scoped3A = tpu.sem_alloc : memref<!tpu.dma_semaphore, #tpu.memory_space<semaphore_mem>>
        %dma_start3A_43 = arith.constant 0 : i32
        %dma_start3A_44 = arith.constant 0 : i32
        %dma_start3A_45 = tpu.memref_slice %arg4[%add3A_31, %dma_start3A_43, %dma_start3A_44] : memref<160x16x128xi32, #tpu.memory_space<hbm>> -> memref<1x16x128xi32, #tpu.memory_space<hbm>>
        %dma_start3A_46 = tpu.memref_squeeze %dma_start3A_45 : memref<1x16x128xi32, #tpu.memory_space<hbm>> -> memref<16x128xi32, #tpu.memory_space<hbm>>
        %dma_start3A_47 = arith.constant 0 : i32
        %dma_start3A_48 = arith.constant 0 : i32
        %dma_start3A_49 = tpu.memref_slice %arg4[%add3A_31, %dma_start3A_47, %dma_start3A_48] : memref<160x16x128xi32, #tpu.memory_space<hbm>> -> memref<1x16x128xi32, #tpu.memory_space<hbm>>
        %dma_start3A_50 = tpu.memref_squeeze %dma_start3A_49 : memref<1x16x128xi32, #tpu.memory_space<hbm>> -> memref<16x128xi32, #tpu.memory_space<hbm>>
        tpu.enqueue_dma source(%dma_start3A_50 : memref<16x128xi32, #tpu.memory_space<hbm>>) target(%arg8 : memref<16x128xi32, #tpu.memory_space<vmem>>) target_semaphore(%run_scoped3A : memref<!tpu.dma_semaphore, #tpu.memory_space<semaphore_mem>>)
        %dma_wait3A = arith.constant 0 : i32
        %dma_wait3A_51 = arith.constant 0 : i32
        %dma_wait3A_52 = tpu.memref_slice %arg4[%add3A_31, %dma_wait3A, %dma_wait3A_51] : memref<160x16x128xi32, #tpu.memory_space<hbm>> -> memref<1x16x128xi32, #tpu.memory_space<hbm>>
        %dma_wait3A_53 = tpu.memref_squeeze %dma_wait3A_52 : memref<1x16x128xi32, #tpu.memory_space<hbm>> -> memref<16x128xi32, #tpu.memory_space<hbm>>
        %dma_wait3A_54 = arith.constant 0 : i32
        %dma_wait3A_55 = arith.constant 0 : i32
        %dma_wait3A_56 = tpu.memref_slice %arg4[%add3A_31, %dma_wait3A_54, %dma_wait3A_55] : memref<160x16x128xi32, #tpu.memory_space<hbm>> -> memref<1x16x128xi32, #tpu.memory_space<hbm>>
        %dma_wait3A_57 = tpu.memref_squeeze %dma_wait3A_56 : memref<1x16x128xi32, #tpu.memory_space<hbm>> -> memref<16x128xi32, #tpu.memory_space<hbm>>
        tpu.wait_dma2 semaphore(%run_scoped3A : memref<!tpu.dma_semaphore, #tpu.memory_space<semaphore_mem>>) src(%dma_wait3A_57 : memref<16x128xi32, #tpu.memory_space<hbm>>) dst(%arg8 : memref<16x128xi32, #tpu.memory_space<vmem>>)
        tpu.yield
      }) : () -> ()
      %dma_start3A = arith.constant 0 : i32
      %dma_start3A_32 = arith.constant 0 : i32
      %dma_start3A_33 = tpu.memref_slice %arg7[%dma_start3A, %dma_start3A_32] : memref<16x128xi32, #tpu.memory_space<vmem>> -> memref<1x128xi32, #tpu.memory_space<vmem>>
      %dma_start3A_34 = tpu.memref_squeeze %dma_start3A_33 : memref<1x128xi32, #tpu.memory_space<vmem>> -> memref<128xi32, #tpu.memory_space<vmem>>
      %dma_start3A_35 = arith.constant 0 : i32
      %dma_start3A_36 = arith.constant 0 : i32
      %dma_start3A_37 = tpu.memref_slice %arg2[%dma_start3A_35, %dma_start3A_36] : memref<20000x128xf32, #tpu.memory_space<hbm>> -> memref<20000x128xf32, #tpu.memory_space<hbm>>
      tpu.enqueue_indirect_dma source(%dma_start3A_37 : memref<20000x128xf32, #tpu.memory_space<hbm>>) target(%arg9 : memref<128x128xf32, #tpu.memory_space<vmem>>) offsets(%dma_start3A_34 : memref<128xi32, #tpu.memory_space<vmem>>) semaphore(%arg12 : memref<!tpu.dma_semaphore, #tpu.memory_space<semaphore_mem>>)
      %scan3A_38 = arith.constant 0 : i32
      %scan3A_39 = arith.constant 8 : i32
      %scan3A_40 = arith.addi %scan3A_38, %scan3A_39 : i32
      %scan3A_41 = arith.constant 1 : i32
      scf.for %scan3A_43 = %scan3A_38 to %scan3A_40 step %scan3A_41  : i32 {
        %dma_wait3A = arith.constant 0 : i32
        %dma_wait3A_44 = arith.constant 0 : i32
        %dma_wait3A_45 = tpu.memref_slice %arg2[%dma_wait3A, %dma_wait3A_44] : memref<20000x128xf32, #tpu.memory_space<hbm>> -> memref<128x128xf32, #tpu.memory_space<hbm>>
        %dma_wait3A_46 = arith.constant 0 : i32
        %dma_wait3A_47 = arith.constant 0 : i32
        %dma_wait3A_48 = tpu.memref_slice %arg2[%dma_wait3A_46, %dma_wait3A_47] : memref<20000x128xf32, #tpu.memory_space<hbm>> -> memref<128x128xf32, #tpu.memory_space<hbm>>
        tpu.wait_dma2 semaphore(%arg12 : memref<!tpu.dma_semaphore, #tpu.memory_space<semaphore_mem>>) src(%dma_wait3A_48 : memref<128x128xf32, #tpu.memory_space<hbm>>) dst(%arg9 : memref<128x128xf32, #tpu.memory_space<vmem>>)
        %mul3A_49 = arith.constant 2 : i32
        %mul3A_50 = arith.muli %mul3A_49, %scan3A_43 : i32
        %add3A_51 = arith.constant 1 : i32
        %add3A_52 = arith.addi %mul3A_50, %add3A_51 : i32
        %dma_start3A_53 = arith.constant 0 : i32
        %dma_start3A_54 = tpu.memref_slice %arg7[%add3A_52, %dma_start3A_53] : memref<16x128xi32, #tpu.memory_space<vmem>> -> memref<1x128xi32, #tpu.memory_space<vmem>>
        %dma_start3A_55 = tpu.memref_squeeze %dma_start3A_54 : memref<1x128xi32, #tpu.memory_space<vmem>> -> memref<128xi32, #tpu.memory_space<vmem>>
        %dma_start3A_56 = arith.constant 0 : i32
        %dma_start3A_57 = arith.constant 0 : i32
        %dma_start3A_58 = tpu.memref_slice %arg2[%dma_start3A_56, %dma_start3A_57] : memref<20000x128xf32, #tpu.memory_space<hbm>> -> memref<20000x128xf32, #tpu.memory_space<hbm>>
        tpu.enqueue_indirect_dma source(%dma_start3A_58 : memref<20000x128xf32, #tpu.memory_space<hbm>>) target(%arg10 : memref<128x128xf32, #tpu.memory_space<vmem>>) offsets(%dma_start3A_55 : memref<128xi32, #tpu.memory_space<vmem>>) semaphore(%arg13 : memref<!tpu.dma_semaphore, #tpu.memory_space<semaphore_mem>>)
        %dma_wait3A_59 = arith.constant 0 : i32
        %dma_wait3A_60 = arith.constant 0 : i32
        %dma_wait3A_61 = tpu.memref_slice %arg2[%dma_wait3A_59, %dma_wait3A_60] : memref<20000x128xf32, #tpu.memory_space<hbm>> -> memref<128x128xf32, #tpu.memory_space<hbm>>
        %dma_wait3A_62 = arith.constant 0 : i32
        %dma_wait3A_63 = arith.constant 0 : i32
        %dma_wait3A_64 = tpu.memref_slice %arg2[%dma_wait3A_62, %dma_wait3A_63] : memref<20000x128xf32, #tpu.memory_space<hbm>> -> memref<128x128xf32, #tpu.memory_space<hbm>>
        tpu.wait_dma2 semaphore(%arg13 : memref<!tpu.dma_semaphore, #tpu.memory_space<semaphore_mem>>) src(%dma_wait3A_64 : memref<128x128xf32, #tpu.memory_space<hbm>>) dst(%arg10 : memref<128x128xf32, #tpu.memory_space<vmem>>)
        %lt3A_65 = arith.constant 7 : i32
        %lt3A_66 = arith.cmpi slt, %scan3A_43, %lt3A_65 : i32
        %convert_element_type3A_67 = arith.extui %lt3A_66 : i1 to i32
        %cond3A_68 = arith.constant 0 : i32
        %cond3A_69 = arith.cmpi ne, %convert_element_type3A_67, %cond3A_68 : i32
        scf.if %cond3A_69 {
          %mul3A_70 = arith.constant 2 : i32
          %mul3A_71 = arith.muli %mul3A_70, %scan3A_43 : i32
          %add3A_72 = arith.constant 2 : i32
          %add3A_73 = arith.addi %mul3A_71, %add3A_72 : i32
          %dma_start3A_74 = arith.constant 0 : i32
          %dma_start3A_75 = tpu.memref_slice %arg7[%add3A_73, %dma_start3A_74] : memref<16x128xi32, #tpu.memory_space<vmem>> -> memref<1x128xi32, #tpu.memory_space<vmem>>
          %dma_start3A_76 = tpu.memref_squeeze %dma_start3A_75 : memref<1x128xi32, #tpu.memory_space<vmem>> -> memref<128xi32, #tpu.memory_space<vmem>>
          %dma_start3A_77 = arith.constant 0 : i32
          %dma_start3A_78 = arith.constant 0 : i32
          %dma_start3A_79 = tpu.memref_slice %arg2[%dma_start3A_77, %dma_start3A_78] : memref<20000x128xf32, #tpu.memory_space<hbm>> -> memref<20000x128xf32, #tpu.memory_space<hbm>>
          tpu.enqueue_indirect_dma source(%dma_start3A_79 : memref<20000x128xf32, #tpu.memory_space<hbm>>) target(%arg9 : memref<128x128xf32, #tpu.memory_space<vmem>>) offsets(%dma_start3A_76 : memref<128xi32, #tpu.memory_space<vmem>>) semaphore(%arg12 : memref<!tpu.dma_semaphore, #tpu.memory_space<semaphore_mem>>)
        } else {
        }
      }
      %scan3A_42 = arith.constant 8 : i32
    }
    %scan3A_10 = arith.constant 10 : i32
    %barrier3A_11 = arith.constant 0 : index
    tpu.barrier barrier_id(%barrier3A_11)
    %mul3A = arith.constant 632 : i32
    %mul3A_12 = arith.muli %arg1, %mul3A : i32
    %lt3A_13 = arith.constant 15 : i32
    %lt3A_14 = arith.cmpi slt, %arg1, %lt3A_13 : i32
    %convert_element_type3A_15 = arith.extui %lt3A_14 : i1 to i32
    %cond3A_16 = arith.constant 0 : i32
    %cond3A_17 = arith.cmpi ne, %convert_element_type3A_15, %cond3A_16 : i32
    scf.if %cond3A_17 {
      %mul3A_23 = arith.constant 10000 : i32
      %mul3A_24 = arith.muli %arg0, %mul3A_23 : i32
      %add3A = arith.addi %mul3A_24, %mul3A_12 : i32
      "tpu.region"() ({
        %run_scoped3A = tpu.sem_alloc : memref<!tpu.dma_semaphore, #tpu.memory_space<semaphore_mem>>
        %dma_start3A = arith.constant 0 : i32
        %dma_start3A_25 = tpu.memref_slice %arg6[%add3A, %dma_start3A] : memref<20000x128xf32, #tpu.memory_space<hbm>> -> memref<632x128xf32, #tpu.memory_space<hbm>>
        %dma_start3A_26 = arith.constant 0 : i32
        %dma_start3A_27 = tpu.memref_slice %arg11[%mul3A_12, %dma_start3A_26] : memref<10008x128xf32, #tpu.memory_space<vmem_shared>> -> memref<632x128xf32, #tpu.memory_space<vmem_shared>>
        tpu.enqueue_dma source(%dma_start3A_27 : memref<632x128xf32, #tpu.memory_space<vmem_shared>>) target(%dma_start3A_25 : memref<632x128xf32, #tpu.memory_space<hbm>>) target_semaphore(%run_scoped3A : memref<!tpu.dma_semaphore, #tpu.memory_space<semaphore_mem>>)
        %dma_wait3A = arith.constant 0 : i32
        %dma_wait3A_28 = tpu.memref_slice %arg6[%add3A, %dma_wait3A] : memref<20000x128xf32, #tpu.memory_space<hbm>> -> memref<632x128xf32, #tpu.memory_space<hbm>>
        %dma_wait3A_29 = arith.constant 0 : i32
        %dma_wait3A_30 = tpu.memref_slice %arg11[%mul3A_12, %dma_wait3A_29] : memref<10008x128xf32, #tpu.memory_space<vmem_shared>> -> memref<632x128xf32, #tpu.memory_space<vmem_shared>>
        tpu.wait_dma2 semaphore(%run_scoped3A : memref<!tpu.dma_semaphore, #tpu.memory_space<semaphore_mem>>) src(%dma_wait3A_30 : memref<632x128xf32, #tpu.memory_space<vmem_shared>>) dst(%dma_wait3A_28 : memref<632x128xf32, #tpu.memory_space<hbm>>)
        tpu.yield
      }) : () -> ()
    } else {
    }
    %eq3A_18 = arith.constant 15 : i32
    %eq3A_19 = arith.cmpi eq, %arg1, %eq3A_18 : i32
    %convert_element_type3A_20 = arith.extui %eq3A_19 : i1 to i32
    %cond3A_21 = arith.constant 0 : i32
    %cond3A_22 = arith.cmpi ne, %convert_element_type3A_20, %cond3A_21 : i32
    scf.if %cond3A_22 {
      %mul3A_23 = arith.constant 10000 : i32
      %mul3A_24 = arith.muli %arg0, %mul3A_23 : i32
      %add3A = arith.constant 9480 : i32
      %add3A_25 = arith.addi %mul3A_24, %add3A : i32
      "tpu.region"() ({
        %run_scoped3A = tpu.sem_alloc : memref<!tpu.dma_semaphore, #tpu.memory_space<semaphore_mem>>
        %dma_start3A = arith.constant 0 : i32
        %dma_start3A_26 = tpu.memref_slice %arg6[%add3A_25, %dma_start3A] : memref<20000x128xf32, #tpu.memory_space<hbm>> -> memref<520x128xf32, #tpu.memory_space<hbm>>
        %dma_start3A_27 = arith.constant 9480 : i32
        %dma_start3A_28 = arith.constant 0 : i32
        %dma_start3A_29 = tpu.memref_slice %arg11[%dma_start3A_27, %dma_start3A_28] : memref<10008x128xf32, #tpu.memory_space<vmem_shared>> -> memref<520x128xf32, #tpu.memory_space<vmem_shared>>
        tpu.enqueue_dma source(%dma_start3A_29 : memref<520x128xf32, #tpu.memory_space<vmem_shared>>) target(%dma_start3A_26 : memref<520x128xf32, #tpu.memory_space<hbm>>) target_semaphore(%run_scoped3A : memref<!tpu.dma_semaphore, #tpu.memory_space<semaphore_mem>>)
        %dma_wait3A = arith.constant 0 : i32
        %dma_wait3A_30 = tpu.memref_slice %arg6[%add3A_25, %dma_wait3A] : memref<20000x128xf32, #tpu.memory_space<hbm>> -> memref<520x128xf32, #tpu.memory_space<hbm>>
        %dma_wait3A_31 = arith.constant 9480 : i32
        %dma_wait3A_32 = arith.constant 0 : i32
        %dma_wait3A_33 = tpu.memref_slice %arg11[%dma_wait3A_31, %dma_wait3A_32] : memref<10008x128xf32, #tpu.memory_space<vmem_shared>> -> memref<520x128xf32, #tpu.memory_space<vmem_shared>>
        tpu.wait_dma2 semaphore(%run_scoped3A : memref<!tpu.dma_semaphore, #tpu.memory_space<semaphore_mem>>) src(%dma_wait3A_33 : memref<520x128xf32, #tpu.memory_space<vmem_shared>>) dst(%dma_wait3A_30 : memref<520x128xf32, #tpu.memory_space<hbm>>)
        tpu.yield
      }) : () -> ()
    } else {
    }
    return
  }
}

#map = affine_map<(d0, d1) -> (0, 0)>
#map1 = affine_map<(d0, d1) -> (0, 0, 0)>
module attributes {stable_mosaic.version = 14 : i64} {
  func.func @_sc_body(%arg0: i32, %arg1: i32, %arg2: memref<20000x128xf32, #tpu.memory_space<hbm>>, %arg3: memref<320x16x128xi32, #tpu.memory_space<hbm>>, %arg4: memref<160x16x128xi32, #tpu.memory_space<hbm>>, %arg5: memref<640x128xf32, #tpu.memory_space<hbm>>, %arg6: memref<20000x128xf32, #tpu.memory_space<hbm>>, %arg7: memref<16x128xi32, #tpu.memory_space<vmem>>, %arg8: memref<16x128xi32, #tpu.memory_space<vmem>>, %arg9: memref<128x128xf32, #tpu.memory_space<vmem>>, %arg10: memref<128x128xf32, #tpu.memory_space<vmem>>, %arg11: memref<10008x128xf32, #tpu.memory_space<vmem_shared>>, %arg12: memref<!tpu.dma_semaphore, #tpu.memory_space<semaphore_mem>>, %arg13: memref<!tpu.dma_semaphore, #tpu.memory_space<semaphore_mem>>) attributes {dimension_semantics = [#tpu.dimension_semantics<core_parallel>, #tpu.dimension_semantics<subcore_parallel>], iteration_bounds = array<i64: 2, 16>, scalar_prefetch = 0 : i64, scratch_operands = 7 : i64, tpu.core_type = #tpu.core_type<sc_vector_subcore>, window_params = [{transform_indices = #map}, {transform_indices = #map1}, {transform_indices = #map1}, {transform_indices = #map}, {transform_indices = #map}]} {
    %lt3A = arith.constant 15 : i32
    %lt3A_0 = arith.cmpi slt, %arg1, %lt3A : i32
    %convert_element_type3A = arith.extui %lt3A_0 : i1 to i32
    %cond3A = arith.constant 0 : i32
    %cond3A_1 = arith.cmpi ne, %convert_element_type3A, %cond3A : i32
    scf.if %cond3A_1 {
      %mul3A_23 = arith.constant 632 : i32
      %mul3A_24 = arith.muli %arg1, %mul3A_23 : i32
      "tpu.region"() ({
        %run_scoped3A = tpu.sem_alloc : memref<!tpu.dma_semaphore, #tpu.memory_space<semaphore_mem>>
        %dma_start3A = arith.constant 0 : i32
        %dma_start3A_25 = tpu.memref_slice %arg11[%mul3A_24, %dma_start3A] : memref<10008x128xf32, #tpu.memory_space<vmem_shared>> -> memref<632x128xf32, #tpu.memory_space<vmem_shared>>
        %dma_start3A_26 = arith.constant 0 : i32
        %dma_start3A_27 = arith.constant 0 : i32
        %dma_start3A_28 = tpu.memref_slice %arg5[%dma_start3A_26, %dma_start3A_27] : memref<640x128xf32, #tpu.memory_space<hbm>> -> memref<632x128xf32, #tpu.memory_space<hbm>>
        tpu.enqueue_dma source(%dma_start3A_28 : memref<632x128xf32, #tpu.memory_space<hbm>>) target(%dma_start3A_25 : memref<632x128xf32, #tpu.memory_space<vmem_shared>>) target_semaphore(%run_scoped3A : memref<!tpu.dma_semaphore, #tpu.memory_space<semaphore_mem>>)
        %dma_wait3A = arith.constant 0 : i32
        %dma_wait3A_29 = tpu.memref_slice %arg11[%mul3A_24, %dma_wait3A] : memref<10008x128xf32, #tpu.memory_space<vmem_shared>> -> memref<632x128xf32, #tpu.memory_space<vmem_shared>>
        %dma_wait3A_30 = arith.constant 0 : i32
        %dma_wait3A_31 = arith.constant 0 : i32
        %dma_wait3A_32 = tpu.memref_slice %arg5[%dma_wait3A_30, %dma_wait3A_31] : memref<640x128xf32, #tpu.memory_space<hbm>> -> memref<632x128xf32, #tpu.memory_space<hbm>>
        tpu.wait_dma2 semaphore(%run_scoped3A : memref<!tpu.dma_semaphore, #tpu.memory_space<semaphore_mem>>) src(%dma_wait3A_32 : memref<632x128xf32, #tpu.memory_space<hbm>>) dst(%dma_wait3A_29 : memref<632x128xf32, #tpu.memory_space<vmem_shared>>)
        tpu.yield
      }) : () -> ()
    } else {
    }
    %eq3A = arith.constant 15 : i32
    %eq3A_2 = arith.cmpi eq, %arg1, %eq3A : i32
    %convert_element_type3A_3 = arith.extui %eq3A_2 : i1 to i32
    %cond3A_4 = arith.constant 0 : i32
    %cond3A_5 = arith.cmpi ne, %convert_element_type3A_3, %cond3A_4 : i32
    scf.if %cond3A_5 {
      "tpu.region"() ({
        %run_scoped3A = tpu.sem_alloc : memref<!tpu.dma_semaphore, #tpu.memory_space<semaphore_mem>>
        %dma_start3A = arith.constant 9480 : i32
        %dma_start3A_23 = arith.constant 0 : i32
        %dma_start3A_24 = tpu.memref_slice %arg11[%dma_start3A, %dma_start3A_23] : memref<10008x128xf32, #tpu.memory_space<vmem_shared>> -> memref<528x128xf32, #tpu.memory_space<vmem_shared>>
        %dma_start3A_25 = arith.constant 0 : i32
        %dma_start3A_26 = arith.constant 0 : i32
        %dma_start3A_27 = tpu.memref_slice %arg5[%dma_start3A_25, %dma_start3A_26] : memref<640x128xf32, #tpu.memory_space<hbm>> -> memref<528x128xf32, #tpu.memory_space<hbm>>
        tpu.enqueue_dma source(%dma_start3A_27 : memref<528x128xf32, #tpu.memory_space<hbm>>) target(%dma_start3A_24 : memref<528x128xf32, #tpu.memory_space<vmem_shared>>) target_semaphore(%run_scoped3A : memref<!tpu.dma_semaphore, #tpu.memory_space<semaphore_mem>>)
        %dma_wait3A = arith.constant 9480 : i32
        %dma_wait3A_28 = arith.constant 0 : i32
        %dma_wait3A_29 = tpu.memref_slice %arg11[%dma_wait3A, %dma_wait3A_28] : memref<10008x128xf32, #tpu.memory_space<vmem_shared>> -> memref<528x128xf32, #tpu.memory_space<vmem_shared>>
        %dma_wait3A_30 = arith.constant 0 : i32
        %dma_wait3A_31 = arith.constant 0 : i32
        %dma_wait3A_32 = tpu.memref_slice %arg5[%dma_wait3A_30, %dma_wait3A_31] : memref<640x128xf32, #tpu.memory_space<hbm>> -> memref<528x128xf32, #tpu.memory_space<hbm>>
        tpu.wait_dma2 semaphore(%run_scoped3A : memref<!tpu.dma_semaphore, #tpu.memory_space<semaphore_mem>>) src(%dma_wait3A_32 : memref<528x128xf32, #tpu.memory_space<hbm>>) dst(%dma_wait3A_29 : memref<528x128xf32, #tpu.memory_space<vmem_shared>>)
        tpu.yield
      }) : () -> ()
    } else {
    }
    %barrier3A = arith.constant 0 : index
    tpu.barrier barrier_id(%barrier3A)
    %scan3A = arith.constant 0 : i32
    %scan3A_6 = arith.constant 0 : i32
    %scan3A_7 = arith.constant 10 : i32
    %scan3A_8 = arith.addi %scan3A_6, %scan3A_7 : i32
    %scan3A_9 = arith.constant 1 : i32
    scf.for %scan3A_23 = %scan3A_6 to %scan3A_8 step %scan3A_9  : i32 {
      %mul3A_24 = arith.constant 16 : i32
      %mul3A_25 = arith.muli %arg0, %mul3A_24 : i32
      %add3A = arith.addi %mul3A_25, %arg1 : i32
      %mul3A_26 = arith.constant 10 : i32
      %mul3A_27 = arith.muli %add3A, %mul3A_26 : i32
      %add3A_28 = arith.addi %mul3A_27, %scan3A_23 : i32
      "tpu.region"() ({
        %run_scoped3A = tpu.sem_alloc : memref<!tpu.dma_semaphore, #tpu.memory_space<semaphore_mem>>
        %dma_start3A_43 = arith.constant 0 : i32
        %dma_start3A_44 = arith.constant 0 : i32
        %dma_start3A_45 = tpu.memref_slice %arg3[%add3A_28, %dma_start3A_43, %dma_start3A_44] : memref<320x16x128xi32, #tpu.memory_space<hbm>> -> memref<1x16x128xi32, #tpu.memory_space<hbm>>
        %dma_start3A_46 = tpu.memref_squeeze %dma_start3A_45 : memref<1x16x128xi32, #tpu.memory_space<hbm>> -> memref<16x128xi32, #tpu.memory_space<hbm>>
        %dma_start3A_47 = arith.constant 0 : i32
        %dma_start3A_48 = arith.constant 0 : i32
        %dma_start3A_49 = tpu.memref_slice %arg3[%add3A_28, %dma_start3A_47, %dma_start3A_48] : memref<320x16x128xi32, #tpu.memory_space<hbm>> -> memref<1x16x128xi32, #tpu.memory_space<hbm>>
        %dma_start3A_50 = tpu.memref_squeeze %dma_start3A_49 : memref<1x16x128xi32, #tpu.memory_space<hbm>> -> memref<16x128xi32, #tpu.memory_space<hbm>>
        tpu.enqueue_dma source(%dma_start3A_50 : memref<16x128xi32, #tpu.memory_space<hbm>>) target(%arg7 : memref<16x128xi32, #tpu.memory_space<vmem>>) target_semaphore(%run_scoped3A : memref<!tpu.dma_semaphore, #tpu.memory_space<semaphore_mem>>)
        %dma_wait3A = arith.constant 0 : i32
        %dma_wait3A_51 = arith.constant 0 : i32
        %dma_wait3A_52 = tpu.memref_slice %arg3[%add3A_28, %dma_wait3A, %dma_wait3A_51] : memref<320x16x128xi32, #tpu.memory_space<hbm>> -> memref<1x16x128xi32, #tpu.memory_space<hbm>>
        %dma_wait3A_53 = tpu.memref_squeeze %dma_wait3A_52 : memref<1x16x128xi32, #tpu.memory_space<hbm>> -> memref<16x128xi32, #tpu.memory_space<hbm>>
        %dma_wait3A_54 = arith.constant 0 : i32
        %dma_wait3A_55 = arith.constant 0 : i32
        %dma_wait3A_56 = tpu.memref_slice %arg3[%add3A_28, %dma_wait3A_54, %dma_wait3A_55] : memref<320x16x128xi32, #tpu.memory_space<hbm>> -> memref<1x16x128xi32, #tpu.memory_space<hbm>>
        %dma_wait3A_57 = tpu.memref_squeeze %dma_wait3A_56 : memref<1x16x128xi32, #tpu.memory_space<hbm>> -> memref<16x128xi32, #tpu.memory_space<hbm>>
        tpu.wait_dma2 semaphore(%run_scoped3A : memref<!tpu.dma_semaphore, #tpu.memory_space<semaphore_mem>>) src(%dma_wait3A_57 : memref<16x128xi32, #tpu.memory_space<hbm>>) dst(%arg7 : memref<16x128xi32, #tpu.memory_space<vmem>>)
        tpu.yield
      }) : () -> ()
      %mul3A_29 = arith.constant 10 : i32
      %mul3A_30 = arith.muli %arg1, %mul3A_29 : i32
      %add3A_31 = arith.addi %mul3A_30, %scan3A_23 : i32
      "tpu.region"() ({
        %run_scoped3A = tpu.sem_alloc : memref<!tpu.dma_semaphore, #tpu.memory_space<semaphore_mem>>
        %dma_start3A_43 = arith.constant 0 : i32
        %dma_start3A_44 = arith.constant 0 : i32
        %dma_start3A_45 = tpu.memref_slice %arg4[%add3A_31, %dma_start3A_43, %dma_start3A_44] : memref<160x16x128xi32, #tpu.memory_space<hbm>> -> memref<1x16x128xi32, #tpu.memory_space<hbm>>
        %dma_start3A_46 = tpu.memref_squeeze %dma_start3A_45 : memref<1x16x128xi32, #tpu.memory_space<hbm>> -> memref<16x128xi32, #tpu.memory_space<hbm>>
        %dma_start3A_47 = arith.constant 0 : i32
        %dma_start3A_48 = arith.constant 0 : i32
        %dma_start3A_49 = tpu.memref_slice %arg4[%add3A_31, %dma_start3A_47, %dma_start3A_48] : memref<160x16x128xi32, #tpu.memory_space<hbm>> -> memref<1x16x128xi32, #tpu.memory_space<hbm>>
        %dma_start3A_50 = tpu.memref_squeeze %dma_start3A_49 : memref<1x16x128xi32, #tpu.memory_space<hbm>> -> memref<16x128xi32, #tpu.memory_space<hbm>>
        tpu.enqueue_dma source(%dma_start3A_50 : memref<16x128xi32, #tpu.memory_space<hbm>>) target(%arg8 : memref<16x128xi32, #tpu.memory_space<vmem>>) target_semaphore(%run_scoped3A : memref<!tpu.dma_semaphore, #tpu.memory_space<semaphore_mem>>)
        %dma_wait3A = arith.constant 0 : i32
        %dma_wait3A_51 = arith.constant 0 : i32
        %dma_wait3A_52 = tpu.memref_slice %arg4[%add3A_31, %dma_wait3A, %dma_wait3A_51] : memref<160x16x128xi32, #tpu.memory_space<hbm>> -> memref<1x16x128xi32, #tpu.memory_space<hbm>>
        %dma_wait3A_53 = tpu.memref_squeeze %dma_wait3A_52 : memref<1x16x128xi32, #tpu.memory_space<hbm>> -> memref<16x128xi32, #tpu.memory_space<hbm>>
        %dma_wait3A_54 = arith.constant 0 : i32
        %dma_wait3A_55 = arith.constant 0 : i32
        %dma_wait3A_56 = tpu.memref_slice %arg4[%add3A_31, %dma_wait3A_54, %dma_wait3A_55] : memref<160x16x128xi32, #tpu.memory_space<hbm>> -> memref<1x16x128xi32, #tpu.memory_space<hbm>>
        %dma_wait3A_57 = tpu.memref_squeeze %dma_wait3A_56 : memref<1x16x128xi32, #tpu.memory_space<hbm>> -> memref<16x128xi32, #tpu.memory_space<hbm>>
        tpu.wait_dma2 semaphore(%run_scoped3A : memref<!tpu.dma_semaphore, #tpu.memory_space<semaphore_mem>>) src(%dma_wait3A_57 : memref<16x128xi32, #tpu.memory_space<hbm>>) dst(%arg8 : memref<16x128xi32, #tpu.memory_space<vmem>>)
        tpu.yield
      }) : () -> ()
      %dma_start3A = arith.constant 0 : i32
      %dma_start3A_32 = arith.constant 0 : i32
      %dma_start3A_33 = tpu.memref_slice %arg7[%dma_start3A, %dma_start3A_32] : memref<16x128xi32, #tpu.memory_space<vmem>> -> memref<1x128xi32, #tpu.memory_space<vmem>>
      %dma_start3A_34 = tpu.memref_squeeze %dma_start3A_33 : memref<1x128xi32, #tpu.memory_space<vmem>> -> memref<128xi32, #tpu.memory_space<vmem>>
      %dma_start3A_35 = arith.constant 0 : i32
      %dma_start3A_36 = arith.constant 0 : i32
      %dma_start3A_37 = tpu.memref_slice %arg2[%dma_start3A_35, %dma_start3A_36] : memref<20000x128xf32, #tpu.memory_space<hbm>> -> memref<20000x128xf32, #tpu.memory_space<hbm>>
      tpu.enqueue_indirect_dma source(%dma_start3A_37 : memref<20000x128xf32, #tpu.memory_space<hbm>>) target(%arg9 : memref<128x128xf32, #tpu.memory_space<vmem>>) offsets(%dma_start3A_34 : memref<128xi32, #tpu.memory_space<vmem>>) semaphore(%arg12 : memref<!tpu.dma_semaphore, #tpu.memory_space<semaphore_mem>>)
      %scan3A_38 = arith.constant 0 : i32
      %scan3A_39 = arith.constant 8 : i32
      %scan3A_40 = arith.addi %scan3A_38, %scan3A_39 : i32
      %scan3A_41 = arith.constant 1 : i32
      scf.for %scan3A_43 = %scan3A_38 to %scan3A_40 step %scan3A_41  : i32 {
        %dma_wait3A = arith.constant 0 : i32
        %dma_wait3A_44 = arith.constant 0 : i32
        %dma_wait3A_45 = tpu.memref_slice %arg2[%dma_wait3A, %dma_wait3A_44] : memref<20000x128xf32, #tpu.memory_space<hbm>> -> memref<128x128xf32, #tpu.memory_space<hbm>>
        %dma_wait3A_46 = arith.constant 0 : i32
        %dma_wait3A_47 = arith.constant 0 : i32
        %dma_wait3A_48 = tpu.memref_slice %arg2[%dma_wait3A_46, %dma_wait3A_47] : memref<20000x128xf32, #tpu.memory_space<hbm>> -> memref<128x128xf32, #tpu.memory_space<hbm>>
        tpu.wait_dma2 semaphore(%arg12 : memref<!tpu.dma_semaphore, #tpu.memory_space<semaphore_mem>>) src(%dma_wait3A_48 : memref<128x128xf32, #tpu.memory_space<hbm>>) dst(%arg9 : memref<128x128xf32, #tpu.memory_space<vmem>>)
        %mul3A_49 = arith.constant 2 : i32
        %mul3A_50 = arith.muli %mul3A_49, %scan3A_43 : i32
        %add3A_51 = arith.constant 1 : i32
        %add3A_52 = arith.addi %mul3A_50, %add3A_51 : i32
        %dma_start3A_53 = arith.constant 0 : i32
        %dma_start3A_54 = tpu.memref_slice %arg7[%add3A_52, %dma_start3A_53] : memref<16x128xi32, #tpu.memory_space<vmem>> -> memref<1x128xi32, #tpu.memory_space<vmem>>
        %dma_start3A_55 = tpu.memref_squeeze %dma_start3A_54 : memref<1x128xi32, #tpu.memory_space<vmem>> -> memref<128xi32, #tpu.memory_space<vmem>>
        %dma_start3A_56 = arith.constant 0 : i32
        %dma_start3A_57 = arith.constant 0 : i32
        %dma_start3A_58 = tpu.memref_slice %arg2[%dma_start3A_56, %dma_start3A_57] : memref<20000x128xf32, #tpu.memory_space<hbm>> -> memref<20000x128xf32, #tpu.memory_space<hbm>>
        tpu.enqueue_indirect_dma source(%dma_start3A_58 : memref<20000x128xf32, #tpu.memory_space<hbm>>) target(%arg10 : memref<128x128xf32, #tpu.memory_space<vmem>>) offsets(%dma_start3A_55 : memref<128xi32, #tpu.memory_space<vmem>>) semaphore(%arg13 : memref<!tpu.dma_semaphore, #tpu.memory_space<semaphore_mem>>)
        %dma_wait3A_59 = arith.constant 0 : i32
        %dma_wait3A_60 = arith.constant 0 : i32
        %dma_wait3A_61 = tpu.memref_slice %arg2[%dma_wait3A_59, %dma_wait3A_60] : memref<20000x128xf32, #tpu.memory_space<hbm>> -> memref<128x128xf32, #tpu.memory_space<hbm>>
        %dma_wait3A_62 = arith.constant 0 : i32
        %dma_wait3A_63 = arith.constant 0 : i32
        %dma_wait3A_64 = tpu.memref_slice %arg2[%dma_wait3A_62, %dma_wait3A_63] : memref<20000x128xf32, #tpu.memory_space<hbm>> -> memref<128x128xf32, #tpu.memory_space<hbm>>
        tpu.wait_dma2 semaphore(%arg13 : memref<!tpu.dma_semaphore, #tpu.memory_space<semaphore_mem>>) src(%dma_wait3A_64 : memref<128x128xf32, #tpu.memory_space<hbm>>) dst(%arg10 : memref<128x128xf32, #tpu.memory_space<vmem>>)
        %lt3A_65 = arith.constant 7 : i32
        %lt3A_66 = arith.cmpi slt, %scan3A_43, %lt3A_65 : i32
        %convert_element_type3A_67 = arith.extui %lt3A_66 : i1 to i32
        %cond3A_68 = arith.constant 0 : i32
        %cond3A_69 = arith.cmpi ne, %convert_element_type3A_67, %cond3A_68 : i32
        scf.if %cond3A_69 {
          %mul3A_70 = arith.constant 2 : i32
          %mul3A_71 = arith.muli %mul3A_70, %scan3A_43 : i32
          %add3A_72 = arith.constant 2 : i32
          %add3A_73 = arith.addi %mul3A_71, %add3A_72 : i32
          %dma_start3A_74 = arith.constant 0 : i32
          %dma_start3A_75 = tpu.memref_slice %arg7[%add3A_73, %dma_start3A_74] : memref<16x128xi32, #tpu.memory_space<vmem>> -> memref<1x128xi32, #tpu.memory_space<vmem>>
          %dma_start3A_76 = tpu.memref_squeeze %dma_start3A_75 : memref<1x128xi32, #tpu.memory_space<vmem>> -> memref<128xi32, #tpu.memory_space<vmem>>
          %dma_start3A_77 = arith.constant 0 : i32
          %dma_start3A_78 = arith.constant 0 : i32
          %dma_start3A_79 = tpu.memref_slice %arg2[%dma_start3A_77, %dma_start3A_78] : memref<20000x128xf32, #tpu.memory_space<hbm>> -> memref<20000x128xf32, #tpu.memory_space<hbm>>
          tpu.enqueue_indirect_dma source(%dma_start3A_79 : memref<20000x128xf32, #tpu.memory_space<hbm>>) target(%arg9 : memref<128x128xf32, #tpu.memory_space<vmem>>) offsets(%dma_start3A_76 : memref<128xi32, #tpu.memory_space<vmem>>) semaphore(%arg12 : memref<!tpu.dma_semaphore, #tpu.memory_space<semaphore_mem>>)
        } else {
        }
      }
      %scan3A_42 = arith.constant 8 : i32
    }
    %scan3A_10 = arith.constant 10 : i32
    %barrier3A_11 = arith.constant 0 : index
    tpu.barrier barrier_id(%barrier3A_11)
    %mul3A = arith.constant 632 : i32
    %mul3A_12 = arith.muli %arg1, %mul3A : i32
    %lt3A_13 = arith.constant 15 : i32
    %lt3A_14 = arith.cmpi slt, %arg1, %lt3A_13 : i32
    %convert_element_type3A_15 = arith.extui %lt3A_14 : i1 to i32
    %cond3A_16 = arith.constant 0 : i32
    %cond3A_17 = arith.cmpi ne, %convert_element_type3A_15, %cond3A_16 : i32
    scf.if %cond3A_17 {
      %mul3A_23 = arith.constant 10000 : i32
      %mul3A_24 = arith.muli %arg0, %mul3A_23 : i32
      %add3A = arith.addi %mul3A_24, %mul3A_12 : i32
      "tpu.region"() ({
        %run_scoped3A = tpu.sem_alloc : memref<!tpu.dma_semaphore, #tpu.memory_space<semaphore_mem>>
        %dma_start3A = arith.constant 0 : i32
        %dma_start3A_25 = tpu.memref_slice %arg6[%add3A, %dma_start3A] : memref<20000x128xf32, #tpu.memory_space<hbm>> -> memref<632x128xf32, #tpu.memory_space<hbm>>
        %dma_start3A_26 = arith.constant 0 : i32
        %dma_start3A_27 = tpu.memref_slice %arg11[%mul3A_12, %dma_start3A_26] : memref<10008x128xf32, #tpu.memory_space<vmem_shared>> -> memref<632x128xf32, #tpu.memory_space<vmem_shared>>
        tpu.enqueue_dma source(%dma_start3A_27 : memref<632x128xf32, #tpu.memory_space<vmem_shared>>) target(%dma_start3A_25 : memref<632x128xf32, #tpu.memory_space<hbm>>) target_semaphore(%run_scoped3A : memref<!tpu.dma_semaphore, #tpu.memory_space<semaphore_mem>>)
        %dma_wait3A = arith.constant 0 : i32
        %dma_wait3A_28 = tpu.memref_slice %arg6[%add3A, %dma_wait3A] : memref<20000x128xf32, #tpu.memory_space<hbm>> -> memref<632x128xf32, #tpu.memory_space<hbm>>
        %dma_wait3A_29 = arith.constant 0 : i32
        %dma_wait3A_30 = tpu.memref_slice %arg11[%mul3A_12, %dma_wait3A_29] : memref<10008x128xf32, #tpu.memory_space<vmem_shared>> -> memref<632x128xf32, #tpu.memory_space<vmem_shared>>
        tpu.wait_dma2 semaphore(%run_scoped3A : memref<!tpu.dma_semaphore, #tpu.memory_space<semaphore_mem>>) src(%dma_wait3A_30 : memref<632x128xf32, #tpu.memory_space<vmem_shared>>) dst(%dma_wait3A_28 : memref<632x128xf32, #tpu.memory_space<hbm>>)
        tpu.yield
      }) : () -> ()
    } else {
    }
    %eq3A_18 = arith.constant 15 : i32
    %eq3A_19 = arith.cmpi eq, %arg1, %eq3A_18 : i32
    %convert_element_type3A_20 = arith.extui %eq3A_19 : i1 to i32
    %cond3A_21 = arith.constant 0 : i32
    %cond3A_22 = arith.cmpi ne, %convert_element_type3A_20, %cond3A_21 : i32
    scf.if %cond3A_22 {
      %mul3A_23 = arith.constant 10000 : i32
      %mul3A_24 = arith.muli %arg0, %mul3A_23 : i32
      %add3A = arith.constant 9480 : i32
      %add3A_25 = arith.addi %mul3A_24, %add3A : i32
      "tpu.region"() ({
        %run_scoped3A = tpu.sem_alloc : memref<!tpu.dma_semaphore, #tpu.memory_space<semaphore_mem>>
        %dma_start3A = arith.constant 0 : i32
        %dma_start3A_26 = tpu.memref_slice %arg6[%add3A_25, %dma_start3A] : memref<20000x128xf32, #tpu.memory_space<hbm>> -> memref<520x128xf32, #tpu.memory_space<hbm>>
        %dma_start3A_27 = arith.constant 9480 : i32
        %dma_start3A_28 = arith.constant 0 : i32
        %dma_start3A_29 = tpu.memref_slice %arg11[%dma_start3A_27, %dma_start3A_28] : memref<10008x128xf32, #tpu.memory_space<vmem_shared>> -> memref<520x128xf32, #tpu.memory_space<vmem_shared>>
        tpu.enqueue_dma source(%dma_start3A_29 : memref<520x128xf32, #tpu.memory_space<vmem_shared>>) target(%dma_start3A_26 : memref<520x128xf32, #tpu.memory_space<hbm>>) target_semaphore(%run_scoped3A : memref<!tpu.dma_semaphore, #tpu.memory_space<semaphore_mem>>)
        %dma_wait3A = arith.constant 0 : i32
        %dma_wait3A_30 = tpu.memref_slice %arg6[%add3A_25, %dma_wait3A] : memref<20000x128xf32, #tpu.memory_space<hbm>> -> memref<520x128xf32, #tpu.memory_space<hbm>>
        %dma_wait3A_31 = arith.constant 9480 : i32
        %dma_wait3A_32 = arith.constant 0 : i32
        %dma_wait3A_33 = tpu.memref_slice %arg11[%dma_wait3A_31, %dma_wait3A_32] : memref<10008x128xf32, #tpu.memory_space<vmem_shared>> -> memref<520x128xf32, #tpu.memory_space<vmem_shared>>
        tpu.wait_dma2 semaphore(%run_scoped3A : memref<!tpu.dma_semaphore, #tpu.memory_space<semaphore_mem>>) src(%dma_wait3A_33 : memref<520x128xf32, #tpu.memory_space<vmem_shared>>) dst(%dma_wait3A_30 : memref<520x128xf32, #tpu.memory_space<hbm>>)
        tpu.yield
      }) : () -> ()
    } else {
    }
    return
  }
}

#map = affine_map<(d0, d1) -> (0, 0)>
#map1 = affine_map<(d0, d1) -> (0, 0, 0)>
module attributes {stable_mosaic.version = 14 : i64} {
  func.func @_sc_body(%arg0: i32, %arg1: i32, %arg2: memref<20000x128xf32, #tpu.memory_space<hbm>>, %arg3: memref<320x16x128xi32, #tpu.memory_space<hbm>>, %arg4: memref<160x16x128xi32, #tpu.memory_space<hbm>>, %arg5: memref<640x128xf32, #tpu.memory_space<hbm>>, %arg6: memref<20000x128xf32, #tpu.memory_space<hbm>>, %arg7: memref<16x128xi32, #tpu.memory_space<vmem>>, %arg8: memref<16x128xi32, #tpu.memory_space<vmem>>, %arg9: memref<128x128xf32, #tpu.memory_space<vmem>>, %arg10: memref<128x128xf32, #tpu.memory_space<vmem>>, %arg11: memref<10008x128xf32, #tpu.memory_space<vmem_shared>>, %arg12: memref<!tpu.dma_semaphore, #tpu.memory_space<semaphore_mem>>, %arg13: memref<!tpu.dma_semaphore, #tpu.memory_space<semaphore_mem>>) attributes {dimension_semantics = [#tpu.dimension_semantics<core_parallel>, #tpu.dimension_semantics<subcore_parallel>], iteration_bounds = array<i64: 2, 16>, scalar_prefetch = 0 : i64, scratch_operands = 7 : i64, tpu.core_type = #tpu.core_type<sc_vector_subcore>, window_params = [{transform_indices = #map}, {transform_indices = #map1}, {transform_indices = #map1}, {transform_indices = #map}, {transform_indices = #map}]} {
    %lt3A = arith.constant 15 : i32
    %lt3A_0 = arith.cmpi slt, %arg1, %lt3A : i32
    %convert_element_type3A = arith.extui %lt3A_0 : i1 to i32
    %cond3A = arith.constant 0 : i32
    %cond3A_1 = arith.cmpi ne, %convert_element_type3A, %cond3A : i32
    scf.if %cond3A_1 {
      %mul3A_23 = arith.constant 632 : i32
      %mul3A_24 = arith.muli %arg1, %mul3A_23 : i32
      "tpu.region"() ({
        %run_scoped3A = tpu.sem_alloc : memref<!tpu.dma_semaphore, #tpu.memory_space<semaphore_mem>>
        %dma_start3A = arith.constant 0 : i32
        %dma_start3A_25 = tpu.memref_slice %arg11[%mul3A_24, %dma_start3A] : memref<10008x128xf32, #tpu.memory_space<vmem_shared>> -> memref<632x128xf32, #tpu.memory_space<vmem_shared>>
        %dma_start3A_26 = arith.constant 0 : i32
        %dma_start3A_27 = arith.constant 0 : i32
        %dma_start3A_28 = tpu.memref_slice %arg5[%dma_start3A_26, %dma_start3A_27] : memref<640x128xf32, #tpu.memory_space<hbm>> -> memref<632x128xf32, #tpu.memory_space<hbm>>
        tpu.enqueue_dma source(%dma_start3A_28 : memref<632x128xf32, #tpu.memory_space<hbm>>) target(%dma_start3A_25 : memref<632x128xf32, #tpu.memory_space<vmem_shared>>) target_semaphore(%run_scoped3A : memref<!tpu.dma_semaphore, #tpu.memory_space<semaphore_mem>>)
        %dma_wait3A = arith.constant 0 : i32
        %dma_wait3A_29 = tpu.memref_slice %arg11[%mul3A_24, %dma_wait3A] : memref<10008x128xf32, #tpu.memory_space<vmem_shared>> -> memref<632x128xf32, #tpu.memory_space<vmem_shared>>
        %dma_wait3A_30 = arith.constant 0 : i32
        %dma_wait3A_31 = arith.constant 0 : i32
        %dma_wait3A_32 = tpu.memref_slice %arg5[%dma_wait3A_30, %dma_wait3A_31] : memref<640x128xf32, #tpu.memory_space<hbm>> -> memref<632x128xf32, #tpu.memory_space<hbm>>
        tpu.wait_dma2 semaphore(%run_scoped3A : memref<!tpu.dma_semaphore, #tpu.memory_space<semaphore_mem>>) src(%dma_wait3A_32 : memref<632x128xf32, #tpu.memory_space<hbm>>) dst(%dma_wait3A_29 : memref<632x128xf32, #tpu.memory_space<vmem_shared>>)
        tpu.yield
      }) : () -> ()
    } else {
    }
    %eq3A = arith.constant 15 : i32
    %eq3A_2 = arith.cmpi eq, %arg1, %eq3A : i32
    %convert_element_type3A_3 = arith.extui %eq3A_2 : i1 to i32
    %cond3A_4 = arith.constant 0 : i32
    %cond3A_5 = arith.cmpi ne, %convert_element_type3A_3, %cond3A_4 : i32
    scf.if %cond3A_5 {
      "tpu.region"() ({
        %run_scoped3A = tpu.sem_alloc : memref<!tpu.dma_semaphore, #tpu.memory_space<semaphore_mem>>
        %dma_start3A = arith.constant 9480 : i32
        %dma_start3A_23 = arith.constant 0 : i32
        %dma_start3A_24 = tpu.memref_slice %arg11[%dma_start3A, %dma_start3A_23] : memref<10008x128xf32, #tpu.memory_space<vmem_shared>> -> memref<528x128xf32, #tpu.memory_space<vmem_shared>>
        %dma_start3A_25 = arith.constant 0 : i32
        %dma_start3A_26 = arith.constant 0 : i32
        %dma_start3A_27 = tpu.memref_slice %arg5[%dma_start3A_25, %dma_start3A_26] : memref<640x128xf32, #tpu.memory_space<hbm>> -> memref<528x128xf32, #tpu.memory_space<hbm>>
        tpu.enqueue_dma source(%dma_start3A_27 : memref<528x128xf32, #tpu.memory_space<hbm>>) target(%dma_start3A_24 : memref<528x128xf32, #tpu.memory_space<vmem_shared>>) target_semaphore(%run_scoped3A : memref<!tpu.dma_semaphore, #tpu.memory_space<semaphore_mem>>)
        %dma_wait3A = arith.constant 9480 : i32
        %dma_wait3A_28 = arith.constant 0 : i32
        %dma_wait3A_29 = tpu.memref_slice %arg11[%dma_wait3A, %dma_wait3A_28] : memref<10008x128xf32, #tpu.memory_space<vmem_shared>> -> memref<528x128xf32, #tpu.memory_space<vmem_shared>>
        %dma_wait3A_30 = arith.constant 0 : i32
        %dma_wait3A_31 = arith.constant 0 : i32
        %dma_wait3A_32 = tpu.memref_slice %arg5[%dma_wait3A_30, %dma_wait3A_31] : memref<640x128xf32, #tpu.memory_space<hbm>> -> memref<528x128xf32, #tpu.memory_space<hbm>>
        tpu.wait_dma2 semaphore(%run_scoped3A : memref<!tpu.dma_semaphore, #tpu.memory_space<semaphore_mem>>) src(%dma_wait3A_32 : memref<528x128xf32, #tpu.memory_space<hbm>>) dst(%dma_wait3A_29 : memref<528x128xf32, #tpu.memory_space<vmem_shared>>)
        tpu.yield
      }) : () -> ()
    } else {
    }
    %barrier3A = arith.constant 0 : index
    tpu.barrier barrier_id(%barrier3A)
    %scan3A = arith.constant 0 : i32
    %scan3A_6 = arith.constant 0 : i32
    %scan3A_7 = arith.constant 10 : i32
    %scan3A_8 = arith.addi %scan3A_6, %scan3A_7 : i32
    %scan3A_9 = arith.constant 1 : i32
    scf.for %scan3A_23 = %scan3A_6 to %scan3A_8 step %scan3A_9  : i32 {
      %mul3A_24 = arith.constant 16 : i32
      %mul3A_25 = arith.muli %arg0, %mul3A_24 : i32
      %add3A = arith.addi %mul3A_25, %arg1 : i32
      %mul3A_26 = arith.constant 10 : i32
      %mul3A_27 = arith.muli %add3A, %mul3A_26 : i32
      %add3A_28 = arith.addi %mul3A_27, %scan3A_23 : i32
      "tpu.region"() ({
        %run_scoped3A = tpu.sem_alloc : memref<!tpu.dma_semaphore, #tpu.memory_space<semaphore_mem>>
        %dma_start3A_43 = arith.constant 0 : i32
        %dma_start3A_44 = arith.constant 0 : i32
        %dma_start3A_45 = tpu.memref_slice %arg3[%add3A_28, %dma_start3A_43, %dma_start3A_44] : memref<320x16x128xi32, #tpu.memory_space<hbm>> -> memref<1x16x128xi32, #tpu.memory_space<hbm>>
        %dma_start3A_46 = tpu.memref_squeeze %dma_start3A_45 : memref<1x16x128xi32, #tpu.memory_space<hbm>> -> memref<16x128xi32, #tpu.memory_space<hbm>>
        %dma_start3A_47 = arith.constant 0 : i32
        %dma_start3A_48 = arith.constant 0 : i32
        %dma_start3A_49 = tpu.memref_slice %arg3[%add3A_28, %dma_start3A_47, %dma_start3A_48] : memref<320x16x128xi32, #tpu.memory_space<hbm>> -> memref<1x16x128xi32, #tpu.memory_space<hbm>>
        %dma_start3A_50 = tpu.memref_squeeze %dma_start3A_49 : memref<1x16x128xi32, #tpu.memory_space<hbm>> -> memref<16x128xi32, #tpu.memory_space<hbm>>
        tpu.enqueue_dma source(%dma_start3A_50 : memref<16x128xi32, #tpu.memory_space<hbm>>) target(%arg7 : memref<16x128xi32, #tpu.memory_space<vmem>>) target_semaphore(%run_scoped3A : memref<!tpu.dma_semaphore, #tpu.memory_space<semaphore_mem>>)
        %dma_wait3A = arith.constant 0 : i32
        %dma_wait3A_51 = arith.constant 0 : i32
        %dma_wait3A_52 = tpu.memref_slice %arg3[%add3A_28, %dma_wait3A, %dma_wait3A_51] : memref<320x16x128xi32, #tpu.memory_space<hbm>> -> memref<1x16x128xi32, #tpu.memory_space<hbm>>
        %dma_wait3A_53 = tpu.memref_squeeze %dma_wait3A_52 : memref<1x16x128xi32, #tpu.memory_space<hbm>> -> memref<16x128xi32, #tpu.memory_space<hbm>>
        %dma_wait3A_54 = arith.constant 0 : i32
        %dma_wait3A_55 = arith.constant 0 : i32
        %dma_wait3A_56 = tpu.memref_slice %arg3[%add3A_28, %dma_wait3A_54, %dma_wait3A_55] : memref<320x16x128xi32, #tpu.memory_space<hbm>> -> memref<1x16x128xi32, #tpu.memory_space<hbm>>
        %dma_wait3A_57 = tpu.memref_squeeze %dma_wait3A_56 : memref<1x16x128xi32, #tpu.memory_space<hbm>> -> memref<16x128xi32, #tpu.memory_space<hbm>>
        tpu.wait_dma2 semaphore(%run_scoped3A : memref<!tpu.dma_semaphore, #tpu.memory_space<semaphore_mem>>) src(%dma_wait3A_57 : memref<16x128xi32, #tpu.memory_space<hbm>>) dst(%arg7 : memref<16x128xi32, #tpu.memory_space<vmem>>)
        tpu.yield
      }) : () -> ()
      %mul3A_29 = arith.constant 10 : i32
      %mul3A_30 = arith.muli %arg1, %mul3A_29 : i32
      %add3A_31 = arith.addi %mul3A_30, %scan3A_23 : i32
      "tpu.region"() ({
        %run_scoped3A = tpu.sem_alloc : memref<!tpu.dma_semaphore, #tpu.memory_space<semaphore_mem>>
        %dma_start3A_43 = arith.constant 0 : i32
        %dma_start3A_44 = arith.constant 0 : i32
        %dma_start3A_45 = tpu.memref_slice %arg4[%add3A_31, %dma_start3A_43, %dma_start3A_44] : memref<160x16x128xi32, #tpu.memory_space<hbm>> -> memref<1x16x128xi32, #tpu.memory_space<hbm>>
        %dma_start3A_46 = tpu.memref_squeeze %dma_start3A_45 : memref<1x16x128xi32, #tpu.memory_space<hbm>> -> memref<16x128xi32, #tpu.memory_space<hbm>>
        %dma_start3A_47 = arith.constant 0 : i32
        %dma_start3A_48 = arith.constant 0 : i32
        %dma_start3A_49 = tpu.memref_slice %arg4[%add3A_31, %dma_start3A_47, %dma_start3A_48] : memref<160x16x128xi32, #tpu.memory_space<hbm>> -> memref<1x16x128xi32, #tpu.memory_space<hbm>>
        %dma_start3A_50 = tpu.memref_squeeze %dma_start3A_49 : memref<1x16x128xi32, #tpu.memory_space<hbm>> -> memref<16x128xi32, #tpu.memory_space<hbm>>
        tpu.enqueue_dma source(%dma_start3A_50 : memref<16x128xi32, #tpu.memory_space<hbm>>) target(%arg8 : memref<16x128xi32, #tpu.memory_space<vmem>>) target_semaphore(%run_scoped3A : memref<!tpu.dma_semaphore, #tpu.memory_space<semaphore_mem>>)
        %dma_wait3A = arith.constant 0 : i32
        %dma_wait3A_51 = arith.constant 0 : i32
        %dma_wait3A_52 = tpu.memref_slice %arg4[%add3A_31, %dma_wait3A, %dma_wait3A_51] : memref<160x16x128xi32, #tpu.memory_space<hbm>> -> memref<1x16x128xi32, #tpu.memory_space<hbm>>
        %dma_wait3A_53 = tpu.memref_squeeze %dma_wait3A_52 : memref<1x16x128xi32, #tpu.memory_space<hbm>> -> memref<16x128xi32, #tpu.memory_space<hbm>>
        %dma_wait3A_54 = arith.constant 0 : i32
        %dma_wait3A_55 = arith.constant 0 : i32
        %dma_wait3A_56 = tpu.memref_slice %arg4[%add3A_31, %dma_wait3A_54, %dma_wait3A_55] : memref<160x16x128xi32, #tpu.memory_space<hbm>> -> memref<1x16x128xi32, #tpu.memory_space<hbm>>
        %dma_wait3A_57 = tpu.memref_squeeze %dma_wait3A_56 : memref<1x16x128xi32, #tpu.memory_space<hbm>> -> memref<16x128xi32, #tpu.memory_space<hbm>>
        tpu.wait_dma2 semaphore(%run_scoped3A : memref<!tpu.dma_semaphore, #tpu.memory_space<semaphore_mem>>) src(%dma_wait3A_57 : memref<16x128xi32, #tpu.memory_space<hbm>>) dst(%arg8 : memref<16x128xi32, #tpu.memory_space<vmem>>)
        tpu.yield
      }) : () -> ()
      %dma_start3A = arith.constant 0 : i32
      %dma_start3A_32 = arith.constant 0 : i32
      %dma_start3A_33 = tpu.memref_slice %arg7[%dma_start3A, %dma_start3A_32] : memref<16x128xi32, #tpu.memory_space<vmem>> -> memref<1x128xi32, #tpu.memory_space<vmem>>
      %dma_start3A_34 = tpu.memref_squeeze %dma_start3A_33 : memref<1x128xi32, #tpu.memory_space<vmem>> -> memref<128xi32, #tpu.memory_space<vmem>>
      %dma_start3A_35 = arith.constant 0 : i32
      %dma_start3A_36 = arith.constant 0 : i32
      %dma_start3A_37 = tpu.memref_slice %arg2[%dma_start3A_35, %dma_start3A_36] : memref<20000x128xf32, #tpu.memory_space<hbm>> -> memref<20000x128xf32, #tpu.memory_space<hbm>>
      tpu.enqueue_indirect_dma source(%dma_start3A_37 : memref<20000x128xf32, #tpu.memory_space<hbm>>) target(%arg9 : memref<128x128xf32, #tpu.memory_space<vmem>>) offsets(%dma_start3A_34 : memref<128xi32, #tpu.memory_space<vmem>>) semaphore(%arg12 : memref<!tpu.dma_semaphore, #tpu.memory_space<semaphore_mem>>)
      %scan3A_38 = arith.constant 0 : i32
      %scan3A_39 = arith.constant 8 : i32
      %scan3A_40 = arith.addi %scan3A_38, %scan3A_39 : i32
      %scan3A_41 = arith.constant 1 : i32
      scf.for %scan3A_43 = %scan3A_38 to %scan3A_40 step %scan3A_41  : i32 {
        %dma_wait3A = arith.constant 0 : i32
        %dma_wait3A_44 = arith.constant 0 : i32
        %dma_wait3A_45 = tpu.memref_slice %arg2[%dma_wait3A, %dma_wait3A_44] : memref<20000x128xf32, #tpu.memory_space<hbm>> -> memref<128x128xf32, #tpu.memory_space<hbm>>
        %dma_wait3A_46 = arith.constant 0 : i32
        %dma_wait3A_47 = arith.constant 0 : i32
        %dma_wait3A_48 = tpu.memref_slice %arg2[%dma_wait3A_46, %dma_wait3A_47] : memref<20000x128xf32, #tpu.memory_space<hbm>> -> memref<128x128xf32, #tpu.memory_space<hbm>>
        tpu.wait_dma2 semaphore(%arg12 : memref<!tpu.dma_semaphore, #tpu.memory_space<semaphore_mem>>) src(%dma_wait3A_48 : memref<128x128xf32, #tpu.memory_space<hbm>>) dst(%arg9 : memref<128x128xf32, #tpu.memory_space<vmem>>)
        %mul3A_49 = arith.constant 2 : i32
        %mul3A_50 = arith.muli %mul3A_49, %scan3A_43 : i32
        %add3A_51 = arith.constant 1 : i32
        %add3A_52 = arith.addi %mul3A_50, %add3A_51 : i32
        %dma_start3A_53 = arith.constant 0 : i32
        %dma_start3A_54 = tpu.memref_slice %arg7[%add3A_52, %dma_start3A_53] : memref<16x128xi32, #tpu.memory_space<vmem>> -> memref<1x128xi32, #tpu.memory_space<vmem>>
        %dma_start3A_55 = tpu.memref_squeeze %dma_start3A_54 : memref<1x128xi32, #tpu.memory_space<vmem>> -> memref<128xi32, #tpu.memory_space<vmem>>
        %dma_start3A_56 = arith.constant 0 : i32
        %dma_start3A_57 = arith.constant 0 : i32
        %dma_start3A_58 = tpu.memref_slice %arg2[%dma_start3A_56, %dma_start3A_57] : memref<20000x128xf32, #tpu.memory_space<hbm>> -> memref<20000x128xf32, #tpu.memory_space<hbm>>
        tpu.enqueue_indirect_dma source(%dma_start3A_58 : memref<20000x128xf32, #tpu.memory_space<hbm>>) target(%arg10 : memref<128x128xf32, #tpu.memory_space<vmem>>) offsets(%dma_start3A_55 : memref<128xi32, #tpu.memory_space<vmem>>) semaphore(%arg13 : memref<!tpu.dma_semaphore, #tpu.memory_space<semaphore_mem>>)
        %dma_wait3A_59 = arith.constant 0 : i32
        %dma_wait3A_60 = arith.constant 0 : i32
        %dma_wait3A_61 = tpu.memref_slice %arg2[%dma_wait3A_59, %dma_wait3A_60] : memref<20000x128xf32, #tpu.memory_space<hbm>> -> memref<128x128xf32, #tpu.memory_space<hbm>>
        %dma_wait3A_62 = arith.constant 0 : i32
        %dma_wait3A_63 = arith.constant 0 : i32
        %dma_wait3A_64 = tpu.memref_slice %arg2[%dma_wait3A_62, %dma_wait3A_63] : memref<20000x128xf32, #tpu.memory_space<hbm>> -> memref<128x128xf32, #tpu.memory_space<hbm>>
        tpu.wait_dma2 semaphore(%arg13 : memref<!tpu.dma_semaphore, #tpu.memory_space<semaphore_mem>>) src(%dma_wait3A_64 : memref<128x128xf32, #tpu.memory_space<hbm>>) dst(%arg10 : memref<128x128xf32, #tpu.memory_space<vmem>>)
        %lt3A_65 = arith.constant 7 : i32
        %lt3A_66 = arith.cmpi slt, %scan3A_43, %lt3A_65 : i32
        %convert_element_type3A_67 = arith.extui %lt3A_66 : i1 to i32
        %cond3A_68 = arith.constant 0 : i32
        %cond3A_69 = arith.cmpi ne, %convert_element_type3A_67, %cond3A_68 : i32
        scf.if %cond3A_69 {
          %mul3A_70 = arith.constant 2 : i32
          %mul3A_71 = arith.muli %mul3A_70, %scan3A_43 : i32
          %add3A_72 = arith.constant 2 : i32
          %add3A_73 = arith.addi %mul3A_71, %add3A_72 : i32
          %dma_start3A_74 = arith.constant 0 : i32
          %dma_start3A_75 = tpu.memref_slice %arg7[%add3A_73, %dma_start3A_74] : memref<16x128xi32, #tpu.memory_space<vmem>> -> memref<1x128xi32, #tpu.memory_space<vmem>>
          %dma_start3A_76 = tpu.memref_squeeze %dma_start3A_75 : memref<1x128xi32, #tpu.memory_space<vmem>> -> memref<128xi32, #tpu.memory_space<vmem>>
          %dma_start3A_77 = arith.constant 0 : i32
          %dma_start3A_78 = arith.constant 0 : i32
          %dma_start3A_79 = tpu.memref_slice %arg2[%dma_start3A_77, %dma_start3A_78] : memref<20000x128xf32, #tpu.memory_space<hbm>> -> memref<20000x128xf32, #tpu.memory_space<hbm>>
          tpu.enqueue_indirect_dma source(%dma_start3A_79 : memref<20000x128xf32, #tpu.memory_space<hbm>>) target(%arg9 : memref<128x128xf32, #tpu.memory_space<vmem>>) offsets(%dma_start3A_76 : memref<128xi32, #tpu.memory_space<vmem>>) semaphore(%arg12 : memref<!tpu.dma_semaphore, #tpu.memory_space<semaphore_mem>>)
        } else {
        }
      }
      %scan3A_42 = arith.constant 8 : i32
    }
    %scan3A_10 = arith.constant 10 : i32
    %barrier3A_11 = arith.constant 0 : index
    tpu.barrier barrier_id(%barrier3A_11)
    %mul3A = arith.constant 632 : i32
    %mul3A_12 = arith.muli %arg1, %mul3A : i32
    %lt3A_13 = arith.constant 15 : i32
    %lt3A_14 = arith.cmpi slt, %arg1, %lt3A_13 : i32
    %convert_element_type3A_15 = arith.extui %lt3A_14 : i1 to i32
    %cond3A_16 = arith.constant 0 : i32
    %cond3A_17 = arith.cmpi ne, %convert_element_type3A_15, %cond3A_16 : i32
    scf.if %cond3A_17 {
      %mul3A_23 = arith.constant 10000 : i32
      %mul3A_24 = arith.muli %arg0, %mul3A_23 : i32
      %add3A = arith.addi %mul3A_24, %mul3A_12 : i32
      "tpu.region"() ({
        %run_scoped3A = tpu.sem_alloc : memref<!tpu.dma_semaphore, #tpu.memory_space<semaphore_mem>>
        %dma_start3A = arith.constant 0 : i32
        %dma_start3A_25 = tpu.memref_slice %arg6[%add3A, %dma_start3A] : memref<20000x128xf32, #tpu.memory_space<hbm>> -> memref<632x128xf32, #tpu.memory_space<hbm>>
        %dma_start3A_26 = arith.constant 0 : i32
        %dma_start3A_27 = tpu.memref_slice %arg11[%mul3A_12, %dma_start3A_26] : memref<10008x128xf32, #tpu.memory_space<vmem_shared>> -> memref<632x128xf32, #tpu.memory_space<vmem_shared>>
        tpu.enqueue_dma source(%dma_start3A_27 : memref<632x128xf32, #tpu.memory_space<vmem_shared>>) target(%dma_start3A_25 : memref<632x128xf32, #tpu.memory_space<hbm>>) target_semaphore(%run_scoped3A : memref<!tpu.dma_semaphore, #tpu.memory_space<semaphore_mem>>)
        %dma_wait3A = arith.constant 0 : i32
        %dma_wait3A_28 = tpu.memref_slice %arg6[%add3A, %dma_wait3A] : memref<20000x128xf32, #tpu.memory_space<hbm>> -> memref<632x128xf32, #tpu.memory_space<hbm>>
        %dma_wait3A_29 = arith.constant 0 : i32
        %dma_wait3A_30 = tpu.memref_slice %arg11[%mul3A_12, %dma_wait3A_29] : memref<10008x128xf32, #tpu.memory_space<vmem_shared>> -> memref<632x128xf32, #tpu.memory_space<vmem_shared>>
        tpu.wait_dma2 semaphore(%run_scoped3A : memref<!tpu.dma_semaphore, #tpu.memory_space<semaphore_mem>>) src(%dma_wait3A_30 : memref<632x128xf32, #tpu.memory_space<vmem_shared>>) dst(%dma_wait3A_28 : memref<632x128xf32, #tpu.memory_space<hbm>>)
        tpu.yield
      }) : () -> ()
    } else {
    }
    %eq3A_18 = arith.constant 15 : i32
    %eq3A_19 = arith.cmpi eq, %arg1, %eq3A_18 : i32
    %convert_element_type3A_20 = arith.extui %eq3A_19 : i1 to i32
    %cond3A_21 = arith.constant 0 : i32
    %cond3A_22 = arith.cmpi ne, %convert_element_type3A_20, %cond3A_21 : i32
    scf.if %cond3A_22 {
      %mul3A_23 = arith.constant 10000 : i32
      %mul3A_24 = arith.muli %arg0, %mul3A_23 : i32
      %add3A = arith.constant 9480 : i32
      %add3A_25 = arith.addi %mul3A_24, %add3A : i32
      "tpu.region"() ({
        %run_scoped3A = tpu.sem_alloc : memref<!tpu.dma_semaphore, #tpu.memory_space<semaphore_mem>>
        %dma_start3A = arith.constant 0 : i32
        %dma_start3A_26 = tpu.memref_slice %arg6[%add3A_25, %dma_start3A] : memref<20000x128xf32, #tpu.memory_space<hbm>> -> memref<520x128xf32, #tpu.memory_space<hbm>>
        %dma_start3A_27 = arith.constant 9480 : i32
        %dma_start3A_28 = arith.constant 0 : i32
        %dma_start3A_29 = tpu.memref_slice %arg11[%dma_start3A_27, %dma_start3A_28] : memref<10008x128xf32, #tpu.memory_space<vmem_shared>> -> memref<520x128xf32, #tpu.memory_space<vmem_shared>>
        tpu.enqueue_dma source(%dma_start3A_29 : memref<520x128xf32, #tpu.memory_space<vmem_shared>>) target(%dma_start3A_26 : memref<520x128xf32, #tpu.memory_space<hbm>>) target_semaphore(%run_scoped3A : memref<!tpu.dma_semaphore, #tpu.memory_space<semaphore_mem>>)
        %dma_wait3A = arith.constant 0 : i32
        %dma_wait3A_30 = tpu.memref_slice %arg6[%add3A_25, %dma_wait3A] : memref<20000x128xf32, #tpu.memory_space<hbm>> -> memref<520x128xf32, #tpu.memory_space<hbm>>
        %dma_wait3A_31 = arith.constant 9480 : i32
        %dma_wait3A_32 = arith.constant 0 : i32
        %dma_wait3A_33 = tpu.memref_slice %arg11[%dma_wait3A_31, %dma_wait3A_32] : memref<10008x128xf32, #tpu.memory_space<vmem_shared>> -> memref<520x128xf32, #tpu.memory_space<vmem_shared>>
        tpu.wait_dma2 semaphore(%run_scoped3A : memref<!tpu.dma_semaphore, #tpu.memory_space<semaphore_mem>>) src(%dma_wait3A_33 : memref<520x128xf32, #tpu.memory_space<vmem_shared>>) dst(%dma_wait3A_30 : memref<520x128xf32, #tpu.memory_space<hbm>>)
        tpu.yield
      }) : () -> ()
    } else {
    }
    return
  }
}

#map = affine_map<(d0, d1) -> (0, 0)>
#map1 = affine_map<(d0, d1) -> (0, 0, 0)>
module attributes {stable_mosaic.version = 14 : i64} {
  func.func @_sc_body(%arg0: i32, %arg1: i32, %arg2: memref<20000x128xf32, #tpu.memory_space<hbm>>, %arg3: memref<320x16x128xi32, #tpu.memory_space<hbm>>, %arg4: memref<160x16x128xi32, #tpu.memory_space<hbm>>, %arg5: memref<640x128xf32, #tpu.memory_space<hbm>>, %arg6: memref<20000x128xf32, #tpu.memory_space<hbm>>, %arg7: memref<16x128xi32, #tpu.memory_space<vmem>>, %arg8: memref<16x128xi32, #tpu.memory_space<vmem>>, %arg9: memref<128x128xf32, #tpu.memory_space<vmem>>, %arg10: memref<128x128xf32, #tpu.memory_space<vmem>>, %arg11: memref<10008x128xf32, #tpu.memory_space<vmem_shared>>, %arg12: memref<!tpu.dma_semaphore, #tpu.memory_space<semaphore_mem>>, %arg13: memref<!tpu.dma_semaphore, #tpu.memory_space<semaphore_mem>>) attributes {dimension_semantics = [#tpu.dimension_semantics<core_parallel>, #tpu.dimension_semantics<subcore_parallel>], iteration_bounds = array<i64: 2, 16>, scalar_prefetch = 0 : i64, scratch_operands = 7 : i64, tpu.core_type = #tpu.core_type<sc_vector_subcore>, window_params = [{transform_indices = #map}, {transform_indices = #map1}, {transform_indices = #map1}, {transform_indices = #map}, {transform_indices = #map}]} {
    %lt3A = arith.constant 15 : i32
    %lt3A_0 = arith.cmpi slt, %arg1, %lt3A : i32
    %convert_element_type3A = arith.extui %lt3A_0 : i1 to i32
    %cond3A = arith.constant 0 : i32
    %cond3A_1 = arith.cmpi ne, %convert_element_type3A, %cond3A : i32
    scf.if %cond3A_1 {
      %mul3A_23 = arith.constant 632 : i32
      %mul3A_24 = arith.muli %arg1, %mul3A_23 : i32
      "tpu.region"() ({
        %run_scoped3A = tpu.sem_alloc : memref<!tpu.dma_semaphore, #tpu.memory_space<semaphore_mem>>
        %dma_start3A = arith.constant 0 : i32
        %dma_start3A_25 = tpu.memref_slice %arg11[%mul3A_24, %dma_start3A] : memref<10008x128xf32, #tpu.memory_space<vmem_shared>> -> memref<632x128xf32, #tpu.memory_space<vmem_shared>>
        %dma_start3A_26 = arith.constant 0 : i32
        %dma_start3A_27 = arith.constant 0 : i32
        %dma_start3A_28 = tpu.memref_slice %arg5[%dma_start3A_26, %dma_start3A_27] : memref<640x128xf32, #tpu.memory_space<hbm>> -> memref<632x128xf32, #tpu.memory_space<hbm>>
        tpu.enqueue_dma source(%dma_start3A_28 : memref<632x128xf32, #tpu.memory_space<hbm>>) target(%dma_start3A_25 : memref<632x128xf32, #tpu.memory_space<vmem_shared>>) target_semaphore(%run_scoped3A : memref<!tpu.dma_semaphore, #tpu.memory_space<semaphore_mem>>)
        %dma_wait3A = arith.constant 0 : i32
        %dma_wait3A_29 = tpu.memref_slice %arg11[%mul3A_24, %dma_wait3A] : memref<10008x128xf32, #tpu.memory_space<vmem_shared>> -> memref<632x128xf32, #tpu.memory_space<vmem_shared>>
        %dma_wait3A_30 = arith.constant 0 : i32
        %dma_wait3A_31 = arith.constant 0 : i32
        %dma_wait3A_32 = tpu.memref_slice %arg5[%dma_wait3A_30, %dma_wait3A_31] : memref<640x128xf32, #tpu.memory_space<hbm>> -> memref<632x128xf32, #tpu.memory_space<hbm>>
        tpu.wait_dma2 semaphore(%run_scoped3A : memref<!tpu.dma_semaphore, #tpu.memory_space<semaphore_mem>>) src(%dma_wait3A_32 : memref<632x128xf32, #tpu.memory_space<hbm>>) dst(%dma_wait3A_29 : memref<632x128xf32, #tpu.memory_space<vmem_shared>>)
        tpu.yield
      }) : () -> ()
    } else {
    }
    %eq3A = arith.constant 15 : i32
    %eq3A_2 = arith.cmpi eq, %arg1, %eq3A : i32
    %convert_element_type3A_3 = arith.extui %eq3A_2 : i1 to i32
    %cond3A_4 = arith.constant 0 : i32
    %cond3A_5 = arith.cmpi ne, %convert_element_type3A_3, %cond3A_4 : i32
    scf.if %cond3A_5 {
      "tpu.region"() ({
        %run_scoped3A = tpu.sem_alloc : memref<!tpu.dma_semaphore, #tpu.memory_space<semaphore_mem>>
        %dma_start3A = arith.constant 9480 : i32
        %dma_start3A_23 = arith.constant 0 : i32
        %dma_start3A_24 = tpu.memref_slice %arg11[%dma_start3A, %dma_start3A_23] : memref<10008x128xf32, #tpu.memory_space<vmem_shared>> -> memref<528x128xf32, #tpu.memory_space<vmem_shared>>
        %dma_start3A_25 = arith.constant 0 : i32
        %dma_start3A_26 = arith.constant 0 : i32
        %dma_start3A_27 = tpu.memref_slice %arg5[%dma_start3A_25, %dma_start3A_26] : memref<640x128xf32, #tpu.memory_space<hbm>> -> memref<528x128xf32, #tpu.memory_space<hbm>>
        tpu.enqueue_dma source(%dma_start3A_27 : memref<528x128xf32, #tpu.memory_space<hbm>>) target(%dma_start3A_24 : memref<528x128xf32, #tpu.memory_space<vmem_shared>>) target_semaphore(%run_scoped3A : memref<!tpu.dma_semaphore, #tpu.memory_space<semaphore_mem>>)
        %dma_wait3A = arith.constant 9480 : i32
        %dma_wait3A_28 = arith.constant 0 : i32
        %dma_wait3A_29 = tpu.memref_slice %arg11[%dma_wait3A, %dma_wait3A_28] : memref<10008x128xf32, #tpu.memory_space<vmem_shared>> -> memref<528x128xf32, #tpu.memory_space<vmem_shared>>
        %dma_wait3A_30 = arith.constant 0 : i32
        %dma_wait3A_31 = arith.constant 0 : i32
        %dma_wait3A_32 = tpu.memref_slice %arg5[%dma_wait3A_30, %dma_wait3A_31] : memref<640x128xf32, #tpu.memory_space<hbm>> -> memref<528x128xf32, #tpu.memory_space<hbm>>
        tpu.wait_dma2 semaphore(%run_scoped3A : memref<!tpu.dma_semaphore, #tpu.memory_space<semaphore_mem>>) src(%dma_wait3A_32 : memref<528x128xf32, #tpu.memory_space<hbm>>) dst(%dma_wait3A_29 : memref<528x128xf32, #tpu.memory_space<vmem_shared>>)
        tpu.yield
      }) : () -> ()
    } else {
    }
    %barrier3A = arith.constant 0 : index
    tpu.barrier barrier_id(%barrier3A)
    %scan3A = arith.constant 0 : i32
    %scan3A_6 = arith.constant 0 : i32
    %scan3A_7 = arith.constant 10 : i32
    %scan3A_8 = arith.addi %scan3A_6, %scan3A_7 : i32
    %scan3A_9 = arith.constant 1 : i32
    scf.for %scan3A_23 = %scan3A_6 to %scan3A_8 step %scan3A_9  : i32 {
      %mul3A_24 = arith.constant 16 : i32
      %mul3A_25 = arith.muli %arg0, %mul3A_24 : i32
      %add3A = arith.addi %mul3A_25, %arg1 : i32
      %mul3A_26 = arith.constant 10 : i32
      %mul3A_27 = arith.muli %add3A, %mul3A_26 : i32
      %add3A_28 = arith.addi %mul3A_27, %scan3A_23 : i32
      "tpu.region"() ({
        %run_scoped3A = tpu.sem_alloc : memref<!tpu.dma_semaphore, #tpu.memory_space<semaphore_mem>>
        %dma_start3A_43 = arith.constant 0 : i32
        %dma_start3A_44 = arith.constant 0 : i32
        %dma_start3A_45 = tpu.memref_slice %arg3[%add3A_28, %dma_start3A_43, %dma_start3A_44] : memref<320x16x128xi32, #tpu.memory_space<hbm>> -> memref<1x16x128xi32, #tpu.memory_space<hbm>>
        %dma_start3A_46 = tpu.memref_squeeze %dma_start3A_45 : memref<1x16x128xi32, #tpu.memory_space<hbm>> -> memref<16x128xi32, #tpu.memory_space<hbm>>
        %dma_start3A_47 = arith.constant 0 : i32
        %dma_start3A_48 = arith.constant 0 : i32
        %dma_start3A_49 = tpu.memref_slice %arg3[%add3A_28, %dma_start3A_47, %dma_start3A_48] : memref<320x16x128xi32, #tpu.memory_space<hbm>> -> memref<1x16x128xi32, #tpu.memory_space<hbm>>
        %dma_start3A_50 = tpu.memref_squeeze %dma_start3A_49 : memref<1x16x128xi32, #tpu.memory_space<hbm>> -> memref<16x128xi32, #tpu.memory_space<hbm>>
        tpu.enqueue_dma source(%dma_start3A_50 : memref<16x128xi32, #tpu.memory_space<hbm>>) target(%arg7 : memref<16x128xi32, #tpu.memory_space<vmem>>) target_semaphore(%run_scoped3A : memref<!tpu.dma_semaphore, #tpu.memory_space<semaphore_mem>>)
        %dma_wait3A = arith.constant 0 : i32
        %dma_wait3A_51 = arith.constant 0 : i32
        %dma_wait3A_52 = tpu.memref_slice %arg3[%add3A_28, %dma_wait3A, %dma_wait3A_51] : memref<320x16x128xi32, #tpu.memory_space<hbm>> -> memref<1x16x128xi32, #tpu.memory_space<hbm>>
        %dma_wait3A_53 = tpu.memref_squeeze %dma_wait3A_52 : memref<1x16x128xi32, #tpu.memory_space<hbm>> -> memref<16x128xi32, #tpu.memory_space<hbm>>
        %dma_wait3A_54 = arith.constant 0 : i32
        %dma_wait3A_55 = arith.constant 0 : i32
        %dma_wait3A_56 = tpu.memref_slice %arg3[%add3A_28, %dma_wait3A_54, %dma_wait3A_55] : memref<320x16x128xi32, #tpu.memory_space<hbm>> -> memref<1x16x128xi32, #tpu.memory_space<hbm>>
        %dma_wait3A_57 = tpu.memref_squeeze %dma_wait3A_56 : memref<1x16x128xi32, #tpu.memory_space<hbm>> -> memref<16x128xi32, #tpu.memory_space<hbm>>
        tpu.wait_dma2 semaphore(%run_scoped3A : memref<!tpu.dma_semaphore, #tpu.memory_space<semaphore_mem>>) src(%dma_wait3A_57 : memref<16x128xi32, #tpu.memory_space<hbm>>) dst(%arg7 : memref<16x128xi32, #tpu.memory_space<vmem>>)
        tpu.yield
      }) : () -> ()
      %mul3A_29 = arith.constant 10 : i32
      %mul3A_30 = arith.muli %arg1, %mul3A_29 : i32
      %add3A_31 = arith.addi %mul3A_30, %scan3A_23 : i32
      "tpu.region"() ({
        %run_scoped3A = tpu.sem_alloc : memref<!tpu.dma_semaphore, #tpu.memory_space<semaphore_mem>>
        %dma_start3A_43 = arith.constant 0 : i32
        %dma_start3A_44 = arith.constant 0 : i32
        %dma_start3A_45 = tpu.memref_slice %arg4[%add3A_31, %dma_start3A_43, %dma_start3A_44] : memref<160x16x128xi32, #tpu.memory_space<hbm>> -> memref<1x16x128xi32, #tpu.memory_space<hbm>>
        %dma_start3A_46 = tpu.memref_squeeze %dma_start3A_45 : memref<1x16x128xi32, #tpu.memory_space<hbm>> -> memref<16x128xi32, #tpu.memory_space<hbm>>
        %dma_start3A_47 = arith.constant 0 : i32
        %dma_start3A_48 = arith.constant 0 : i32
        %dma_start3A_49 = tpu.memref_slice %arg4[%add3A_31, %dma_start3A_47, %dma_start3A_48] : memref<160x16x128xi32, #tpu.memory_space<hbm>> -> memref<1x16x128xi32, #tpu.memory_space<hbm>>
        %dma_start3A_50 = tpu.memref_squeeze %dma_start3A_49 : memref<1x16x128xi32, #tpu.memory_space<hbm>> -> memref<16x128xi32, #tpu.memory_space<hbm>>
        tpu.enqueue_dma source(%dma_start3A_50 : memref<16x128xi32, #tpu.memory_space<hbm>>) target(%arg8 : memref<16x128xi32, #tpu.memory_space<vmem>>) target_semaphore(%run_scoped3A : memref<!tpu.dma_semaphore, #tpu.memory_space<semaphore_mem>>)
        %dma_wait3A = arith.constant 0 : i32
        %dma_wait3A_51 = arith.constant 0 : i32
        %dma_wait3A_52 = tpu.memref_slice %arg4[%add3A_31, %dma_wait3A, %dma_wait3A_51] : memref<160x16x128xi32, #tpu.memory_space<hbm>> -> memref<1x16x128xi32, #tpu.memory_space<hbm>>
        %dma_wait3A_53 = tpu.memref_squeeze %dma_wait3A_52 : memref<1x16x128xi32, #tpu.memory_space<hbm>> -> memref<16x128xi32, #tpu.memory_space<hbm>>
        %dma_wait3A_54 = arith.constant 0 : i32
        %dma_wait3A_55 = arith.constant 0 : i32
        %dma_wait3A_56 = tpu.memref_slice %arg4[%add3A_31, %dma_wait3A_54, %dma_wait3A_55] : memref<160x16x128xi32, #tpu.memory_space<hbm>> -> memref<1x16x128xi32, #tpu.memory_space<hbm>>
        %dma_wait3A_57 = tpu.memref_squeeze %dma_wait3A_56 : memref<1x16x128xi32, #tpu.memory_space<hbm>> -> memref<16x128xi32, #tpu.memory_space<hbm>>
        tpu.wait_dma2 semaphore(%run_scoped3A : memref<!tpu.dma_semaphore, #tpu.memory_space<semaphore_mem>>) src(%dma_wait3A_57 : memref<16x128xi32, #tpu.memory_space<hbm>>) dst(%arg8 : memref<16x128xi32, #tpu.memory_space<vmem>>)
        tpu.yield
      }) : () -> ()
      %dma_start3A = arith.constant 0 : i32
      %dma_start3A_32 = arith.constant 0 : i32
      %dma_start3A_33 = tpu.memref_slice %arg7[%dma_start3A, %dma_start3A_32] : memref<16x128xi32, #tpu.memory_space<vmem>> -> memref<1x128xi32, #tpu.memory_space<vmem>>
      %dma_start3A_34 = tpu.memref_squeeze %dma_start3A_33 : memref<1x128xi32, #tpu.memory_space<vmem>> -> memref<128xi32, #tpu.memory_space<vmem>>
      %dma_start3A_35 = arith.constant 0 : i32
      %dma_start3A_36 = arith.constant 0 : i32
      %dma_start3A_37 = tpu.memref_slice %arg2[%dma_start3A_35, %dma_start3A_36] : memref<20000x128xf32, #tpu.memory_space<hbm>> -> memref<20000x128xf32, #tpu.memory_space<hbm>>
      tpu.enqueue_indirect_dma source(%dma_start3A_37 : memref<20000x128xf32, #tpu.memory_space<hbm>>) target(%arg9 : memref<128x128xf32, #tpu.memory_space<vmem>>) offsets(%dma_start3A_34 : memref<128xi32, #tpu.memory_space<vmem>>) semaphore(%arg12 : memref<!tpu.dma_semaphore, #tpu.memory_space<semaphore_mem>>)
      %scan3A_38 = arith.constant 0 : i32
      %scan3A_39 = arith.constant 8 : i32
      %scan3A_40 = arith.addi %scan3A_38, %scan3A_39 : i32
      %scan3A_41 = arith.constant 1 : i32
      scf.for %scan3A_43 = %scan3A_38 to %scan3A_40 step %scan3A_41  : i32 {
        %dma_wait3A = arith.constant 0 : i32
        %dma_wait3A_44 = arith.constant 0 : i32
        %dma_wait3A_45 = tpu.memref_slice %arg2[%dma_wait3A, %dma_wait3A_44] : memref<20000x128xf32, #tpu.memory_space<hbm>> -> memref<128x128xf32, #tpu.memory_space<hbm>>
        %dma_wait3A_46 = arith.constant 0 : i32
        %dma_wait3A_47 = arith.constant 0 : i32
        %dma_wait3A_48 = tpu.memref_slice %arg2[%dma_wait3A_46, %dma_wait3A_47] : memref<20000x128xf32, #tpu.memory_space<hbm>> -> memref<128x128xf32, #tpu.memory_space<hbm>>
        tpu.wait_dma2 semaphore(%arg12 : memref<!tpu.dma_semaphore, #tpu.memory_space<semaphore_mem>>) src(%dma_wait3A_48 : memref<128x128xf32, #tpu.memory_space<hbm>>) dst(%arg9 : memref<128x128xf32, #tpu.memory_space<vmem>>)
        %mul3A_49 = arith.constant 2 : i32
        %mul3A_50 = arith.muli %mul3A_49, %scan3A_43 : i32
        %add3A_51 = arith.constant 1 : i32
        %add3A_52 = arith.addi %mul3A_50, %add3A_51 : i32
        %dma_start3A_53 = arith.constant 0 : i32
        %dma_start3A_54 = tpu.memref_slice %arg7[%add3A_52, %dma_start3A_53] : memref<16x128xi32, #tpu.memory_space<vmem>> -> memref<1x128xi32, #tpu.memory_space<vmem>>
        %dma_start3A_55 = tpu.memref_squeeze %dma_start3A_54 : memref<1x128xi32, #tpu.memory_space<vmem>> -> memref<128xi32, #tpu.memory_space<vmem>>
        %dma_start3A_56 = arith.constant 0 : i32
        %dma_start3A_57 = arith.constant 0 : i32
        %dma_start3A_58 = tpu.memref_slice %arg2[%dma_start3A_56, %dma_start3A_57] : memref<20000x128xf32, #tpu.memory_space<hbm>> -> memref<20000x128xf32, #tpu.memory_space<hbm>>
        tpu.enqueue_indirect_dma source(%dma_start3A_58 : memref<20000x128xf32, #tpu.memory_space<hbm>>) target(%arg10 : memref<128x128xf32, #tpu.memory_space<vmem>>) offsets(%dma_start3A_55 : memref<128xi32, #tpu.memory_space<vmem>>) semaphore(%arg13 : memref<!tpu.dma_semaphore, #tpu.memory_space<semaphore_mem>>)
        %dma_wait3A_59 = arith.constant 0 : i32
        %dma_wait3A_60 = arith.constant 0 : i32
        %dma_wait3A_61 = tpu.memref_slice %arg2[%dma_wait3A_59, %dma_wait3A_60] : memref<20000x128xf32, #tpu.memory_space<hbm>> -> memref<128x128xf32, #tpu.memory_space<hbm>>
        %dma_wait3A_62 = arith.constant 0 : i32
        %dma_wait3A_63 = arith.constant 0 : i32
        %dma_wait3A_64 = tpu.memref_slice %arg2[%dma_wait3A_62, %dma_wait3A_63] : memref<20000x128xf32, #tpu.memory_space<hbm>> -> memref<128x128xf32, #tpu.memory_space<hbm>>
        tpu.wait_dma2 semaphore(%arg13 : memref<!tpu.dma_semaphore, #tpu.memory_space<semaphore_mem>>) src(%dma_wait3A_64 : memref<128x128xf32, #tpu.memory_space<hbm>>) dst(%arg10 : memref<128x128xf32, #tpu.memory_space<vmem>>)
        %lt3A_65 = arith.constant 7 : i32
        %lt3A_66 = arith.cmpi slt, %scan3A_43, %lt3A_65 : i32
        %convert_element_type3A_67 = arith.extui %lt3A_66 : i1 to i32
        %cond3A_68 = arith.constant 0 : i32
        %cond3A_69 = arith.cmpi ne, %convert_element_type3A_67, %cond3A_68 : i32
        scf.if %cond3A_69 {
          %mul3A_70 = arith.constant 2 : i32
          %mul3A_71 = arith.muli %mul3A_70, %scan3A_43 : i32
          %add3A_72 = arith.constant 2 : i32
          %add3A_73 = arith.addi %mul3A_71, %add3A_72 : i32
          %dma_start3A_74 = arith.constant 0 : i32
          %dma_start3A_75 = tpu.memref_slice %arg7[%add3A_73, %dma_start3A_74] : memref<16x128xi32, #tpu.memory_space<vmem>> -> memref<1x128xi32, #tpu.memory_space<vmem>>
          %dma_start3A_76 = tpu.memref_squeeze %dma_start3A_75 : memref<1x128xi32, #tpu.memory_space<vmem>> -> memref<128xi32, #tpu.memory_space<vmem>>
          %dma_start3A_77 = arith.constant 0 : i32
          %dma_start3A_78 = arith.constant 0 : i32
          %dma_start3A_79 = tpu.memref_slice %arg2[%dma_start3A_77, %dma_start3A_78] : memref<20000x128xf32, #tpu.memory_space<hbm>> -> memref<20000x128xf32, #tpu.memory_space<hbm>>
          tpu.enqueue_indirect_dma source(%dma_start3A_79 : memref<20000x128xf32, #tpu.memory_space<hbm>>) target(%arg9 : memref<128x128xf32, #tpu.memory_space<vmem>>) offsets(%dma_start3A_76 : memref<128xi32, #tpu.memory_space<vmem>>) semaphore(%arg12 : memref<!tpu.dma_semaphore, #tpu.memory_space<semaphore_mem>>)
        } else {
        }
      }
      %scan3A_42 = arith.constant 8 : i32
    }
    %scan3A_10 = arith.constant 10 : i32
    %barrier3A_11 = arith.constant 0 : index
    tpu.barrier barrier_id(%barrier3A_11)
    %mul3A = arith.constant 632 : i32
    %mul3A_12 = arith.muli %arg1, %mul3A : i32
    %lt3A_13 = arith.constant 15 : i32
    %lt3A_14 = arith.cmpi slt, %arg1, %lt3A_13 : i32
    %convert_element_type3A_15 = arith.extui %lt3A_14 : i1 to i32
    %cond3A_16 = arith.constant 0 : i32
    %cond3A_17 = arith.cmpi ne, %convert_element_type3A_15, %cond3A_16 : i32
    scf.if %cond3A_17 {
      %mul3A_23 = arith.constant 10000 : i32
      %mul3A_24 = arith.muli %arg0, %mul3A_23 : i32
      %add3A = arith.addi %mul3A_24, %mul3A_12 : i32
      "tpu.region"() ({
        %run_scoped3A = tpu.sem_alloc : memref<!tpu.dma_semaphore, #tpu.memory_space<semaphore_mem>>
        %dma_start3A = arith.constant 0 : i32
        %dma_start3A_25 = tpu.memref_slice %arg6[%add3A, %dma_start3A] : memref<20000x128xf32, #tpu.memory_space<hbm>> -> memref<632x128xf32, #tpu.memory_space<hbm>>
        %dma_start3A_26 = arith.constant 0 : i32
        %dma_start3A_27 = tpu.memref_slice %arg11[%mul3A_12, %dma_start3A_26] : memref<10008x128xf32, #tpu.memory_space<vmem_shared>> -> memref<632x128xf32, #tpu.memory_space<vmem_shared>>
        tpu.enqueue_dma source(%dma_start3A_27 : memref<632x128xf32, #tpu.memory_space<vmem_shared>>) target(%dma_start3A_25 : memref<632x128xf32, #tpu.memory_space<hbm>>) target_semaphore(%run_scoped3A : memref<!tpu.dma_semaphore, #tpu.memory_space<semaphore_mem>>)
        %dma_wait3A = arith.constant 0 : i32
        %dma_wait3A_28 = tpu.memref_slice %arg6[%add3A, %dma_wait3A] : memref<20000x128xf32, #tpu.memory_space<hbm>> -> memref<632x128xf32, #tpu.memory_space<hbm>>
        %dma_wait3A_29 = arith.constant 0 : i32
        %dma_wait3A_30 = tpu.memref_slice %arg11[%mul3A_12, %dma_wait3A_29] : memref<10008x128xf32, #tpu.memory_space<vmem_shared>> -> memref<632x128xf32, #tpu.memory_space<vmem_shared>>
        tpu.wait_dma2 semaphore(%run_scoped3A : memref<!tpu.dma_semaphore, #tpu.memory_space<semaphore_mem>>) src(%dma_wait3A_30 : memref<632x128xf32, #tpu.memory_space<vmem_shared>>) dst(%dma_wait3A_28 : memref<632x128xf32, #tpu.memory_space<hbm>>)
        tpu.yield
      }) : () -> ()
    } else {
    }
    %eq3A_18 = arith.constant 15 : i32
    %eq3A_19 = arith.cmpi eq, %arg1, %eq3A_18 : i32
    %convert_element_type3A_20 = arith.extui %eq3A_19 : i1 to i32
    %cond3A_21 = arith.constant 0 : i32
    %cond3A_22 = arith.cmpi ne, %convert_element_type3A_20, %cond3A_21 : i32
    scf.if %cond3A_22 {
      %mul3A_23 = arith.constant 10000 : i32
      %mul3A_24 = arith.muli %arg0, %mul3A_23 : i32
      %add3A = arith.constant 9480 : i32
      %add3A_25 = arith.addi %mul3A_24, %add3A : i32
      "tpu.region"() ({
        %run_scoped3A = tpu.sem_alloc : memref<!tpu.dma_semaphore, #tpu.memory_space<semaphore_mem>>
        %dma_start3A = arith.constant 0 : i32
        %dma_start3A_26 = tpu.memref_slice %arg6[%add3A_25, %dma_start3A] : memref<20000x128xf32, #tpu.memory_space<hbm>> -> memref<520x128xf32, #tpu.memory_space<hbm>>
        %dma_start3A_27 = arith.constant 9480 : i32
        %dma_start3A_28 = arith.constant 0 : i32
        %dma_start3A_29 = tpu.memref_slice %arg11[%dma_start3A_27, %dma_start3A_28] : memref<10008x128xf32, #tpu.memory_space<vmem_shared>> -> memref<520x128xf32, #tpu.memory_space<vmem_shared>>
        tpu.enqueue_dma source(%dma_start3A_29 : memref<520x128xf32, #tpu.memory_space<vmem_shared>>) target(%dma_start3A_26 : memref<520x128xf32, #tpu.memory_space<hbm>>) target_semaphore(%run_scoped3A : memref<!tpu.dma_semaphore, #tpu.memory_space<semaphore_mem>>)
        %dma_wait3A = arith.constant 0 : i32
        %dma_wait3A_30 = tpu.memref_slice %arg6[%add3A_25, %dma_wait3A] : memref<20000x128xf32, #tpu.memory_space<hbm>> -> memref<520x128xf32, #tpu.memory_space<hbm>>
        %dma_wait3A_31 = arith.constant 9480 : i32
        %dma_wait3A_32 = arith.constant 0 : i32
        %dma_wait3A_33 = tpu.memref_slice %arg11[%dma_wait3A_31, %dma_wait3A_32] : memref<10008x128xf32, #tpu.memory_space<vmem_shared>> -> memref<520x128xf32, #tpu.memory_space<vmem_shared>>
        tpu.wait_dma2 semaphore(%run_scoped3A : memref<!tpu.dma_semaphore, #tpu.memory_space<semaphore_mem>>) src(%dma_wait3A_33 : memref<520x128xf32, #tpu.memory_space<vmem_shared>>) dst(%dma_wait3A_30 : memref<520x128xf32, #tpu.memory_space<hbm>>)
        tpu.yield
      }) : () -> ()
    } else {
    }
    return
  }
}

module attributes {stable_mosaic.version = 14 : i64} {
  func.func @_prep0_body(%arg0: memref<10000x128xf32, #tpu.memory_space<vmem>>, %arg1: memref<128x128xf32, #tpu.memory_space<vmem>>, %arg2: memref<1x128xf32, #tpu.memory_space<vmem>>, %arg3: memref<10000x128xf32, #tpu.memory_space<vmem>>, %arg4: memref<20000x128xf32, #tpu.memory_space<vmem>>) attributes {dimension_semantics = [], scalar_prefetch = 0 : i64, scratch_operands = 0 : i64, tpu.core_type = #tpu.core_type<tc>} {
    %get3A = arith.constant 0 : index
    %get3A_0 = arith.constant 0 : index
    %get3A_1 = vector.load %arg0[%get3A, %get3A_0] : memref<10000x128xf32, #tpu.memory_space<vmem>>, vector<10000x128xf32>
    %get3A_2 = arith.constant 0 : index
    %get3A_3 = arith.constant 0 : index
    %get3A_4 = vector.load %arg1[%get3A_2, %get3A_3] : memref<128x128xf32, #tpu.memory_space<vmem>>, vector<128x128xf32>
    %dot_general3A = arith.constant dense<0.000000e+00> : vector<10000x128xf32>
    %dot_general3A_5 = tpu.matmul %get3A_1, %get3A_4, %dot_general3A {dimension_numbers = #tpu.dot_dimension_numbers<[1], [0], [0], [1], [0, 0, 1, 1], [], []>, transpose_lhs_hint = false} : vector<10000x128xf32>, vector<128x128xf32>, vector<10000x128xf32> -> vector<10000x128xf32>
    %get3A_6 = arith.constant 0 : index
    %get3A_7 = arith.constant 0 : index
    %get3A_8 = vector.load %arg2[%get3A_6, %get3A_7] : memref<1x128xf32, #tpu.memory_space<vmem>>, vector<1x128xf32>
    %add3A = vector.broadcast %get3A_8 : vector<1x128xf32> to vector<10000x128xf32>
    %add3A_9 = arith.addf %dot_general3A_5, %add3A : vector<10000x128xf32>
    %swap3A = arith.constant 0 : index
    %swap3A_10 = arith.constant 0 : index
    %swap3A_11 = vector.load %arg3[%swap3A, %swap3A_10] : memref<10000x128xf32, #tpu.memory_space<vmem>>, vector<10000x128xf32>
    tpu.vector_store %arg3[%swap3A, %swap3A_10], %add3A_9 {strides = array<i32>} : memref<10000x128xf32, #tpu.memory_space<vmem>>, vector<10000x128xf32>,
    %max3A = arith.constant 0.000000e+00 : f32
    %max3A_12 = vector.broadcast %max3A : f32 to vector<10000x128xf32>
    %max3A_13 = arith.maximumf %add3A_9, %max3A_12 : vector<10000x128xf32>
    %add3A_14 = arith.constant 1.000000e-07 : f32
    %add3A_15 = vector.broadcast %add3A_14 : f32 to vector<10000x128xf32>
    %add3A_16 = arith.addf %max3A_13, %add3A_15 : vector<10000x128xf32>
    %reduce_max3A = arith.constant dense<0xFF800000> : vector<128xf32>
    %reduce_max3A_17 = vector.multi_reduction <maximumf>, %add3A_16, %reduce_max3A [0] : vector<10000x128xf32> to vector<128xf32>
    %broadcast_in_dim3A = vector.shape_cast %reduce_max3A_17 : vector<128xf32> to vector<1x128xf32>
    %sub3A = vector.broadcast %broadcast_in_dim3A : vector<1x128xf32> to vector<10000x128xf32>
    %sub3A_18 = arith.subf %add3A_16, %sub3A : vector<10000x128xf32>
    %exp3A = math.exp %sub3A_18 : vector<10000x128xf32>
    %swap3A_19 = arith.constant 0 : index
    %swap3A_20 = arith.constant 0 : index
    %swap3A_21 = vector.load %arg4[%swap3A_19, %swap3A_20] : memref<20000x128xf32, #tpu.memory_space<vmem>>, vector<10000x128xf32>
    tpu.vector_store %arg4[%swap3A_19, %swap3A_20], %exp3A {strides = array<i32>} : memref<20000x128xf32, #tpu.memory_space<vmem>>, vector<10000x128xf32>,
    %mul3A = arith.mulf %exp3A, %add3A_16 : vector<10000x128xf32>
    %swap3A_22 = arith.constant 10000 : index
    %swap3A_23 = arith.constant 0 : index
    %swap3A_24 = vector.load %arg4[%swap3A_22, %swap3A_23] : memref<20000x128xf32, #tpu.memory_space<vmem>>, vector<10000x128xf32>
    tpu.vector_store %arg4[%swap3A_22, %swap3A_23], %mul3A {strides = array<i32>} : memref<20000x128xf32, #tpu.memory_space<vmem>>, vector<10000x128xf32>,
    return
  }
}

module attributes {stable_mosaic.version = 14 : i64} {
  func.func @_mid_body(%arg0: memref<20000x128xf32, #tpu.memory_space<vmem>>, %arg1: memref<10000x128xf32, #tpu.memory_space<vmem>>, %arg2: memref<10000x128xf32, #tpu.memory_space<vmem>>, %arg3: memref<128x128xf32, #tpu.memory_space<vmem>>, %arg4: memref<1x128xf32, #tpu.memory_space<vmem>>, %arg5: memref<1x128xf32, #tpu.memory_space<vmem>>, %arg6: memref<1x128xf32, #tpu.memory_space<vmem>>, %arg7: memref<10000x128xf32, #tpu.memory_space<vmem>>, %arg8: memref<10000x128xf32, #tpu.memory_space<vmem>>, %arg9: memref<20000x128xf32, #tpu.memory_space<vmem>>) attributes {dimension_semantics = [], scalar_prefetch = 0 : i64, scratch_operands = 0 : i64, tpu.core_type = #tpu.core_type<tc>} {
    %get3A = arith.constant 0 : index
    %get3A_0 = arith.constant 0 : index
    %get3A_1 = vector.load %arg0[%get3A, %get3A_0] : memref<20000x128xf32, #tpu.memory_space<vmem>>, vector<10000x128xf32>
    %get3A_2 = arith.constant 10000 : index
    %get3A_3 = arith.constant 0 : index
    %get3A_4 = vector.load %arg0[%get3A_2, %get3A_3] : memref<20000x128xf32, #tpu.memory_space<vmem>>, vector<10000x128xf32>
    %get3A_5 = arith.constant 0 : index
    %get3A_6 = arith.constant 0 : index
    %get3A_7 = vector.load %arg1[%get3A_5, %get3A_6] : memref<10000x128xf32, #tpu.memory_space<vmem>>, vector<10000x128xf32>
    %add3A = arith.constant 1.000000e-30 : f32
    %add3A_8 = vector.broadcast %add3A : f32 to vector<10000x128xf32>
    %add3A_9 = arith.addf %get3A_1, %add3A_8 : vector<10000x128xf32>
    %div3A = arith.divf %get3A_4, %add3A_9 : vector<10000x128xf32>
    %add3A_10 = arith.addf %div3A, %get3A_7 : vector<10000x128xf32>
    %get3A_11 = arith.constant 0 : index
    %get3A_12 = arith.constant 0 : index
    %get3A_13 = vector.load %arg3[%get3A_11, %get3A_12] : memref<128x128xf32, #tpu.memory_space<vmem>>, vector<128x128xf32>
    %dot_general3A = arith.constant dense<0.000000e+00> : vector<10000x128xf32>
    %dot_general3A_14 = tpu.matmul %add3A_10, %get3A_13, %dot_general3A {dimension_numbers = #tpu.dot_dimension_numbers<[1], [0], [0], [1], [0, 0, 1, 1], [], []>, transpose_lhs_hint = false} : vector<10000x128xf32>, vector<128x128xf32>, vector<10000x128xf32> -> vector<10000x128xf32>
    %get3A_15 = arith.constant 0 : index
    %get3A_16 = arith.constant 0 : index
    %get3A_17 = vector.load %arg4[%get3A_15, %get3A_16] : memref<1x128xf32, #tpu.memory_space<vmem>>, vector<1x128xf32>
    %add3A_18 = vector.broadcast %get3A_17 : vector<1x128xf32> to vector<10000x128xf32>
    %add3A_19 = arith.addf %dot_general3A_14, %add3A_18 : vector<10000x128xf32>
    %swap3A = arith.constant 0 : index
    %swap3A_20 = arith.constant 0 : index
    %swap3A_21 = vector.load %arg7[%swap3A, %swap3A_20] : memref<10000x128xf32, #tpu.memory_space<vmem>>, vector<10000x128xf32>
    tpu.vector_store %arg7[%swap3A, %swap3A_20], %add3A_19 {strides = array<i32>} : memref<10000x128xf32, #tpu.memory_space<vmem>>, vector<10000x128xf32>,
    %reduce_sum3A = arith.constant dense<0.000000e+00> : vector<128xf32>
    %reduce_sum3A_22 = vector.multi_reduction <add>, %add3A_19, %reduce_sum3A [0] : vector<10000x128xf32> to vector<128xf32>
    %broadcast_in_dim3A = vector.shape_cast %reduce_sum3A_22 : vector<128xf32> to vector<1x128xf32>
    %div3A_23 = arith.constant 1.000000e+04 : f32
    %div3A_24 = vector.broadcast %div3A_23 : f32 to vector<1x128xf32>
    %div3A_25 = arith.divf %broadcast_in_dim3A, %div3A_24 : vector<1x128xf32>
    %sub3A = vector.broadcast %div3A_25 : vector<1x128xf32> to vector<10000x128xf32>
    %sub3A_26 = arith.subf %add3A_19, %sub3A : vector<10000x128xf32>
    %sub3A_27 = vector.broadcast %div3A_25 : vector<1x128xf32> to vector<10000x128xf32>
    %sub3A_28 = arith.subf %add3A_19, %sub3A_27 : vector<10000x128xf32>
    %mul3A = arith.mulf %sub3A_26, %sub3A_28 : vector<10000x128xf32>
    %reduce_sum3A_29 = arith.constant dense<0.000000e+00> : vector<128xf32>
    %reduce_sum3A_30 = vector.multi_reduction <add>, %mul3A, %reduce_sum3A_29 [0] : vector<10000x128xf32> to vector<128xf32>
    %broadcast_in_dim3A_31 = vector.shape_cast %reduce_sum3A_30 : vector<128xf32> to vector<1x128xf32>
    %div3A_32 = arith.constant 1.000000e+04 : f32
    %div3A_33 = vector.broadcast %div3A_32 : f32 to vector<1x128xf32>
    %div3A_34 = arith.divf %broadcast_in_dim3A_31, %div3A_33 : vector<1x128xf32>
    %sub3A_35 = vector.broadcast %div3A_25 : vector<1x128xf32> to vector<10000x128xf32>
    %sub3A_36 = arith.subf %add3A_19, %sub3A_35 : vector<10000x128xf32>
    %add3A_37 = arith.constant 9.99999974E-6 : f32
    %add3A_38 = vector.broadcast %add3A_37 : f32 to vector<1x128xf32>
    %add3A_39 = arith.addf %div3A_34, %add3A_38 : vector<1x128xf32>
    %rsqrt3A = math.rsqrt %add3A_39 : vector<1x128xf32>
    %mul3A_40 = vector.broadcast %rsqrt3A : vector<1x128xf32> to vector<10000x128xf32>
    %mul3A_41 = arith.mulf %sub3A_36, %mul3A_40 : vector<10000x128xf32>
    %get3A_42 = arith.constant 0 : index
    %get3A_43 = arith.constant 0 : index
    %get3A_44 = vector.load %arg5[%get3A_42, %get3A_43] : memref<1x128xf32, #tpu.memory_space<vmem>>, vector<1x128xf32>
    %mul3A_45 = vector.broadcast %get3A_44 : vector<1x128xf32> to vector<10000x128xf32>
    %mul3A_46 = arith.mulf %mul3A_41, %mul3A_45 : vector<10000x128xf32>
    %get3A_47 = arith.constant 0 : index
    %get3A_48 = arith.constant 0 : index
    %get3A_49 = vector.load %arg6[%get3A_47, %get3A_48] : memref<1x128xf32, #tpu.memory_space<vmem>>, vector<1x128xf32>
    %add3A_50 = vector.broadcast %get3A_49 : vector<1x128xf32> to vector<10000x128xf32>
    %add3A_51 = arith.addf %mul3A_46, %add3A_50 : vector<10000x128xf32>
    %max3A = arith.constant 0.000000e+00 : f32
    %max3A_52 = vector.broadcast %max3A : f32 to vector<10000x128xf32>
    %max3A_53 = arith.maximumf %add3A_51, %max3A_52 : vector<10000x128xf32>
    %swap3A_54 = arith.constant 0 : index
    %swap3A_55 = arith.constant 0 : index
    %swap3A_56 = vector.load %arg8[%swap3A_54, %swap3A_55] : memref<10000x128xf32, #tpu.memory_space<vmem>>, vector<10000x128xf32>
    tpu.vector_store %arg8[%swap3A_54, %swap3A_55], %max3A_53 {strides = array<i32>} : memref<10000x128xf32, #tpu.memory_space<vmem>>, vector<10000x128xf32>,
    %add3A_57 = arith.constant 1.000000e-07 : f32
    %add3A_58 = vector.broadcast %add3A_57 : f32 to vector<10000x128xf32>
    %add3A_59 = arith.addf %max3A_53, %add3A_58 : vector<10000x128xf32>
    %reduce_max3A = arith.constant dense<0xFF800000> : vector<128xf32>
    %reduce_max3A_60 = vector.multi_reduction <maximumf>, %add3A_59, %reduce_max3A [0] : vector<10000x128xf32> to vector<128xf32>
    %broadcast_in_dim3A_61 = vector.shape_cast %reduce_max3A_60 : vector<128xf32> to vector<1x128xf32>
    %sub3A_62 = vector.broadcast %broadcast_in_dim3A_61 : vector<1x128xf32> to vector<10000x128xf32>
    %sub3A_63 = arith.subf %add3A_59, %sub3A_62 : vector<10000x128xf32>
    %exp3A = math.exp %sub3A_63 : vector<10000x128xf32>
    %swap3A_64 = arith.constant 0 : index
    %swap3A_65 = arith.constant 0 : index
    %swap3A_66 = vector.load %arg9[%swap3A_64, %swap3A_65] : memref<20000x128xf32, #tpu.memory_space<vmem>>, vector<10000x128xf32>
    tpu.vector_store %arg9[%swap3A_64, %swap3A_65], %exp3A {strides = array<i32>} : memref<20000x128xf32, #tpu.memory_space<vmem>>, vector<10000x128xf32>,
    %mul3A_67 = arith.mulf %exp3A, %add3A_59 : vector<10000x128xf32>
    %swap3A_68 = arith.constant 10000 : index
    %swap3A_69 = arith.constant 0 : index
    %swap3A_70 = vector.load %arg9[%swap3A_68, %swap3A_69] : memref<20000x128xf32, #tpu.memory_space<vmem>>, vector<10000x128xf32>
    tpu.vector_store %arg9[%swap3A_68, %swap3A_69], %mul3A_67 {strides = array<i32>} : memref<20000x128xf32, #tpu.memory_space<vmem>>, vector<10000x128xf32>,
    return
  }
}

module attributes {stable_mosaic.version = 14 : i64} {
  func.func @_mid_body(%arg0: memref<20000x128xf32, #tpu.memory_space<vmem>>, %arg1: memref<10000x128xf32, #tpu.memory_space<vmem>>, %arg2: memref<10000x128xf32, #tpu.memory_space<vmem>>, %arg3: memref<128x128xf32, #tpu.memory_space<vmem>>, %arg4: memref<1x128xf32, #tpu.memory_space<vmem>>, %arg5: memref<1x128xf32, #tpu.memory_space<vmem>>, %arg6: memref<1x128xf32, #tpu.memory_space<vmem>>, %arg7: memref<10000x128xf32, #tpu.memory_space<vmem>>, %arg8: memref<10000x128xf32, #tpu.memory_space<vmem>>, %arg9: memref<20000x128xf32, #tpu.memory_space<vmem>>) attributes {dimension_semantics = [], scalar_prefetch = 0 : i64, scratch_operands = 0 : i64, tpu.core_type = #tpu.core_type<tc>} {
    %get3A = arith.constant 0 : index
    %get3A_0 = arith.constant 0 : index
    %get3A_1 = vector.load %arg0[%get3A, %get3A_0] : memref<20000x128xf32, #tpu.memory_space<vmem>>, vector<10000x128xf32>
    %get3A_2 = arith.constant 10000 : index
    %get3A_3 = arith.constant 0 : index
    %get3A_4 = vector.load %arg0[%get3A_2, %get3A_3] : memref<20000x128xf32, #tpu.memory_space<vmem>>, vector<10000x128xf32>
    %get3A_5 = arith.constant 0 : index
    %get3A_6 = arith.constant 0 : index
    %get3A_7 = vector.load %arg1[%get3A_5, %get3A_6] : memref<10000x128xf32, #tpu.memory_space<vmem>>, vector<10000x128xf32>
    %add3A = arith.constant 1.000000e-30 : f32
    %add3A_8 = vector.broadcast %add3A : f32 to vector<10000x128xf32>
    %add3A_9 = arith.addf %get3A_1, %add3A_8 : vector<10000x128xf32>
    %div3A = arith.divf %get3A_4, %add3A_9 : vector<10000x128xf32>
    %add3A_10 = arith.addf %div3A, %get3A_7 : vector<10000x128xf32>
    %get3A_11 = arith.constant 0 : index
    %get3A_12 = arith.constant 0 : index
    %get3A_13 = vector.load %arg3[%get3A_11, %get3A_12] : memref<128x128xf32, #tpu.memory_space<vmem>>, vector<128x128xf32>
    %dot_general3A = arith.constant dense<0.000000e+00> : vector<10000x128xf32>
    %dot_general3A_14 = tpu.matmul %add3A_10, %get3A_13, %dot_general3A {dimension_numbers = #tpu.dot_dimension_numbers<[1], [0], [0], [1], [0, 0, 1, 1], [], []>, transpose_lhs_hint = false} : vector<10000x128xf32>, vector<128x128xf32>, vector<10000x128xf32> -> vector<10000x128xf32>
    %get3A_15 = arith.constant 0 : index
    %get3A_16 = arith.constant 0 : index
    %get3A_17 = vector.load %arg4[%get3A_15, %get3A_16] : memref<1x128xf32, #tpu.memory_space<vmem>>, vector<1x128xf32>
    %add3A_18 = vector.broadcast %get3A_17 : vector<1x128xf32> to vector<10000x128xf32>
    %add3A_19 = arith.addf %dot_general3A_14, %add3A_18 : vector<10000x128xf32>
    %get3A_20 = arith.constant 0 : index
    %get3A_21 = arith.constant 0 : index
    %get3A_22 = vector.load %arg2[%get3A_20, %get3A_21] : memref<10000x128xf32, #tpu.memory_space<vmem>>, vector<10000x128xf32>
    %add3A_23 = arith.addf %add3A_19, %get3A_22 : vector<10000x128xf32>
    %swap3A = arith.constant 0 : index
    %swap3A_24 = arith.constant 0 : index
    %swap3A_25 = vector.load %arg7[%swap3A, %swap3A_24] : memref<10000x128xf32, #tpu.memory_space<vmem>>, vector<10000x128xf32>
    tpu.vector_store %arg7[%swap3A, %swap3A_24], %add3A_23 {strides = array<i32>} : memref<10000x128xf32, #tpu.memory_space<vmem>>, vector<10000x128xf32>,
    %reduce_sum3A = arith.constant dense<0.000000e+00> : vector<128xf32>
    %reduce_sum3A_26 = vector.multi_reduction <add>, %add3A_23, %reduce_sum3A [0] : vector<10000x128xf32> to vector<128xf32>
    %broadcast_in_dim3A = vector.shape_cast %reduce_sum3A_26 : vector<128xf32> to vector<1x128xf32>
    %div3A_27 = arith.constant 1.000000e+04 : f32
    %div3A_28 = vector.broadcast %div3A_27 : f32 to vector<1x128xf32>
    %div3A_29 = arith.divf %broadcast_in_dim3A, %div3A_28 : vector<1x128xf32>
    %sub3A = vector.broadcast %div3A_29 : vector<1x128xf32> to vector<10000x128xf32>
    %sub3A_30 = arith.subf %add3A_23, %sub3A : vector<10000x128xf32>
    %sub3A_31 = vector.broadcast %div3A_29 : vector<1x128xf32> to vector<10000x128xf32>
    %sub3A_32 = arith.subf %add3A_23, %sub3A_31 : vector<10000x128xf32>
    %mul3A = arith.mulf %sub3A_30, %sub3A_32 : vector<10000x128xf32>
    %reduce_sum3A_33 = arith.constant dense<0.000000e+00> : vector<128xf32>
    %reduce_sum3A_34 = vector.multi_reduction <add>, %mul3A, %reduce_sum3A_33 [0] : vector<10000x128xf32> to vector<128xf32>
    %broadcast_in_dim3A_35 = vector.shape_cast %reduce_sum3A_34 : vector<128xf32> to vector<1x128xf32>
    %div3A_36 = arith.constant 1.000000e+04 : f32
    %div3A_37 = vector.broadcast %div3A_36 : f32 to vector<1x128xf32>
    %div3A_38 = arith.divf %broadcast_in_dim3A_35, %div3A_37 : vector<1x128xf32>
    %sub3A_39 = vector.broadcast %div3A_29 : vector<1x128xf32> to vector<10000x128xf32>
    %sub3A_40 = arith.subf %add3A_23, %sub3A_39 : vector<10000x128xf32>
    %add3A_41 = arith.constant 9.99999974E-6 : f32
    %add3A_42 = vector.broadcast %add3A_41 : f32 to vector<1x128xf32>
    %add3A_43 = arith.addf %div3A_38, %add3A_42 : vector<1x128xf32>
    %rsqrt3A = math.rsqrt %add3A_43 : vector<1x128xf32>
    %mul3A_44 = vector.broadcast %rsqrt3A : vector<1x128xf32> to vector<10000x128xf32>
    %mul3A_45 = arith.mulf %sub3A_40, %mul3A_44 : vector<10000x128xf32>
    %get3A_46 = arith.constant 0 : index
    %get3A_47 = arith.constant 0 : index
    %get3A_48 = vector.load %arg5[%get3A_46, %get3A_47] : memref<1x128xf32, #tpu.memory_space<vmem>>, vector<1x128xf32>
    %mul3A_49 = vector.broadcast %get3A_48 : vector<1x128xf32> to vector<10000x128xf32>
    %mul3A_50 = arith.mulf %mul3A_45, %mul3A_49 : vector<10000x128xf32>
    %get3A_51 = arith.constant 0 : index
    %get3A_52 = arith.constant 0 : index
    %get3A_53 = vector.load %arg6[%get3A_51, %get3A_52] : memref<1x128xf32, #tpu.memory_space<vmem>>, vector<1x128xf32>
    %add3A_54 = vector.broadcast %get3A_53 : vector<1x128xf32> to vector<10000x128xf32>
    %add3A_55 = arith.addf %mul3A_50, %add3A_54 : vector<10000x128xf32>
    %max3A = arith.constant 0.000000e+00 : f32
    %max3A_56 = vector.broadcast %max3A : f32 to vector<10000x128xf32>
    %max3A_57 = arith.maximumf %add3A_55, %max3A_56 : vector<10000x128xf32>
    %swap3A_58 = arith.constant 0 : index
    %swap3A_59 = arith.constant 0 : index
    %swap3A_60 = vector.load %arg8[%swap3A_58, %swap3A_59] : memref<10000x128xf32, #tpu.memory_space<vmem>>, vector<10000x128xf32>
    tpu.vector_store %arg8[%swap3A_58, %swap3A_59], %max3A_57 {strides = array<i32>} : memref<10000x128xf32, #tpu.memory_space<vmem>>, vector<10000x128xf32>,
    %add3A_61 = arith.constant 1.000000e-07 : f32
    %add3A_62 = vector.broadcast %add3A_61 : f32 to vector<10000x128xf32>
    %add3A_63 = arith.addf %max3A_57, %add3A_62 : vector<10000x128xf32>
    %reduce_max3A = arith.constant dense<0xFF800000> : vector<128xf32>
    %reduce_max3A_64 = vector.multi_reduction <maximumf>, %add3A_63, %reduce_max3A [0] : vector<10000x128xf32> to vector<128xf32>
    %broadcast_in_dim3A_65 = vector.shape_cast %reduce_max3A_64 : vector<128xf32> to vector<1x128xf32>
    %sub3A_66 = vector.broadcast %broadcast_in_dim3A_65 : vector<1x128xf32> to vector<10000x128xf32>
    %sub3A_67 = arith.subf %add3A_63, %sub3A_66 : vector<10000x128xf32>
    %exp3A = math.exp %sub3A_67 : vector<10000x128xf32>
    %swap3A_68 = arith.constant 0 : index
    %swap3A_69 = arith.constant 0 : index
    %swap3A_70 = vector.load %arg9[%swap3A_68, %swap3A_69] : memref<20000x128xf32, #tpu.memory_space<vmem>>, vector<10000x128xf32>
    tpu.vector_store %arg9[%swap3A_68, %swap3A_69], %exp3A {strides = array<i32>} : memref<20000x128xf32, #tpu.memory_space<vmem>>, vector<10000x128xf32>,
    %mul3A_71 = arith.mulf %exp3A, %add3A_63 : vector<10000x128xf32>
    %swap3A_72 = arith.constant 10000 : index
    %swap3A_73 = arith.constant 0 : index
    %swap3A_74 = vector.load %arg9[%swap3A_72, %swap3A_73] : memref<20000x128xf32, #tpu.memory_space<vmem>>, vector<10000x128xf32>
    tpu.vector_store %arg9[%swap3A_72, %swap3A_73], %mul3A_71 {strides = array<i32>} : memref<20000x128xf32, #tpu.memory_space<vmem>>, vector<10000x128xf32>,
    return
  }
}

module attributes {stable_mosaic.version = 14 : i64} {
  func.func @_final_body(%arg0: memref<20000x128xf32, #tpu.memory_space<vmem>>, %arg1: memref<10000x128xf32, #tpu.memory_space<vmem>>, %arg2: memref<10000x128xf32, #tpu.memory_space<vmem>>, %arg3: memref<128x128xf32, #tpu.memory_space<vmem>>, %arg4: memref<1x128xf32, #tpu.memory_space<vmem>>, %arg5: memref<1x128xf32, #tpu.memory_space<vmem>>, %arg6: memref<1x128xf32, #tpu.memory_space<vmem>>, %arg7: memref<128x128xf32, #tpu.memory_space<vmem>>, %arg8: memref<1x128xf32, #tpu.memory_space<vmem>>, %arg9: memref<10000x128xf32, #tpu.memory_space<vmem>>) attributes {dimension_semantics = [], scalar_prefetch = 0 : i64, scratch_operands = 0 : i64, tpu.core_type = #tpu.core_type<tc>} {
    %get3A = arith.constant 0 : index
    %get3A_0 = arith.constant 0 : index
    %get3A_1 = vector.load %arg0[%get3A, %get3A_0] : memref<20000x128xf32, #tpu.memory_space<vmem>>, vector<10000x128xf32>
    %get3A_2 = arith.constant 10000 : index
    %get3A_3 = arith.constant 0 : index
    %get3A_4 = vector.load %arg0[%get3A_2, %get3A_3] : memref<20000x128xf32, #tpu.memory_space<vmem>>, vector<10000x128xf32>
    %add3A = arith.constant 1.000000e-30 : f32
    %add3A_5 = vector.broadcast %add3A : f32 to vector<10000x128xf32>
    %add3A_6 = arith.addf %get3A_1, %add3A_5 : vector<10000x128xf32>
    %div3A = arith.divf %get3A_4, %add3A_6 : vector<10000x128xf32>
    %get3A_7 = arith.constant 0 : index
    %get3A_8 = arith.constant 0 : index
    %get3A_9 = vector.load %arg1[%get3A_7, %get3A_8] : memref<10000x128xf32, #tpu.memory_space<vmem>>, vector<10000x128xf32>
    %add3A_10 = arith.addf %div3A, %get3A_9 : vector<10000x128xf32>
    %get3A_11 = arith.constant 0 : index
    %get3A_12 = arith.constant 0 : index
    %get3A_13 = vector.load %arg3[%get3A_11, %get3A_12] : memref<128x128xf32, #tpu.memory_space<vmem>>, vector<128x128xf32>
    %dot_general3A = arith.constant dense<0.000000e+00> : vector<10000x128xf32>
    %dot_general3A_14 = tpu.matmul %add3A_10, %get3A_13, %dot_general3A {dimension_numbers = #tpu.dot_dimension_numbers<[1], [0], [0], [1], [0, 0, 1, 1], [], []>, transpose_lhs_hint = false} : vector<10000x128xf32>, vector<128x128xf32>, vector<10000x128xf32> -> vector<10000x128xf32>
    %get3A_15 = arith.constant 0 : index
    %get3A_16 = arith.constant 0 : index
    %get3A_17 = vector.load %arg4[%get3A_15, %get3A_16] : memref<1x128xf32, #tpu.memory_space<vmem>>, vector<1x128xf32>
    %add3A_18 = vector.broadcast %get3A_17 : vector<1x128xf32> to vector<10000x128xf32>
    %add3A_19 = arith.addf %dot_general3A_14, %add3A_18 : vector<10000x128xf32>
    %get3A_20 = arith.constant 0 : index
    %get3A_21 = arith.constant 0 : index
    %get3A_22 = vector.load %arg2[%get3A_20, %get3A_21] : memref<10000x128xf32, #tpu.memory_space<vmem>>, vector<10000x128xf32>
    %add3A_23 = arith.addf %add3A_19, %get3A_22 : vector<10000x128xf32>
    %reduce_sum3A = arith.constant dense<0.000000e+00> : vector<128xf32>
    %reduce_sum3A_24 = vector.multi_reduction <add>, %add3A_23, %reduce_sum3A [0] : vector<10000x128xf32> to vector<128xf32>
    %broadcast_in_dim3A = vector.shape_cast %reduce_sum3A_24 : vector<128xf32> to vector<1x128xf32>
    %div3A_25 = arith.constant 1.000000e+04 : f32
    %div3A_26 = vector.broadcast %div3A_25 : f32 to vector<1x128xf32>
    %div3A_27 = arith.divf %broadcast_in_dim3A, %div3A_26 : vector<1x128xf32>
    %sub3A = vector.broadcast %div3A_27 : vector<1x128xf32> to vector<10000x128xf32>
    %sub3A_28 = arith.subf %add3A_23, %sub3A : vector<10000x128xf32>
    %sub3A_29 = vector.broadcast %div3A_27 : vector<1x128xf32> to vector<10000x128xf32>
    %sub3A_30 = arith.subf %add3A_23, %sub3A_29 : vector<10000x128xf32>
    %mul3A = arith.mulf %sub3A_28, %sub3A_30 : vector<10000x128xf32>
    %reduce_sum3A_31 = arith.constant dense<0.000000e+00> : vector<128xf32>
    %reduce_sum3A_32 = vector.multi_reduction <add>, %mul3A, %reduce_sum3A_31 [0] : vector<10000x128xf32> to vector<128xf32>
    %broadcast_in_dim3A_33 = vector.shape_cast %reduce_sum3A_32 : vector<128xf32> to vector<1x128xf32>
    %div3A_34 = arith.constant 1.000000e+04 : f32
    %div3A_35 = vector.broadcast %div3A_34 : f32 to vector<1x128xf32>
    %div3A_36 = arith.divf %broadcast_in_dim3A_33, %div3A_35 : vector<1x128xf32>
    %sub3A_37 = vector.broadcast %div3A_27 : vector<1x128xf32> to vector<10000x128xf32>
    %sub3A_38 = arith.subf %add3A_23, %sub3A_37 : vector<10000x128xf32>
    %add3A_39 = arith.constant 9.99999974E-6 : f32
    %add3A_40 = vector.broadcast %add3A_39 : f32 to vector<1x128xf32>
    %add3A_41 = arith.addf %div3A_36, %add3A_40 : vector<1x128xf32>
    %rsqrt3A = math.rsqrt %add3A_41 : vector<1x128xf32>
    %mul3A_42 = vector.broadcast %rsqrt3A : vector<1x128xf32> to vector<10000x128xf32>
    %mul3A_43 = arith.mulf %sub3A_38, %mul3A_42 : vector<10000x128xf32>
    %get3A_44 = arith.constant 0 : index
    %get3A_45 = arith.constant 0 : index
    %get3A_46 = vector.load %arg5[%get3A_44, %get3A_45] : memref<1x128xf32, #tpu.memory_space<vmem>>, vector<1x128xf32>
    %mul3A_47 = vector.broadcast %get3A_46 : vector<1x128xf32> to vector<10000x128xf32>
    %mul3A_48 = arith.mulf %mul3A_43, %mul3A_47 : vector<10000x128xf32>
    %get3A_49 = arith.constant 0 : index
    %get3A_50 = arith.constant 0 : index
    %get3A_51 = vector.load %arg6[%get3A_49, %get3A_50] : memref<1x128xf32, #tpu.memory_space<vmem>>, vector<1x128xf32>
    %add3A_52 = vector.broadcast %get3A_51 : vector<1x128xf32> to vector<10000x128xf32>
    %add3A_53 = arith.addf %mul3A_48, %add3A_52 : vector<10000x128xf32>
    %max3A = arith.constant 0.000000e+00 : f32
    %max3A_54 = vector.broadcast %max3A : f32 to vector<10000x128xf32>
    %max3A_55 = arith.maximumf %add3A_53, %max3A_54 : vector<10000x128xf32>
    %get3A_56 = arith.constant 0 : index
    %get3A_57 = arith.constant 0 : index
    %get3A_58 = vector.load %arg7[%get3A_56, %get3A_57] : memref<128x128xf32, #tpu.memory_space<vmem>>, vector<128x128xf32>
    %dot_general3A_59 = arith.constant dense<0.000000e+00> : vector<10000x128xf32>
    %dot_general3A_60 = tpu.matmul %max3A_55, %get3A_58, %dot_general3A_59 {dimension_numbers = #tpu.dot_dimension_numbers<[1], [0], [0], [1], [0, 0, 1, 1], [], []>, transpose_lhs_hint = false} : vector<10000x128xf32>, vector<128x128xf32>, vector<10000x128xf32> -> vector<10000x128xf32>
    %get3A_61 = arith.constant 0 : index
    %get3A_62 = arith.constant 0 : index
    %get3A_63 = vector.load %arg8[%get3A_61, %get3A_62] : memref<1x128xf32, #tpu.memory_space<vmem>>, vector<1x128xf32>
    %add3A_64 = vector.broadcast %get3A_63 : vector<1x128xf32> to vector<10000x128xf32>
    %add3A_65 = arith.addf %dot_general3A_60, %add3A_64 : vector<10000x128xf32>
    %reduce_max3A = arith.constant dense<0xFF800000> : vector<10000xf32>
    %reduce_max3A_66 = vector.multi_reduction <maximumf>, %add3A_65, %reduce_max3A [1] : vector<10000x128xf32> to vector<10000xf32>
    %broadcast_in_dim3A_67 = vector.shape_cast %reduce_max3A_66 : vector<10000xf32> to vector<10000x1xf32>
    %sub3A_68 = vector.broadcast %broadcast_in_dim3A_67 : vector<10000x1xf32> to vector<10000x128xf32>
    %sub3A_69 = arith.subf %add3A_65, %sub3A_68 : vector<10000x128xf32>
    %exp3A = math.exp %sub3A_69 : vector<10000x128xf32>
    %reduce_sum3A_70 = arith.constant dense<0.000000e+00> : vector<10000xf32>
    %reduce_sum3A_71 = vector.multi_reduction <add>, %exp3A, %reduce_sum3A_70 [1] : vector<10000x128xf32> to vector<10000xf32>
    %broadcast_in_dim3A_72 = vector.shape_cast %reduce_sum3A_71 : vector<10000xf32> to vector<10000x1xf32>
    %log3A = math.log %broadcast_in_dim3A_72 : vector<10000x1xf32>
    %add3A_73 = arith.addf %broadcast_in_dim3A_67, %log3A : vector<10000x1xf32>
    %sub3A_74 = vector.broadcast %add3A_73 : vector<10000x1xf32> to vector<10000x128xf32>
    %sub3A_75 = arith.subf %add3A_65, %sub3A_74 : vector<10000x128xf32>
    %swap3A = arith.constant 0 : index
    %swap3A_76 = arith.constant 0 : index
    %swap3A_77 = vector.load %arg9[%swap3A, %swap3A_76] : memref<10000x128xf32, #tpu.memory_space<vmem>>, vector<10000x128xf32>
    tpu.vector_store %arg9[%swap3A, %swap3A_76], %sub3A_75 {strides = array<i32>} : memref<10000x128xf32, #tpu.memory_space<vmem>>, vector<10000x128xf32>,
    return
  }
}

</mosaic_0001>

<sc_bundles>
// kernel: kernel.11.cloned.1.call-start
scs
__scs_entry_jumppad:
0x0: {  	(pc) =	sbr.rel $0x88, $3  }
0x1: {  	(tag) =	ssettag $0x0;
	lr =	simm.s32 $0x1  }
0x2: {  	[smem:$0x3F97] =	sst lr;
	_ =	strace $0xD0000000  }
0x3: {  	_ = 	snop  }
0x4: {  	_ = 	snop  }
0x5: {  	_ = 	snop  }
0x6: {  	_ = 	snop  }
0x7: {  	_ = 	snop  }
__scs_overlays_trampoline_lowered:
0x8: {  	[smem:$0x3FA6] =	sst s0  }
0x9: {  	[smem:$0x3FA7] =	sst s1  }
0xa: {  	[smem:$0x3FA8] =	sst s2  }
0xb: {  	[smem:$0x3FA9] =	sst s3  }
0xc: {  	[smem:$0x3FAA] =	sst s4  }
0xd: {  	[smem:$0x3FAB] =	sst s5  }
0xe: {  	[smem:$0x3FAC] =	sst s6  }
0xf: {  	[smem:$0x3FAD] =	sst s7  }
0x10: {  	[smem:$0x3FAE] =	sst s8  }
0x11: {  	[smem:$0x3FAF] =	sst s9;
	s0 =	simm.s32 @!p0 $0x0  }
0x12: {  	s1 =	sld [smem:$0x3F95];
	s0 =	simm.s32 @p0 $0x1  }
0x13: {  	[smem:$0x3FB0] =	sst s0;
	s0 =	simm.s32 @!p1 $0x0  }
0x14: {  	s2 =	sld [smem:$0x3F94];
	s0 =	simm.s32 @p1 $0x1  }
0x15: {  	[smem:$0x3FB1] =	sst s0;
	s0 =	simm.s32 @!p2 $0x0  }
0x16: {  	s3 =	sld [smem:$0x3FDB];
	s0 =	simm.s32 @p2 $0x1  }
0x17: {  	s4 =	simm.s32 $0x1BF5;
	[smem:$0x3FB3] =	sst s0  }
0x18: {  	s0 =	sld [smem:$0x3F96];
	_ =	swait.ge [sflag:s4], $0x0  }
0x19: {  	s7 =	sld [smem:$0x3F97]  }
0x1a: {  	s8 =	sadd.s32 $0xFFFFE003, lr  }
0x1b: {  	s9 =	sadd.s32 $0xFFFFFEF7, lr;
	s5 =	simm.s32 $0xFFFFFFFF;
	p2 =	slt.u32 s8, $0xFFFFF086  }
0x1c: {  	p1 =	slt.u32 s9, $0xF7A;
	s5 =	simm.s32 @!p2 $0x0  }
0x1d: {  	s5 =	simm.s32 @p1 $0x1;
	p0 =	seq.s32 s7, s2  }
0x1e: {  	s7 =	smul.u32 @!p0 $0xF7A, s2;
	p2 =	seq.s32 @!p0 s5, $0x0  }
0x1f: {  	s9 =	smul.u32 $0xF7A, s1;
	s8 =	simm.s32 @!p0 $0x1BF5;
	p2 =	por !p2, p0  }
0x20: {  	[sflag:s8] =	ssyncset.s32 @!p0 $0xFFFFF086;
	s6 =	sadd.s32 @!p0 s3, s7;
	s7 =	simm.s32 @!p0 $0x108  }
0x21: {  	s3 =	sadd.s32 s3, s9;
	s6 =	sadd.s32 @!p0 $0x88, s6;
	s7 =	simm.s32 @p2 $0x1082  }
0x22: {  	[simem:s7], [sflag:s8] =	dma.local @!p0 [hbm:s6], $0xF7A  }
0x23: {  	s9 =	sor.u32 $0xD0000000, s2;
	s6 =	simm.s32 $0x108;
	_ =	swait.ge @!p0 [sflag:s8], $0x0  }
0x24: {  	s3 =	sadd.s32 $0x88, s3;
	s6 =	simm.s32 @!p1 $0x1082;
	[sflag:s4] =	ssyncset.s32 $0xFFFFF086  }
0x25: {  	[simem:s6], [sflag:s4] =	dma.local [hbm:s3], $0xF7A  }
0x26: {  	[smem:$0x3F97] =	sst s1;
	(tag) =	ssettag s2;
	_ =	strace s9  }
0x27: {  	s1 =	sld [smem:$0x3FA7]  }
0x28: {  	s2 =	sld [smem:$0x3FA8]  }
0x29: {  	s4 =	sld [smem:$0x3FAA]  }
0x2a: {  	p0 =	seq.s32 s5, $0x0;
	s5 =	sld [smem:$0x3FAB]  }
0x2b: {  	s6 =	sld [smem:$0x3FAC]  }
0x2c: {  	s7 =	sld [smem:$0x3FAD]  }
0x2d: {  	s3 =	simm.s32 $0x108;
	s8 =	sld [smem:$0x3FAE]  }
0x2e: {  	s3 =	simm.s32 @!p0 $0x1082;
	s9 =	sld [smem:$0x3FAF]  }
0x2f: {  	lr =	sadd.s32 s0, s3;
	s0 =	sld [smem:$0x3FA6]  }
0x30: {  	s3 =	sld [smem:$0x3FA9]  }
0x31: {  	[smem:$0x3FB2] =	sst s10  }
0x32: {  	s10 =	sld [smem:$0x3FB0];
	_ =	sdelay $0x3  }
0x33: {  	p0 =	seq.s32 s10, $0x1;
	s10 =	sld [smem:$0x3FB2];
	_ =	sdelay $0x3  }
0x34: {  	[smem:$0x3FB2] =	sst s10  }
0x35: {  	s10 =	sld [smem:$0x3FB1];
	_ =	sdelay $0x3  }
0x36: {  	p1 =	seq.s32 s10, $0x1;
	s10 =	sld [smem:$0x3FB2];
	_ =	sdelay $0x3  }
0x37: {  	[smem:$0x3FB2] =	sst s10  }
0x38: {  	s10 =	sld [smem:$0x3FB3]  }
0x39: {  	_ = 	snop;
	(pc) =	sbr.ind lr, $3  }
0x3a: {  	_ = 	snop  }
0x3b: {  	_ = 	snop  }
0x3c: {  	p2 =	seq.s32 s10, $0x1;
	s10 =	sld [smem:$0x3FB2]  }
0x3d: {  	_ =	shalt  }
0x3e: {  	_ =	shalt  }
0x3f: {  	_ =	shalt  }
0x40: {  	_ =	shalt  }
0x41: {  	_ =	shalt  }
0x42: {  	_ =	shalt  }
0x43: {  	_ =	shalt  }
0x44: {  	_ =	shalt  }
0x45: {  	_ =	shalt  }
0x46: {  	_ =	shalt  }
0x47: {  	_ =	shalt  }
0x48: {  	_ =	shalt  }
0x49: {  	_ =	shalt  }
0x4a: {  	_ =	shalt  }
0x4b: {  	_ =	shalt  }
0x4c: {  	_ =	shalt  }
0x4d: {  	_ =	shalt  }
0x4e: {  	_ =	shalt  }
0x4f: {  	_ =	shalt  }
0x50: {  	_ =	shalt  }
0x51: {  	_ =	shalt  }
0x52: {  	_ =	shalt  }
0x53: {  	_ =	shalt  }
0x54: {  	_ =	shalt  }
0x55: {  	_ =	shalt  }
0x56: {  	_ =	shalt  }
0x57: {  	_ =	shalt  }
0x58: {  	_ =	shalt  }
0x59: {  	_ =	shalt  }
0x5a: {  	_ =	shalt  }
0x5b: {  	_ =	shalt  }
0x5c: {  	_ =	shalt  }
0x5d: {  	_ =	shalt  }
0x5e: {  	_ =	shalt  }
0x5f: {  	_ =	shalt  }
0x60: {  	_ =	shalt  }
0x61: {  	_ =	shalt  }
0x62: {  	_ =	shalt  }
0x63: {  	_ =	shalt  }
0x64: {  	_ =	shalt  }
0x65: {  	_ =	shalt  }
0x66: {  	_ =	shalt  }
0x67: {  	_ =	shalt  }
0x68: {  	_ =	shalt  }
0x69: {  	_ =	shalt  }
0x6a: {  	_ =	shalt  }
0x6b: {  	_ =	shalt  }
0x6c: {  	_ =	shalt  }
0x6d: {  	_ =	shalt  }
0x6e: {  	_ =	shalt  }
0x6f: {  	_ =	shalt  }
0x70: {  	_ =	shalt  }
0x71: {  	_ =	shalt  }
0x72: {  	_ =	shalt  }
0x73: {  	_ =	shalt  }
0x74: {  	_ =	shalt  }
0x75: {  	_ =	shalt  }
0x76: {  	_ =	shalt  }
0x77: {  	_ =	shalt  }
0x78: {  	_ =	shalt  }
0x79: {  	_ =	shalt  }
0x7a: {  	_ =	shalt  }
0x7b: {  	_ =	shalt  }
0x7c: {  	_ =	shalt  }
0x7d: {  	_ =	shalt  }
0x7e: {  	_ =	shalt  }
0x7f: {  	_ =	shalt  }
0x80: {  	_ =	shalt  }
0x81: {  	_ =	shalt  }
0x82: {  	_ =	shalt  }
0x83: {  	_ =	shalt  }
0x84: {  	_ =	shalt  }
0x85: {  	_ =	shalt  }
0x86: {  	_ =	shalt  }
0x87: {  	_ =	shalt  }
.Lfunc_end0:
.L_simem_size_0:
called_computation_lowered:
.L_overlay_start_0:
0x88: {  	s2 =	sld [smem:$0x3FD9]  }
0x89: {  	s3 =	sld [smem:$0x3FFE];
	_ =	sdelay $0x1  }
0x8a: {  	s1 =	srdreg.scid  }
0x8b: {  	s0 =	sand.u32 $0x1, s1  }
0x8c: {  	s17 =	sshll.u32 s0, $0xA;
	s2 =	sadd.s32 s3, s2  }
0x8d: {  	s2 =	sadd.s32 s2, s17  }
0x8e: {  	[smem:$0x3FBE] =	sst s2  }
0x8f: {  	_ = 	snop  }
0x90: {  	s2 =	sld [smem:$0x3FD0];
	(tm) =	ssettm $0x1  }
0x91: {  	s18 =	sld [smem:$0x3FFB];
	_ =	sdelay $0x3  }
0x92: {  	_ =	strace s18  }
0x93: {  	s3 =	sld [smem:$0x3FFC];
	_ =	sdelay $0x3  }
0x94: {  	_ =	strace s3  }
0x95: {  	s3 =	sld [smem:$0x3FFD];
	_ =	sdelay $0x3  }
0x96: {  	_ =	strace s3  }
0x97: {  	_ =	strace $0x8FFFFFFF  }
0x98: {  	s19 =	sld [smem:$0x3FDB];
	_ =	sdelay $0x1  }
0x99: {  	s4 =	simm.s32 $_scs_section_size  }
0x9a: {  	s5 =	simm.s32 $_size__tile_overlayer_lowered;
	s6 =	simm.s32 $_tile_overlayer_lowered  }
0x9b: {  	s22 =	simm.s32 $0x1BFF;
	s21 =	sshll.u32 s6, $0x1;
	s3 =	sadd.s32 s4, s19  }
0x9c: {  	s7 =	simm.s32 $0x0;
	s20 =	sshll.u32 s5, $0x1;
	s5 =	sadd.s32 s21, s3  }
0x9d: {  	[timem:s7], [sflag:s22] =	dma.local [hbm:s5], s20  }
0x9e: {  	_ =	swait.ge [sflag:s22], s20  }
0x9f: {  	s4 =	ssub.s32 $0x0, s20;
	[sflag:s22] =	ssyncset.done $0x0  }
0xa0: {  	[sflag:s22] =	ssyncadd.s32 s4;
	_ =	sdelay $0x1  }
0xa1: {  	s23 =	simm.s32 $0x1B8B  }
0xa2: {  	_ =	swait.ge [sflag:s23], $0x1  }
0xa3: {  	[sflag:s23] =	ssyncset.done $0x0  }
0xa4: {  	s25 =	simm.s32 $0x1B8E;
	s24 =	sld [smem:$0x3FFE];
	[sflag:s23] =	ssyncadd.s32 $0xFFFFFFFF  }
0xa5: {  	s26 =	simm.s32 $execute0_lowered;
	[smem:$0x3FD2] =	sst s25  }
0xa6: {  	s5 =	sshll.u32 s26, $0x1;
	_ =	strace $0x80000046;
	[dreg:$0x1] =	wrdreg $0xFFFFFFFF  }
0xa7: {  	s28 =	simm.s32 $_size_execute0_lowered;
	s3 =	sadd.s32 s3, s5;
	[dreg:$0x0] =	wrdreg $0x0  }
0xa8: {  	s5 =	sshll.u32 s28, $0x1;
	[dreg:$0x2] =	wrdreg s3  }
0xa9: {  	[dreg:$0x3] =	wrdreg s5  }
0xaa: {  	[dreg:$0x4] =	wrdreg $0xC0  }
0xab: {  	_ =	task [dreg:s7], $0x5FFFF  }
0xac: {  	[dreg:$0x1] =	wrdreg $0xFFFFFFFF  }
0xad: {  	[dreg:$0x0] =	wrdreg $0x60  }
0xae: {  	[dreg:$0x2] =	wrdreg s24  }
0xaf: {  	[dreg:$0x3] =	wrdreg s2  }
0xb0: {  	[dreg:$0x4] =	wrdreg $0x90000  }
0xb1: {  	[dreg:$0x5] =	wrdreg $0x9  }
0xb2: {  	_ =	task.clear_ibuf [dreg:s7], $0x6FFFF;
	_ =	strace $0x90000046  }
0xb3: {  	s29 =	simm.s32 $0x9;
	_ =	strace $0x80000048  }
0xb4: {  	_ =	swait.ge [sflag:s29], $0x1  }
0xb5: {  	[sflag:s29] =	ssyncadd.s32 $0xFFFFFFFF  }
0xb6: {  	_ =	strace $0x90000048  }
0xb7: {  	_ =	sfence  }
0xb8: {  	s30 =	sld [smem:$0x0];
	_ =	sdelay $0x2  }
0xb9: {  	s31 =	sshll.u32 s1, $0xD;
	s1 =	sshrl.u32 s1, $0x2  }
0xba: {  	s3 =	sand.u32 $0x4000, s31;
	s1 =	sadd.s32 s1, s30  }
0xbb: {  	s0 =	sor.u32 s3, s0;
	s1 =	sshll.u32 s1, $0x11  }
0xbc: {  	s0 =	sor.u32 s1, s0  }
0xbd: {  	s0 =	sadd.s32 $0x8F2B, s0  }
0xbe: {  	[sflag:s0] =	ssyncadd.remote.s32 $0x1  }
0xbf: {  	_ =	sfence.sel $0xFFFF  }
0xc0: {  	[dreg:$0x0] =	wrdreg $0xFFFFFFFF;
	(pc) =	sbr.abs _section_cstart, $3  }
0xc1: {  	[dreg:$0x1] =	wrdreg $0xFFFFFFFF  }
0xc2: {  	_ =	task.clear_ibuf [dreg:s7], $0x2FFFF;
	_ =	strace $0x9FFFFFFF  }
0xc3: {  	(tm) =	ssettm $0x7FFFFFFF  }
tec
execute0_lowered:
.L_overlay_start_1:
0x0: {  	(tag) =	ssettag $0x1  }
0x1: {  	s0 =	rddreg [dreg:$0x0]  }
0x2: {  	s1 =	rddreg [dreg:$0x1]  }
0x3: {  	s4 =	rddreg [dreg:$0x2];
	s2 =	simm.s32 $0x0;
	s14 =	stileid.u32  }
0x4: {  	s6 =	srdreg.scid;
	s15 =	simm.s32 $0x80;
	s16 =	simm.s32 $0x1000  }
0x5: {  	s17 =	simm.s32 $0x1;
	s18 =	simm.s32 $0x5000;
	s19 =	simm.s32 $0x2  }
0x6: {  	s20 =	simm.s32 $0x100;
	s28 =	simm.s32 $0x480;
	s29 =	simm.s32 $0x500  }
0x7: {  	s30 =	simm.s32 $0x580;
	s31 =	simm.s32 $0x600;
	s5 =	smul.u32 $0xA00, s14  }
0x8: {  	[smem:$0x7FF] =	sst s2;
	s3 =	sadd.s32 $0xD200, s0;
	s8 =	smul.u32 $0x4F000, s14  }
0x9: {  	s6 =	sand.u32 $0x1, s6;
	s9 =	sadd.s32 $0x5B400, s0;
	s22 =	smul.u32 $0x2780, s14  }
0xa: {  	p0 =	seq.s32 s14, $0xF;
	_ =	strace $0x80000047;
	s10 =	smul.u32 $0x27100, s6  }
0xb: {  	[dreg:$0x4] =	wrdreg s9;
	s21 =	ssub.s32 $0x2, s6;
	s12 =	smul.u32 $0x138800, s6  }
0xc: {  	s6 =	smul.u32 $0xA000, s6;
	s7 =	sadd.s32 s5, s0;
	s11 =	sshrl.u32 s21, $0x1  }
0xd: {  	s0 =	sadd.s32 $0x5DC00, s0;
	s8 =	sshrl.u32 s8, $0x2;
	s9 =	ssub.s32 s21, s11  }
0xe: {  	s13 =	sadd.s32 s8, s4;
	s4 =	sadd.s32 $0x128400, s4;
	s23 =	sshrl.u32 s12, $0x3  }
0xf: {  	s10 =	sadd.s32 s22, s10;
	s26 =	sadd.s32 s6, s1;
	s21 =	simm.s32 $0x180  }
0x10: {  	s22 =	simm.s32 $0x200;
	s1 =	simm.s32 $0x700;
	s6 =	simm.s32 $0x0  }
0x11: {  	s8 =	sadd.s32 s0, s23;
	s0 =	sadd.s32 s0, s10;
	s25 =	smax.u32 s9, $0x1  }
0x12: {  	s9 =	sadd.s32 s5, s26;
	s10 =	sshrl.u32 @p0 s4, $0x3;
	s12 =	sshrl.u32 @!p0 s13, $0x3  }
0x13: {  	s13 =	simm.s32 $0x3;
	s23 =	simm.s32 $0x280;
	[dreg:$0x5] =	wrdreg s0  }
0x14: {  	s26 =	simm.s32 $0x400;
	s5 =	simm.s32 $0x780;
	[dreg:$0x7] =	wrdreg s25  }
0x15: {  	s24 =	sadd.s32 $0x25080, s8;
	s8 =	sadd.s32 $0x3200, s7;
	[dreg:$0x8] =	wrdreg s10  }
0x16: {  	s0 =	sshll.u32 @!p0 s14, $0x6;
	s14 =	simm.s32 $0x800;
	[dreg:$0xa] =	wrdreg s12  }
0x17: {  	s25 =	simm.s32 $0x380;
	[dreg:$0x6] =	wrdreg s24;
	s11 =	sor.u32 @!p0 $0x1C03, s0  }
0x18: {  	s24 =	simm.s32 $0x300;
	s0 =	simm.s32 $0x680;
	[dreg:$0x9] =	wrdreg s11  }
.LBB2_1:
0x19: {  	s4 =	simm.s32 @p0 $0x1FC3;
	s7 =	rddreg [dreg:$0x4]  }
0x1a: {  	[spmem:s10], [sflag:s4] =	dma.local @p0 [hbm:s7], $0x2100  }
0x1b: {  	s4 =	simm.s32 @p0 $0x3  }
0x1c: {  	_ =	swait.ge @p0 [sflag:s4], $0x2100  }
0x1d: {  	[sflag:s4] =	ssyncset.done @p0 $0x0  }
0x1e: {  	[sflag:s4] =	ssyncadd.s32 @p0 $0xFFFFDF00;
	s4 =	simm.s32 @!p0 $0x3  }
0x1f: {  	[spmem:s12], [sflag:s11] =	dma.local @!p0 [hbm:s7], $0x2780  }
0x20: {  	_ =	swait.ge @!p0 [sflag:s4], $0x2780  }
0x21: {  	[sflag:s4] =	ssyncset.done @!p0 $0x0  }
0x22: {  	[sflag:s4] =	ssyncadd.s32 @!p0 $0xFFFFD880  }
0x23: {  	s11 =	sadd.s32 $0x0, s9;
	[bflag:$0x0] =	sbarrier.arrive $0xFFFF  }
0x24: {  	[tilespmem:s2], [sflag:$0x3] =	stream.linear.gather [hbm4b:s11+s2], $0x800, $0x38;
	[tilespmem:$0x1C8C0] =	vst v63  }
0x25: {  	_ =	swait.ge [sflag:s13], $0x800  }
0x26: {  	[sflag:s13] =	ssyncset.done $0x0  }
0x27: {  	s12 =	sadd.s32 $0x0, s8;
	[sflag:s13] =	ssyncadd.s32 $0xFFFFF800  }
0x28: {  	[tilespmem:s14], [sflag:$0x3] =	stream.linear.gather [hbm4b:s12+s2], $0x800, $0x38;
	[tilespmem:$0x1C8C0] =	vst v63  }
0x29: {  	_ =	swait.ge [sflag:s13], $0x800  }
0x2a: {  	[sflag:s13] =	ssyncset.done $0x0  }
0x2b: {  	[sflag:s13] =	ssyncadd.s32 $0xFFFFF800  }
0x2c: {  	[tilespmem:s16], [sflag:$0x1] =	stream.indirect.gather [hbm4b:s3+s15], $0x80, s2, s15, $0xb8;
	[tilespmem:$0x1C8C0] =	vst v63  }
0x2d: {  	_ =	swait.ge [sflag:s17], $0x4000  }
0x2e: {  	[sflag:s17] =	ssyncset.done $0x0  }
0x2f: {  	[sflag:s17] =	ssyncadd.s32 $0xFFFFC000  }
0x30: {  	[tilespmem:s18], [sflag:$0x2] =	stream.indirect.gather [hbm4b:s3+s15], $0x80, s15, s15, $0xb8;
	[tilespmem:$0x1C8C0] =	vst v63  }
0x31: {  	_ =	swait.ge [sflag:s19], $0x4000  }
0x32: {  	[sflag:s19] =	ssyncset.done $0x0  }
0x33: {  	[sflag:s19] =	ssyncadd.s32 $0xFFFFC000  }
0x34: {  	[tilespmem:s16], [sflag:$0x1] =	stream.indirect.gather [hbm4b:s3+s15], $0x80, s20, s15, $0xb8;
	[tilespmem:$0x1C8C0] =	vst v63  }
0x35: {  	_ =	swait.ge [sflag:s17], $0x4000  }
0x36: {  	[sflag:s17] =	ssyncset.done $0x0  }
0x37: {  	[sflag:s17] =	ssyncadd.s32 $0xFFFFC000  }
0x38: {  	[tilespmem:s18], [sflag:$0x2] =	stream.indirect.gather [hbm4b:s3+s15], $0x80, s21, s15, $0xb8;
	[tilespmem:$0x1C8C0] =	vst v63  }
0x39: {  	_ =	swait.ge [sflag:s19], $0x4000  }
0x3a: {  	[sflag:s19] =	ssyncset.done $0x0  }
0x3b: {  	[sflag:s19] =	ssyncadd.s32 $0xFFFFC000  }
0x3c: {  	[tilespmem:s16], [sflag:$0x1] =	stream.indirect.gather [hbm4b:s3+s15], $0x80, s22, s15, $0xb8;
	[tilespmem:$0x1C8C0] =	vst v63  }
0x3d: {  	_ =	swait.ge [sflag:s17], $0x4000  }
0x3e: {  	[sflag:s17] =	ssyncset.done $0x0  }
0x3f: {  	[sflag:s17] =	ssyncadd.s32 $0xFFFFC000  }
0x40: {  	[tilespmem:s18], [sflag:$0x2] =	stream.indirect.gather [hbm4b:s3+s15], $0x80, s23, s15, $0xb8;
	[tilespmem:$0x1C8C0] =	vst v63  }
0x41: {  	_ =	swait.ge [sflag:s19], $0x4000  }
0x42: {  	[sflag:s19] =	ssyncset.done $0x0  }
0x43: {  	[sflag:s19] =	ssyncadd.s32 $0xFFFFC000  }
0x44: {  	[tilespmem:s16], [sflag:$0x1] =	stream.indirect.gather [hbm4b:s3+s15], $0x80, s24, s15, $0xb8;
	[tilespmem:$0x1C8C0] =	vst v63  }
0x45: {  	_ =	swait.ge [sflag:s17], $0x4000  }
0x46: {  	[sflag:s17] =	ssyncset.done $0x0  }
0x47: {  	[sflag:s17] =	ssyncadd.s32 $0xFFFFC000  }
0x48: {  	[tilespmem:s18], [sflag:$0x2] =	stream.indirect.gather [hbm4b:s3+s15], $0x80, s25, s15, $0xb8;
	[tilespmem:$0x1C8C0] =	vst v63  }
0x49: {  	_ =	swait.ge [sflag:s19], $0x4000  }
0x4a: {  	[sflag:s19] =	ssyncset.done $0x0  }
0x4b: {  	[sflag:s19] =	ssyncadd.s32 $0xFFFFC000  }
0x4c: {  	[tilespmem:s16], [sflag:$0x1] =	stream.indirect.gather [hbm4b:s3+s15], $0x80, s26, s15, $0xb8;
	[tilespmem:$0x1C8C0] =	vst v63  }
0x4d: {  	_ =	swait.ge [sflag:s17], $0x4000  }
0x4e: {  	[sflag:s17] =	ssyncset.done $0x0  }
0x4f: {  	[sflag:s17] =	ssyncadd.s32 $0xFFFFC000  }
0x50: {  	[tilespmem:s18], [sflag:$0x2] =	stream.indirect.gather [hbm4b:s3+s15], $0x80, s28, s15, $0xb8;
	[tilespmem:$0x1C8C0] =	vst v63  }
0x51: {  	_ =	swait.ge [sflag:s19], $0x4000  }
0x52: {  	[sflag:s19] =	ssyncset.done $0x0  }
0x53: {  	[sflag:s19] =	ssyncadd.s32 $0xFFFFC000  }
0x54: {  	[tilespmem:s16], [sflag:$0x1] =	stream.indirect.gather [hbm4b:s3+s15], $0x80, s29, s15, $0xb8;
	[tilespmem:$0x1C8C0] =	vst v63  }
0x55: {  	_ =	swait.ge [sflag:s17], $0x4000  }
0x56: {  	[sflag:s17] =	ssyncset.done $0x0  }
0x57: {  	[sflag:s17] =	ssyncadd.s32 $0xFFFFC000  }
0x58: {  	[tilespmem:s18], [sflag:$0x2] =	stream.indirect.gather [hbm4b:s3+s15], $0x80, s30, s15, $0xb8;
	[tilespmem:$0x1C8C0] =	vst v63  }
0x59: {  	_ =	swait.ge [sflag:s19], $0x4000  }
0x5a: {  	[sflag:s19] =	ssyncset.done $0x0  }
0x5b: {  	[sflag:s19] =	ssyncadd.s32 $0xFFFFC000  }
0x5c: {  	[tilespmem:s16], [sflag:$0x1] =	stream.indirect.gather [hbm4b:s3+s15], $0x80, s31, s15, $0xb8;
	[tilespmem:$0x1C8C0] =	vst v63  }
0x5d: {  	_ =	swait.ge [sflag:s17], $0x4000  }
0x5e: {  	[sflag:s17] =	ssyncset.done $0x0  }
0x5f: {  	[sflag:s17] =	ssyncadd.s32 $0xFFFFC000  }
0x60: {  	[tilespmem:s18], [sflag:$0x2] =	stream.indirect.gather [hbm4b:s3+s15], $0x80, s0, s15, $0xb8;
	[tilespmem:$0x1C8C0] =	vst v63  }
0x61: {  	_ =	swait.ge [sflag:s19], $0x4000  }
0x62: {  	[sflag:s19] =	ssyncset.done $0x0  }
0x63: {  	[sflag:s19] =	ssyncadd.s32 $0xFFFFC000  }
0x64: {  	[tilespmem:s16], [sflag:$0x1] =	stream.indirect.gather [hbm4b:s3+s15], $0x80, s1, s15, $0xb8;
	[tilespmem:$0x1C8C0] =	vst v63  }
0x65: {  	_ =	swait.ge [sflag:s17], $0x4000  }
0x66: {  	[sflag:s17] =	ssyncset.done $0x0  }
0x67: {  	[sflag:s17] =	ssyncadd.s32 $0xFFFFC000  }
0x68: {  	[tilespmem:s18], [sflag:$0x2] =	stream.indirect.gather [hbm4b:s3+s15], $0x80, s5, s15, $0xb8;
	[tilespmem:$0x1C8C0] =	vst v63  }
0x69: {  	_ =	swait.ge [sflag:s19], $0x4000  }
0x6a: {  	s7 =	simm.s32 $0x100;
	s4 =	simm.s32 $0x200;
	[sflag:s19] =	ssyncset.done $0x0  }
.LBB2_2:
0x6b: {  	s11 =	sadd.s32 s7, s9  }
0x6c: {  	[sflag:s19] =	ssyncadd.s32 $0xFFFFC000;
	s12 =	smov.u32 s4;
	s10 =	sadd.s32 $0x100, s4  }
0x6d: {  	[tilespmem:s2], [sflag:$0x3] =	stream.linear.gather [hbm4b:s11+s2], $0x800, $0x38;
	[tilespmem:$0x1C8C0] =	vst v63  }
0x6e: {  	p1 =	sne.s32 s4, $0x900;
	_ =	swait.ge [sflag:s13], $0x800  }
0x6f: {  	[sflag:s13] =	ssyncset.done $0x0  }
0x70: {  	s4 =	sadd.s32 s7, s8;
	s7 =	smov.u32 s12;
	[sflag:s13] =	ssyncadd.s32 $0xFFFFF800  }
0x71: {  	[tilespmem:s14], [sflag:$0x3] =	stream.linear.gather [hbm4b:s4+s2], $0x800, $0x38;
	[tilespmem:$0x1C8C0] =	vst v63  }
0x72: {  	_ =	swait.ge [sflag:s13], $0x800  }
0x73: {  	[sflag:s13] =	ssyncset.done $0x0  }
0x74: {  	[sflag:s13] =	ssyncadd.s32 $0xFFFFF800  }
0x75: {  	[tilespmem:s16], [sflag:$0x1] =	stream.indirect.gather [hbm4b:s3+s15], $0x80, s2, s15, $0xb8;
	[tilespmem:$0x1C8C0] =	vst v63  }
0x76: {  	_ =	swait.ge [sflag:s17], $0x4000  }
0x77: {  	[sflag:s17] =	ssyncset.done $0x0  }
0x78: {  	[sflag:s17] =	ssyncadd.s32 $0xFFFFC000  }
0x79: {  	[tilespmem:s18], [sflag:$0x2] =	stream.indirect.gather [hbm4b:s3+s15], $0x80, s15, s15, $0xb8;
	[tilespmem:$0x1C8C0] =	vst v63  }
0x7a: {  	_ =	swait.ge [sflag:s19], $0x4000  }
0x7b: {  	[sflag:s19] =	ssyncset.done $0x0  }
0x7c: {  	[sflag:s19] =	ssyncadd.s32 $0xFFFFC000  }
0x7d: {  	[tilespmem:s16], [sflag:$0x1] =	stream.indirect.gather [hbm4b:s3+s15], $0x80, s20, s15, $0xb8;
	[tilespmem:$0x1C8C0] =	vst v63  }
0x7e: {  	_ =	swait.ge [sflag:s17], $0x4000  }
0x7f: {  	[sflag:s17] =	ssyncset.done $0x0  }
0x80: {  	[sflag:s17] =	ssyncadd.s32 $0xFFFFC000  }
0x81: {  	[tilespmem:s18], [sflag:$0x2] =	stream.indirect.gather [hbm4b:s3+s15], $0x80, s21, s15, $0xb8;
	[tilespmem:$0x1C8C0] =	vst v63  }
0x82: {  	_ =	swait.ge [sflag:s19], $0x4000  }
0x83: {  	[sflag:s19] =	ssyncset.done $0x0  }
0x84: {  	[sflag:s19] =	ssyncadd.s32 $0xFFFFC000  }
0x85: {  	[tilespmem:s16], [sflag:$0x1] =	stream.indirect.gather [hbm4b:s3+s15], $0x80, s22, s15, $0xb8;
	[tilespmem:$0x1C8C0] =	vst v63  }
0x86: {  	_ =	swait.ge [sflag:s17], $0x4000  }
0x87: {  	[sflag:s17] =	ssyncset.done $0x0  }
0x88: {  	[sflag:s17] =	ssyncadd.s32 $0xFFFFC000  }
0x89: {  	[tilespmem:s18], [sflag:$0x2] =	stream.indirect.gather [hbm4b:s3+s15], $0x80, s23, s15, $0xb8;
	[tilespmem:$0x1C8C0] =	vst v63  }
0x8a: {  	_ =	swait.ge [sflag:s19], $0x4000  }
0x8b: {  	[sflag:s19] =	ssyncset.done $0x0  }
0x8c: {  	[sflag:s19] =	ssyncadd.s32 $0xFFFFC000  }
0x8d: {  	[tilespmem:s16], [sflag:$0x1] =	stream.indirect.gather [hbm4b:s3+s15], $0x80, s24, s15, $0xb8;
	[tilespmem:$0x1C8C0] =	vst v63  }
0x8e: {  	_ =	swait.ge [sflag:s17], $0x4000  }
0x8f: {  	[sflag:s17] =	ssyncset.done $0x0  }
0x90: {  	[sflag:s17] =	ssyncadd.s32 $0xFFFFC000  }
0x91: {  	[tilespmem:s18], [sflag:$0x2] =	stream.indirect.gather [hbm4b:s3+s15], $0x80, s25, s15, $0xb8;
	[tilespmem:$0x1C8C0] =	vst v63  }
0x92: {  	_ =	swait.ge [sflag:s19], $0x4000  }
0x93: {  	[sflag:s19] =	ssyncset.done $0x0  }
0x94: {  	[sflag:s19] =	ssyncadd.s32 $0xFFFFC000  }
0x95: {  	[tilespmem:s16], [sflag:$0x1] =	stream.indirect.gather [hbm4b:s3+s15], $0x80, s26, s15, $0xb8;
	[tilespmem:$0x1C8C0] =	vst v63  }
0x96: {  	_ =	swait.ge [sflag:s17], $0x4000  }
0x97: {  	[sflag:s17] =	ssyncset.done $0x0  }
0x98: {  	[sflag:s17] =	ssyncadd.s32 $0xFFFFC000  }
0x99: {  	[tilespmem:s18], [sflag:$0x2] =	stream.indirect.gather [hbm4b:s3+s15], $0x80, s28, s15, $0xb8;
	[tilespmem:$0x1C8C0] =	vst v63  }
0x9a: {  	_ =	swait.ge [sflag:s19], $0x4000  }
0x9b: {  	[sflag:s19] =	ssyncset.done $0x0  }
0x9c: {  	[sflag:s19] =	ssyncadd.s32 $0xFFFFC000  }
0x9d: {  	[tilespmem:s16], [sflag:$0x1] =	stream.indirect.gather [hbm4b:s3+s15], $0x80, s29, s15, $0xb8;
	[tilespmem:$0x1C8C0] =	vst v63  }
0x9e: {  	_ =	swait.ge [sflag:s17], $0x4000  }
0x9f: {  	[sflag:s17] =	ssyncset.done $0x0  }
0xa0: {  	[sflag:s17] =	ssyncadd.s32 $0xFFFFC000  }
0xa1: {  	[tilespmem:s18], [sflag:$0x2] =	stream.indirect.gather [hbm4b:s3+s15], $0x80, s30, s15, $0xb8;
	[tilespmem:$0x1C8C0] =	vst v63  }
0xa2: {  	_ =	swait.ge [sflag:s19], $0x4000  }
0xa3: {  	[sflag:s19] =	ssyncset.done $0x0  }
0xa4: {  	[sflag:s19] =	ssyncadd.s32 $0xFFFFC000  }
0xa5: {  	[tilespmem:s16], [sflag:$0x1] =	stream.indirect.gather [hbm4b:s3+s15], $0x80, s31, s15, $0xb8;
	[tilespmem:$0x1C8C0] =	vst v63  }
0xa6: {  	_ =	swait.ge [sflag:s17], $0x4000  }
0xa7: {  	[sflag:s17] =	ssyncset.done $0x0  }
0xa8: {  	[sflag:s17] =	ssyncadd.s32 $0xFFFFC000  }
0xa9: {  	[tilespmem:s18], [sflag:$0x2] =	stream.indirect.gather [hbm4b:s3+s15], $0x80, s0, s15, $0xb8;
	[tilespmem:$0x1C8C0] =	vst v63  }
0xaa: {  	_ =	swait.ge [sflag:s19], $0x4000  }
0xab: {  	[sflag:s19] =	ssyncset.done $0x0  }
0xac: {  	[sflag:s19] =	ssyncadd.s32 $0xFFFFC000  }
0xad: {  	[tilespmem:s16], [sflag:$0x1] =	stream.indirect.gather [hbm4b:s3+s15], $0x80, s1, s15, $0xb8;
	[tilespmem:$0x1C8C0] =	vst v63  }
0xae: {  	_ =	swait.ge [sflag:s17], $0x4000  }
.Ltmp0:
0xaf: {  	[sflag:s17] =	ssyncset.done $0x0;
	(pc) =	sbr.rel @p1 .LBB2_2-.Ltmp0, $4  }
0xb0: {  	[sflag:s17] =	ssyncadd.s32 $0xFFFFC000  }
0xb1: {  	[tilespmem:s18], [sflag:$0x2] =	stream.indirect.gather [hbm4b:s3+s15], $0x80, s5, s15, $0xb8;
	[tilespmem:$0x1C8C0] =	vst v63  }
0xb2: {  	_ =	swait.ge [sflag:s19], $0x4000  }
0xb3: {  	s4 =	smov.u32 s10;
	[sflag:s19] =	ssyncset.done $0x0  }
0xb4: {  	s4 =	sadd.s32 s7, s9;
	[sflag:s19] =	ssyncadd.s32 $0xFFFFC000  }
0xb5: {  	[tilespmem:s2], [sflag:$0x3] =	stream.linear.gather [hbm4b:s4+s2], $0x800, $0x38;
	[tilespmem:$0x1C8C0] =	vst v63  }
0xb6: {  	_ =	swait.ge [sflag:s13], $0x800  }
0xb7: {  	[sflag:s13] =	ssyncset.done $0x0  }
0xb8: {  	s12 =	sadd.s32 s7, s8;
	[sflag:s13] =	ssyncadd.s32 $0xFFFFF800  }
0xb9: {  	[tilespmem:s14], [sflag:$0x3] =	stream.linear.gather [hbm4b:s12+s2], $0x800, $0x38;
	[tilespmem:$0x1C8C0] =	vst v63  }
0xba: {  	_ =	swait.ge [sflag:s13], $0x800  }
0xbb: {  	[sflag:s13] =	ssyncset.done $0x0  }
0xbc: {  	[sflag:s13] =	ssyncadd.s32 $0xFFFFF800  }
0xbd: {  	[tilespmem:s16], [sflag:$0x1] =	stream.indirect.gather [hbm4b:s3+s15], $0x80, s2, s15, $0xb8;
	[tilespmem:$0x1C8C0] =	vst v63  }
0xbe: {  	_ =	swait.ge [sflag:s17], $0x4000  }
0xbf: {  	[sflag:s17] =	ssyncset.done $0x0  }
0xc0: {  	[sflag:s17] =	ssyncadd.s32 $0xFFFFC000  }
0xc1: {  	[tilespmem:s18], [sflag:$0x2] =	stream.indirect.gather [hbm4b:s3+s15], $0x80, s15, s15, $0xb8;
	[tilespmem:$0x1C8C0] =	vst v63  }
0xc2: {  	_ =	swait.ge [sflag:s19], $0x4000  }
0xc3: {  	[sflag:s19] =	ssyncset.done $0x0  }
0xc4: {  	[sflag:s19] =	ssyncadd.s32 $0xFFFFC000  }
0xc5: {  	[tilespmem:s16], [sflag:$0x1] =	stream.indirect.gather [hbm4b:s3+s15], $0x80, s20, s15, $0xb8;
	[tilespmem:$0x1C8C0] =	vst v63  }
0xc6: {  	_ =	swait.ge [sflag:s17], $0x4000  }
0xc7: {  	[sflag:s17] =	ssyncset.done $0x0  }
0xc8: {  	[sflag:s17] =	ssyncadd.s32 $0xFFFFC000  }
0xc9: {  	[tilespmem:s18], [sflag:$0x2] =	stream.indirect.gather [hbm4b:s3+s15], $0x80, s21, s15, $0xb8;
	[tilespmem:$0x1C8C0] =	vst v63  }
0xca: {  	_ =	swait.ge [sflag:s19], $0x4000  }
0xcb: {  	[sflag:s19] =	ssyncset.done $0x0  }
0xcc: {  	[sflag:s19] =	ssyncadd.s32 $0xFFFFC000  }
0xcd: {  	[tilespmem:s16], [sflag:$0x1] =	stream.indirect.gather [hbm4b:s3+s15], $0x80, s22, s15, $0xb8;
	[tilespmem:$0x1C8C0] =	vst v63  }
0xce: {  	_ =	swait.ge [sflag:s17], $0x4000  }
0xcf: {  	[sflag:s17] =	ssyncset.done $0x0  }
0xd0: {  	[sflag:s17] =	ssyncadd.s32 $0xFFFFC000  }
0xd1: {  	[tilespmem:s18], [sflag:$0x2] =	stream.indirect.gather [hbm4b:s3+s15], $0x80, s23, s15, $0xb8;
	[tilespmem:$0x1C8C0] =	vst v63  }
0xd2: {  	_ =	swait.ge [sflag:s19], $0x4000  }
0xd3: {  	[sflag:s19] =	ssyncset.done $0x0  }
0xd4: {  	[sflag:s19] =	ssyncadd.s32 $0xFFFFC000  }
0xd5: {  	[tilespmem:s16], [sflag:$0x1] =	stream.indirect.gather [hbm4b:s3+s15], $0x80, s24, s15, $0xb8;
	[tilespmem:$0x1C8C0] =	vst v63  }
0xd6: {  	_ =	swait.ge [sflag:s17], $0x4000  }
0xd7: {  	[sflag:s17] =	ssyncset.done $0x0  }
0xd8: {  	[sflag:s17] =	ssyncadd.s32 $0xFFFFC000  }
0xd9: {  	[tilespmem:s18], [sflag:$0x2] =	stream.indirect.gather [hbm4b:s3+s15], $0x80, s25, s15, $0xb8;
	[tilespmem:$0x1C8C0] =	vst v63  }
0xda: {  	_ =	swait.ge [sflag:s19], $0x4000  }
0xdb: {  	[sflag:s19] =	ssyncset.done $0x0  }
0xdc: {  	[sflag:s19] =	ssyncadd.s32 $0xFFFFC000  }
0xdd: {  	[tilespmem:s16], [sflag:$0x1] =	stream.indirect.gather [hbm4b:s3+s15], $0x80, s26, s15, $0xb8;
	[tilespmem:$0x1C8C0] =	vst v63  }
0xde: {  	_ =	swait.ge [sflag:s17], $0x4000  }
0xdf: {  	[sflag:s17] =	ssyncset.done $0x0  }
0xe0: {  	[sflag:s17] =	ssyncadd.s32 $0xFFFFC000  }
0xe1: {  	[tilespmem:s18], [sflag:$0x2] =	stream.indirect.gather [hbm4b:s3+s15], $0x80, s28, s15, $0xb8;
	[tilespmem:$0x1C8C0] =	vst v63  }
0xe2: {  	_ =	swait.ge [sflag:s19], $0x4000  }
0xe3: {  	[sflag:s19] =	ssyncset.done $0x0  }
0xe4: {  	[sflag:s19] =	ssyncadd.s32 $0xFFFFC000  }
0xe5: {  	[tilespmem:s16], [sflag:$0x1] =	stream.indirect.gather [hbm4b:s3+s15], $0x80, s29, s15, $0xb8;
	[tilespmem:$0x1C8C0] =	vst v63  }
0xe6: {  	_ =	swait.ge [sflag:s17], $0x4000  }
0xe7: {  	[sflag:s17] =	ssyncset.done $0x0  }
0xe8: {  	[sflag:s17] =	ssyncadd.s32 $0xFFFFC000  }
0xe9: {  	[tilespmem:s18], [sflag:$0x2] =	stream.indirect.gather [hbm4b:s3+s15], $0x80, s30, s15, $0xb8;
	[tilespmem:$0x1C8C0] =	vst v63  }
0xea: {  	_ =	swait.ge [sflag:s19], $0x4000  }
0xeb: {  	[sflag:s19] =	ssyncset.done $0x0  }
0xec: {  	[sflag:s19] =	ssyncadd.s32 $0xFFFFC000  }
0xed: {  	[tilespmem:s16], [sflag:$0x1] =	stream.indirect.gather [hbm4b:s3+s15], $0x80, s31, s15, $0xb8;
	[tilespmem:$0x1C8C0] =	vst v63  }
0xee: {  	_ =	swait.ge [sflag:s17], $0x4000  }
0xef: {  	[sflag:s17] =	ssyncset.done $0x0  }
0xf0: {  	[sflag:s17] =	ssyncadd.s32 $0xFFFFC000  }
0xf1: {  	[tilespmem:s18], [sflag:$0x2] =	stream.indirect.gather [hbm4b:s3+s15], $0x80, s0, s15, $0xb8;
	[tilespmem:$0x1C8C0] =	vst v63  }
0xf2: {  	_ =	swait.ge [sflag:s19], $0x4000  }
0xf3: {  	[sflag:s19] =	ssyncset.done $0x0  }
0xf4: {  	[sflag:s19] =	ssyncadd.s32 $0xFFFFC000  }
0xf5: {  	[tilespmem:s16], [sflag:$0x1] =	stream.indirect.gather [hbm4b:s3+s15], $0x80, s1, s15, $0xb8;
	[tilespmem:$0x1C8C0] =	vst v63  }
0xf6: {  	_ =	swait.ge [sflag:s17], $0x4000  }
0xf7: {  	[sflag:s17] =	ssyncset.done $0x0  }
0xf8: {  	[sflag:s17] =	ssyncadd.s32 $0xFFFFC000  }
0xf9: {  	[tilespmem:s18], [sflag:$0x2] =	stream.indirect.gather [hbm4b:s3+s15], $0x80, s5, s15, $0xb8;
	[tilespmem:$0x1C8C0] =	vst v63  }
0xfa: {  	_ =	swait.ge [sflag:s19], $0x4000  }
0xfb: {  	[sflag:s19] =	ssyncset.done $0x0  }
0xfc: {  	[sflag:s19] =	ssyncadd.s32 $0xFFFFC000  }
0xfd: {  	[bflag:$0x0] =	sbarrier.arrive $0xFFFF  }
0xfe: {  	s7 =	rddreg [dreg:$0x6]  }
0xff: {  	s4 =	simm.s32 @p0 $0x1FC3;
	s10 =	rddreg [dreg:$0x8]  }
0x100: {  	[hbm:s7], [sflag:s4] =	dma.local @p0 [spmem:s10], $0x2080  }
0x101: {  	s4 =	simm.s32 @p0 $0x3  }
0x102: {  	_ =	swait.ge @p0 [sflag:s4], $0x2080  }
0x103: {  	s11 =	rddreg [dreg:$0x9]  }
0x104: {  	[sflag:s4] =	ssyncset.done @p0 $0x0;
	s12 =	rddreg [dreg:$0xa]  }
0x105: {  	[sflag:s4] =	ssyncadd.s32 @p0 $0xFFFFDF80;
	s4 =	rddreg [dreg:$0x5]  }
0x106: {  	[hbm:s4], [sflag:s11] =	dma.local @!p0 [spmem:s12], $0x2780  }
0x107: {  	s4 =	simm.s32 @!p0 $0x3  }
0x108: {  	_ =	swait.ge @!p0 [sflag:s4], $0x2780  }
0x109: {  	s6 =	sadd.s32 $0x1, s6;
	s7 =	rddreg [dreg:$0x7]  }
0x10a: {  	p1 =	sne.s32 s6, s7  }
.Ltmp1:
0x10b: {  	_ = 	snop;
	(pc) =	sbr.rel @p1 .LBB2_1-.Ltmp1, $3  }
0x10c: {  	_ =	sdelay $0x1  }
0x10d: {  	[sflag:s4] =	ssyncset.done @!p0 $0x0  }
0x10e: {  	[sflag:s4] =	ssyncadd.s32 @!p0 $0xFFFFD880  }
0x10f: {  	_ =	sfence.sel $0x180000  }
0x110: {  	[bflag:$0x0] =	sbarrier.arrive $0xFFFF  }
0x111: {  	_ =	strace $0x90000047  }
0x112: {  	s0 =	stileid.u32;
	[bflag:$0x2] =	sbarrier.arrive $0xFFFF  }
0x113: {  	p0 =	sne.s32 s0, $0x0;
	s0 =	rddreg [dreg:$0x3]  }
0x114: {  	s0 =	sadd.s32 @!p0 $0x100000, s0  }
0x115: {  	[sflag:s0] =	ssyncadd.tile.s32 @!p0 $0x1;
	_ =	shalt  }
.Lfunc_end2:
_tile_overlayer_lowered:
.L_overlay_start_2:
0x116: {  	(tag) =	ssettag $0x2  }
0x117: {  	s0 =	rddreg [dreg:$0x0];
	s2 =	stileid.u32  }
0x118: {  	s1 =	rddreg [dreg:$0x1];
	p0 =	sne.s32 s2, $0x0  }
0x119: {  	s3 =	rddreg [dreg:$0x2];
	[bflag:$0x3] =	sbarrier.arrive $0xFFFF;
	s2 =	simm.s32 @!p0 $0x1C03  }
0x11a: {  	[timem:s3], [sflag:s2] =	dma.local @!p0 [hbm:s0], s1  }
0x11b: {  	s0 =	simm.s32 @!p0 $0x3  }
0x11c: {  	_ =	swait.ge @!p0 [sflag:s0], s1  }
0x11d: {  	s1 =	ssub.s32 @!p0 $0x0, s1;
	[sflag:s0] =	ssyncset.done @!p0 $0x0  }
0x11e: {  	[sflag:s0] =	ssyncadd.s32 @!p0 s1  }
0x11f: {  	[bflag:$0x3] =	sbarrier.arrive $0xFFFF  }
0x120: {  	_ =	shalt  }

// kernel: kernel.14.cloned.1.call-start
scs
__scs_entry_jumppad:
0x0: {  	(pc) =	sbr.rel $0x88, $3  }
0x1: {  	(tag) =	ssettag $0x0;
	lr =	simm.s32 $0x1  }
0x2: {  	[smem:$0x3F97] =	sst lr;
	_ =	strace $0xD0000000  }
0x3: {  	_ = 	snop  }
0x4: {  	_ = 	snop  }
0x5: {  	_ = 	snop  }
0x6: {  	_ = 	snop  }
0x7: {  	_ = 	snop  }
__scs_overlays_trampoline_lowered:
0x8: {  	[smem:$0x3FA6] =	sst s0  }
0x9: {  	[smem:$0x3FA7] =	sst s1  }
0xa: {  	[smem:$0x3FA8] =	sst s2  }
0xb: {  	[smem:$0x3FA9] =	sst s3  }
0xc: {  	[smem:$0x3FAA] =	sst s4  }
0xd: {  	[smem:$0x3FAB] =	sst s5  }
0xe: {  	[smem:$0x3FAC] =	sst s6  }
0xf: {  	[smem:$0x3FAD] =	sst s7  }
0x10: {  	[smem:$0x3FAE] =	sst s8  }
0x11: {  	[smem:$0x3FAF] =	sst s9;
	s0 =	simm.s32 @!p0 $0x0  }
0x12: {  	s1 =	sld [smem:$0x3F95];
	s0 =	simm.s32 @p0 $0x1  }
0x13: {  	[smem:$0x3FB0] =	sst s0;
	s0 =	simm.s32 @!p1 $0x0  }
0x14: {  	s2 =	sld [smem:$0x3F94];
	s0 =	simm.s32 @p1 $0x1  }
0x15: {  	[smem:$0x3FB1] =	sst s0;
	s0 =	simm.s32 @!p2 $0x0  }
0x16: {  	s3 =	sld [smem:$0x3FDB];
	s0 =	simm.s32 @p2 $0x1  }
0x17: {  	s4 =	simm.s32 $0x1BF5;
	[smem:$0x3FB3] =	sst s0  }
0x18: {  	s0 =	sld [smem:$0x3F96];
	_ =	swait.ge [sflag:s4], $0x0  }
0x19: {  	s7 =	sld [smem:$0x3F97]  }
0x1a: {  	s8 =	sadd.s32 $0xFFFFE003, lr  }
0x1b: {  	s9 =	sadd.s32 $0xFFFFFEF7, lr;
	s5 =	simm.s32 $0xFFFFFFFF;
	p2 =	slt.u32 s8, $0xFFFFF086  }
0x1c: {  	p1 =	slt.u32 s9, $0xF7A;
	s5 =	simm.s32 @!p2 $0x0  }
0x1d: {  	s5 =	simm.s32 @p1 $0x1;
	p0 =	seq.s32 s7, s2  }
0x1e: {  	s7 =	smul.u32 @!p0 $0xF7A, s2;
	p2 =	seq.s32 @!p0 s5, $0x0  }
0x1f: {  	s9 =	smul.u32 $0xF7A, s1;
	s8 =	simm.s32 @!p0 $0x1BF5;
	p2 =	por !p2, p0  }
0x20: {  	[sflag:s8] =	ssyncset.s32 @!p0 $0xFFFFF086;
	s6 =	sadd.s32 @!p0 s3, s7;
	s7 =	simm.s32 @!p0 $0x108  }
0x21: {  	s3 =	sadd.s32 s3, s9;
	s6 =	sadd.s32 @!p0 $0x88, s6;
	s7 =	simm.s32 @p2 $0x1082  }
0x22: {  	[simem:s7], [sflag:s8] =	dma.local @!p0 [hbm:s6], $0xF7A  }
0x23: {  	s9 =	sor.u32 $0xD0000000, s2;
	s6 =	simm.s32 $0x108;
	_ =	swait.ge @!p0 [sflag:s8], $0x0  }
0x24: {  	s3 =	sadd.s32 $0x88, s3;
	s6 =	simm.s32 @!p1 $0x1082;
	[sflag:s4] =	ssyncset.s32 $0xFFFFF086  }
0x25: {  	[simem:s6], [sflag:s4] =	dma.local [hbm:s3], $0xF7A  }
0x26: {  	[smem:$0x3F97] =	sst s1;
	(tag) =	ssettag s2;
	_ =	strace s9  }
0x27: {  	s1 =	sld [smem:$0x3FA7]  }
0x28: {  	s2 =	sld [smem:$0x3FA8]  }
0x29: {  	s4 =	sld [smem:$0x3FAA]  }
0x2a: {  	p0 =	seq.s32 s5, $0x0;
	s5 =	sld [smem:$0x3FAB]  }
0x2b: {  	s6 =	sld [smem:$0x3FAC]  }
0x2c: {  	s7 =	sld [smem:$0x3FAD]  }
0x2d: {  	s3 =	simm.s32 $0x108;
	s8 =	sld [smem:$0x3FAE]  }
0x2e: {  	s3 =	simm.s32 @!p0 $0x1082;
	s9 =	sld [smem:$0x3FAF]  }
0x2f: {  	lr =	sadd.s32 s0, s3;
	s0 =	sld [smem:$0x3FA6]  }
0x30: {  	s3 =	sld [smem:$0x3FA9]  }
0x31: {  	[smem:$0x3FB2] =	sst s10  }
0x32: {  	s10 =	sld [smem:$0x3FB0];
	_ =	sdelay $0x3  }
0x33: {  	p0 =	seq.s32 s10, $0x1;
	s10 =	sld [smem:$0x3FB2];
	_ =	sdelay $0x3  }
0x34: {  	[smem:$0x3FB2] =	sst s10  }
0x35: {  	s10 =	sld [smem:$0x3FB1];
	_ =	sdelay $0x3  }
0x36: {  	p1 =	seq.s32 s10, $0x1;
	s10 =	sld [smem:$0x3FB2];
	_ =	sdelay $0x3  }
0x37: {  	[smem:$0x3FB2] =	sst s10  }
0x38: {  	s10 =	sld [smem:$0x3FB3]  }
0x39: {  	_ = 	snop;
	(pc) =	sbr.ind lr, $3  }
0x3a: {  	_ = 	snop  }
0x3b: {  	_ = 	snop  }
0x3c: {  	p2 =	seq.s32 s10, $0x1;
	s10 =	sld [smem:$0x3FB2]  }
0x3d: {  	_ =	shalt  }
0x3e: {  	_ =	shalt  }
0x3f: {  	_ =	shalt  }
0x40: {  	_ =	shalt  }
0x41: {  	_ =	shalt  }
0x42: {  	_ =	shalt  }
0x43: {  	_ =	shalt  }
0x44: {  	_ =	shalt  }
0x45: {  	_ =	shalt  }
0x46: {  	_ =	shalt  }
0x47: {  	_ =	shalt  }
0x48: {  	_ =	shalt  }
0x49: {  	_ =	shalt  }
0x4a: {  	_ =	shalt  }
0x4b: {  	_ =	shalt  }
0x4c: {  	_ =	shalt  }
0x4d: {  	_ =	shalt  }
0x4e: {  	_ =	shalt  }
0x4f: {  	_ =	shalt  }
0x50: {  	_ =	shalt  }
0x51: {  	_ =	shalt  }
0x52: {  	_ =	shalt  }
0x53: {  	_ =	shalt  }
0x54: {  	_ =	shalt  }
0x55: {  	_ =	shalt  }
0x56: {  	_ =	shalt  }
0x57: {  	_ =	shalt  }
0x58: {  	_ =	shalt  }
0x59: {  	_ =	shalt  }
0x5a: {  	_ =	shalt  }
0x5b: {  	_ =	shalt  }
0x5c: {  	_ =	shalt  }
0x5d: {  	_ =	shalt  }
0x5e: {  	_ =	shalt  }
0x5f: {  	_ =	shalt  }
0x60: {  	_ =	shalt  }
0x61: {  	_ =	shalt  }
0x62: {  	_ =	shalt  }
0x63: {  	_ =	shalt  }
0x64: {  	_ =	shalt  }
0x65: {  	_ =	shalt  }
0x66: {  	_ =	shalt  }
0x67: {  	_ =	shalt  }
0x68: {  	_ =	shalt  }
0x69: {  	_ =	shalt  }
0x6a: {  	_ =	shalt  }
0x6b: {  	_ =	shalt  }
0x6c: {  	_ =	shalt  }
0x6d: {  	_ =	shalt  }
0x6e: {  	_ =	shalt  }
0x6f: {  	_ =	shalt  }
0x70: {  	_ =	shalt  }
0x71: {  	_ =	shalt  }
0x72: {  	_ =	shalt  }
0x73: {  	_ =	shalt  }
0x74: {  	_ =	shalt  }
0x75: {  	_ =	shalt  }
0x76: {  	_ =	shalt  }
0x77: {  	_ =	shalt  }
0x78: {  	_ =	shalt  }
0x79: {  	_ =	shalt  }
0x7a: {  	_ =	shalt  }
0x7b: {  	_ =	shalt  }
0x7c: {  	_ =	shalt  }
0x7d: {  	_ =	shalt  }
0x7e: {  	_ =	shalt  }
0x7f: {  	_ =	shalt  }
0x80: {  	_ =	shalt  }
0x81: {  	_ =	shalt  }
0x82: {  	_ =	shalt  }
0x83: {  	_ =	shalt  }
0x84: {  	_ =	shalt  }
0x85: {  	_ =	shalt  }
0x86: {  	_ =	shalt  }
0x87: {  	_ =	shalt  }
.Lfunc_end0:
.L_simem_size_0:
called_computation.1_lowered:
.L_overlay_start_0:
0x88: {  	s2 =	sld [smem:$0x3FD9]  }
0x89: {  	s3 =	sld [smem:$0x3FFE];
	_ =	sdelay $0x1  }
0x8a: {  	s1 =	srdreg.scid  }
0x8b: {  	s0 =	sand.u32 $0x1, s1  }
0x8c: {  	s17 =	sshll.u32 s0, $0xA;
	s2 =	sadd.s32 s3, s2  }
0x8d: {  	s2 =	sadd.s32 s2, s17  }
0x8e: {  	[smem:$0x3FBE] =	sst s2  }
0x8f: {  	_ = 	snop  }
0x90: {  	s2 =	sld [smem:$0x3FD0];
	(tm) =	ssettm $0x1  }
0x91: {  	s18 =	sld [smem:$0x3FFB];
	_ =	sdelay $0x3  }
0x92: {  	_ =	strace s18  }
0x93: {  	s3 =	sld [smem:$0x3FFC];
	_ =	sdelay $0x3  }
0x94: {  	_ =	strace s3  }
0x95: {  	s3 =	sld [smem:$0x3FFD];
	_ =	sdelay $0x3  }
0x96: {  	_ =	strace s3  }
0x97: {  	_ =	strace $0x8FFFFFFF  }
0x98: {  	s19 =	sld [smem:$0x3FDB];
	_ =	sdelay $0x1  }
0x99: {  	s4 =	simm.s32 $_scs_section_size  }
0x9a: {  	s5 =	simm.s32 $_size__tile_overlayer_lowered;
	s6 =	simm.s32 $_tile_overlayer_lowered  }
0x9b: {  	s22 =	simm.s32 $0x1BFF;
	s21 =	sshll.u32 s6, $0x1;
	s3 =	sadd.s32 s4, s19  }
0x9c: {  	s7 =	simm.s32 $0x0;
	s20 =	sshll.u32 s5, $0x1;
	s5 =	sadd.s32 s21, s3  }
0x9d: {  	[timem:s7], [sflag:s22] =	dma.local [hbm:s5], s20  }
0x9e: {  	_ =	swait.ge [sflag:s22], s20  }
0x9f: {  	s4 =	ssub.s32 $0x0, s20;
	[sflag:s22] =	ssyncset.done $0x0  }
0xa0: {  	[sflag:s22] =	ssyncadd.s32 s4;
	_ =	sdelay $0x1  }
0xa1: {  	s23 =	simm.s32 $0x1B8B  }
0xa2: {  	_ =	swait.ge [sflag:s23], $0x1  }
0xa3: {  	[sflag:s23] =	ssyncset.done $0x0  }
0xa4: {  	s25 =	simm.s32 $0x1B8E;
	s24 =	sld [smem:$0x3FFE];
	[sflag:s23] =	ssyncadd.s32 $0xFFFFFFFF  }
0xa5: {  	s26 =	simm.s32 $execute0_lowered;
	[smem:$0x3FD2] =	sst s25  }
0xa6: {  	s5 =	sshll.u32 s26, $0x1;
	_ =	strace $0x80000049;
	[dreg:$0x1] =	wrdreg $0xFFFFFFFF  }
0xa7: {  	s28 =	simm.s32 $_size_execute0_lowered;
	s3 =	sadd.s32 s3, s5;
	[dreg:$0x0] =	wrdreg $0x0  }
0xa8: {  	s5 =	sshll.u32 s28, $0x1;
	[dreg:$0x2] =	wrdreg s3  }
0xa9: {  	[dreg:$0x3] =	wrdreg s5  }
0xaa: {  	[dreg:$0x4] =	wrdreg $0xC0  }
0xab: {  	_ =	task [dreg:s7], $0x5FFFF  }
0xac: {  	[dreg:$0x1] =	wrdreg $0xFFFFFFFF  }
0xad: {  	[dreg:$0x0] =	wrdreg $0x60  }
0xae: {  	[dreg:$0x2] =	wrdreg s24  }
0xaf: {  	[dreg:$0x3] =	wrdreg s2  }
0xb0: {  	[dreg:$0x4] =	wrdreg $0x90000  }
0xb1: {  	[dreg:$0x5] =	wrdreg $0x9  }
0xb2: {  	_ =	task.clear_ibuf [dreg:s7], $0x6FFFF;
	_ =	strace $0x90000049  }
0xb3: {  	s29 =	simm.s32 $0x9;
	_ =	strace $0x8000004B  }
0xb4: {  	_ =	swait.ge [sflag:s29], $0x1  }
0xb5: {  	[sflag:s29] =	ssyncadd.s32 $0xFFFFFFFF  }
0xb6: {  	_ =	strace $0x9000004B  }
0xb7: {  	_ =	sfence  }
0xb8: {  	s30 =	sld [smem:$0x0];
	_ =	sdelay $0x2  }
0xb9: {  	s31 =	sshll.u32 s1, $0xD;
	s1 =	sshrl.u32 s1, $0x2  }
0xba: {  	s3 =	sand.u32 $0x4000, s31;
	s1 =	sadd.s32 s1, s30  }
0xbb: {  	s0 =	sor.u32 s3, s0;
	s1 =	sshll.u32 s1, $0x11  }
0xbc: {  	s0 =	sor.u32 s1, s0  }
0xbd: {  	s0 =	sadd.s32 $0x8F2B, s0  }
0xbe: {  	[sflag:s0] =	ssyncadd.remote.s32 $0x1  }
0xbf: {  	_ =	sfence.sel $0xFFFF  }
0xc0: {  	[dreg:$0x0] =	wrdreg $0xFFFFFFFF;
	(pc) =	sbr.abs _section_cstart, $3  }
0xc1: {  	[dreg:$0x1] =	wrdreg $0xFFFFFFFF  }
0xc2: {  	_ =	task.clear_ibuf [dreg:s7], $0x2FFFF;
	_ =	strace $0x9FFFFFFF  }
0xc3: {  	(tm) =	ssettm $0x7FFFFFFF  }
tec
execute0_lowered:
.L_overlay_start_1:
0x0: {  	(tag) =	ssettag $0x1  }
0x1: {  	s0 =	rddreg [dreg:$0x0]  }
0x2: {  	s1 =	rddreg [dreg:$0x1]  }
0x3: {  	s4 =	rddreg [dreg:$0x2];
	s2 =	simm.s32 $0x0;
	s14 =	stileid.u32  }
0x4: {  	s6 =	srdreg.scid;
	s15 =	simm.s32 $0x80;
	s16 =	simm.s32 $0x1000  }
0x5: {  	s17 =	simm.s32 $0x1;
	s18 =	simm.s32 $0x5000;
	s19 =	simm.s32 $0x2  }
0x6: {  	s20 =	simm.s32 $0x100;
	s28 =	simm.s32 $0x480;
	s29 =	simm.s32 $0x500  }
0x7: {  	s30 =	simm.s32 $0x580;
	s31 =	simm.s32 $0x600;
	s5 =	smul.u32 $0xA00, s14  }
0x8: {  	[smem:$0x7FF] =	sst s2;
	s3 =	sadd.s32 $0xD200, s0;
	s8 =	smul.u32 $0x4F000, s14  }
0x9: {  	s6 =	sand.u32 $0x1, s6;
	s9 =	sadd.s32 $0x5B400, s0;
	s22 =	smul.u32 $0x2780, s14  }
0xa: {  	p0 =	seq.s32 s14, $0xF;
	_ =	strace $0x8000004A;
	s10 =	smul.u32 $0x27100, s6  }
0xb: {  	[dreg:$0x4] =	wrdreg s9;
	s21 =	ssub.s32 $0x2, s6;
	s12 =	smul.u32 $0x138800, s6  }
0xc: {  	s6 =	smul.u32 $0xA000, s6;
	s7 =	sadd.s32 s5, s0;
	s11 =	sshrl.u32 s21, $0x1  }
0xd: {  	s0 =	sadd.s32 $0x5DC00, s0;
	s8 =	sshrl.u32 s8, $0x2;
	s9 =	ssub.s32 s21, s11  }
0xe: {  	s13 =	sadd.s32 s8, s4;
	s4 =	sadd.s32 $0x128400, s4;
	s23 =	sshrl.u32 s12, $0x3  }
0xf: {  	s10 =	sadd.s32 s22, s10;
	s26 =	sadd.s32 s6, s1;
	s21 =	simm.s32 $0x180  }
0x10: {  	s22 =	simm.s32 $0x200;
	s1 =	simm.s32 $0x700;
	s6 =	simm.s32 $0x0  }
0x11: {  	s8 =	sadd.s32 s0, s23;
	s0 =	sadd.s32 s0, s10;
	s25 =	smax.u32 s9, $0x1  }
0x12: {  	s9 =	sadd.s32 s5, s26;
	s10 =	sshrl.u32 @p0 s4, $0x3;
	s12 =	sshrl.u32 @!p0 s13, $0x3  }
0x13: {  	s13 =	simm.s32 $0x3;
	s23 =	simm.s32 $0x280;
	[dreg:$0x5] =	wrdreg s0  }
0x14: {  	s26 =	simm.s32 $0x400;
	s5 =	simm.s32 $0x780;
	[dreg:$0x7] =	wrdreg s25  }
0x15: {  	s24 =	sadd.s32 $0x25080, s8;
	s8 =	sadd.s32 $0x3200, s7;
	[dreg:$0x8] =	wrdreg s10  }
0x16: {  	s0 =	sshll.u32 @!p0 s14, $0x6;
	s14 =	simm.s32 $0x800;
	[dreg:$0xa] =	wrdreg s12  }
0x17: {  	s25 =	simm.s32 $0x380;
	[dreg:$0x6] =	wrdreg s24;
	s11 =	sor.u32 @!p0 $0x1C03, s0  }
0x18: {  	s24 =	simm.s32 $0x300;
	s0 =	simm.s32 $0x680;
	[dreg:$0x9] =	wrdreg s11  }
.LBB2_1:
0x19: {  	s4 =	simm.s32 @p0 $0x1FC3;
	s7 =	rddreg [dreg:$0x4]  }
0x1a: {  	[spmem:s10], [sflag:s4] =	dma.local @p0 [hbm:s7], $0x2100  }
0x1b: {  	s4 =	simm.s32 @p0 $0x3  }
0x1c: {  	_ =	swait.ge @p0 [sflag:s4], $0x2100  }
0x1d: {  	[sflag:s4] =	ssyncset.done @p0 $0x0  }
0x1e: {  	[sflag:s4] =	ssyncadd.s32 @p0 $0xFFFFDF00;
	s4 =	simm.s32 @!p0 $0x3  }
0x1f: {  	[spmem:s12], [sflag:s11] =	dma.local @!p0 [hbm:s7], $0x2780  }
0x20: {  	_ =	swait.ge @!p0 [sflag:s4], $0x2780  }
0x21: {  	[sflag:s4] =	ssyncset.done @!p0 $0x0  }
0x22: {  	[sflag:s4] =	ssyncadd.s32 @!p0 $0xFFFFD880  }
0x23: {  	s11 =	sadd.s32 $0x0, s9;
	[bflag:$0x0] =	sbarrier.arrive $0xFFFF  }
0x24: {  	[tilespmem:s2], [sflag:$0x3] =	stream.linear.gather [hbm4b:s11+s2], $0x800, $0x38;
	[tilespmem:$0x1C8C0] =	vst v63  }
0x25: {  	_ =	swait.ge [sflag:s13], $0x800  }
0x26: {  	[sflag:s13] =	ssyncset.done $0x0  }
0x27: {  	s12 =	sadd.s32 $0x0, s8;
	[sflag:s13] =	ssyncadd.s32 $0xFFFFF800  }
0x28: {  	[tilespmem:s14], [sflag:$0x3] =	stream.linear.gather [hbm4b:s12+s2], $0x800, $0x38;
	[tilespmem:$0x1C8C0] =	vst v63  }
0x29: {  	_ =	swait.ge [sflag:s13], $0x800  }
0x2a: {  	[sflag:s13] =	ssyncset.done $0x0  }
0x2b: {  	[sflag:s13] =	ssyncadd.s32 $0xFFFFF800  }
0x2c: {  	[tilespmem:s16], [sflag:$0x1] =	stream.indirect.gather [hbm4b:s3+s15], $0x80, s2, s15, $0xb8;
	[tilespmem:$0x1C8C0] =	vst v63  }
0x2d: {  	_ =	swait.ge [sflag:s17], $0x4000  }
0x2e: {  	[sflag:s17] =	ssyncset.done $0x0  }
0x2f: {  	[sflag:s17] =	ssyncadd.s32 $0xFFFFC000  }
0x30: {  	[tilespmem:s18], [sflag:$0x2] =	stream.indirect.gather [hbm4b:s3+s15], $0x80, s15, s15, $0xb8;
	[tilespmem:$0x1C8C0] =	vst v63  }
0x31: {  	_ =	swait.ge [sflag:s19], $0x4000  }
0x32: {  	[sflag:s19] =	ssyncset.done $0x0  }
0x33: {  	[sflag:s19] =	ssyncadd.s32 $0xFFFFC000  }
0x34: {  	[tilespmem:s16], [sflag:$0x1] =	stream.indirect.gather [hbm4b:s3+s15], $0x80, s20, s15, $0xb8;
	[tilespmem:$0x1C8C0] =	vst v63  }
0x35: {  	_ =	swait.ge [sflag:s17], $0x4000  }
0x36: {  	[sflag:s17] =	ssyncset.done $0x0  }
0x37: {  	[sflag:s17] =	ssyncadd.s32 $0xFFFFC000  }
0x38: {  	[tilespmem:s18], [sflag:$0x2] =	stream.indirect.gather [hbm4b:s3+s15], $0x80, s21, s15, $0xb8;
	[tilespmem:$0x1C8C0] =	vst v63  }
0x39: {  	_ =	swait.ge [sflag:s19], $0x4000  }
0x3a: {  	[sflag:s19] =	ssyncset.done $0x0  }
0x3b: {  	[sflag:s19] =	ssyncadd.s32 $0xFFFFC000  }
0x3c: {  	[tilespmem:s16], [sflag:$0x1] =	stream.indirect.gather [hbm4b:s3+s15], $0x80, s22, s15, $0xb8;
	[tilespmem:$0x1C8C0] =	vst v63  }
0x3d: {  	_ =	swait.ge [sflag:s17], $0x4000  }
0x3e: {  	[sflag:s17] =	ssyncset.done $0x0  }
0x3f: {  	[sflag:s17] =	ssyncadd.s32 $0xFFFFC000  }
0x40: {  	[tilespmem:s18], [sflag:$0x2] =	stream.indirect.gather [hbm4b:s3+s15], $0x80, s23, s15, $0xb8;
	[tilespmem:$0x1C8C0] =	vst v63  }
0x41: {  	_ =	swait.ge [sflag:s19], $0x4000  }
0x42: {  	[sflag:s19] =	ssyncset.done $0x0  }
0x43: {  	[sflag:s19] =	ssyncadd.s32 $0xFFFFC000  }
0x44: {  	[tilespmem:s16], [sflag:$0x1] =	stream.indirect.gather [hbm4b:s3+s15], $0x80, s24, s15, $0xb8;
	[tilespmem:$0x1C8C0] =	vst v63  }
0x45: {  	_ =	swait.ge [sflag:s17], $0x4000  }
0x46: {  	[sflag:s17] =	ssyncset.done $0x0  }
0x47: {  	[sflag:s17] =	ssyncadd.s32 $0xFFFFC000  }
0x48: {  	[tilespmem:s18], [sflag:$0x2] =	stream.indirect.gather [hbm4b:s3+s15], $0x80, s25, s15, $0xb8;
	[tilespmem:$0x1C8C0] =	vst v63  }
0x49: {  	_ =	swait.ge [sflag:s19], $0x4000  }
0x4a: {  	[sflag:s19] =	ssyncset.done $0x0  }
0x4b: {  	[sflag:s19] =	ssyncadd.s32 $0xFFFFC000  }
0x4c: {  	[tilespmem:s16], [sflag:$0x1] =	stream.indirect.gather [hbm4b:s3+s15], $0x80, s26, s15, $0xb8;
	[tilespmem:$0x1C8C0] =	vst v63  }
0x4d: {  	_ =	swait.ge [sflag:s17], $0x4000  }
0x4e: {  	[sflag:s17] =	ssyncset.done $0x0  }
0x4f: {  	[sflag:s17] =	ssyncadd.s32 $0xFFFFC000  }
0x50: {  	[tilespmem:s18], [sflag:$0x2] =	stream.indirect.gather [hbm4b:s3+s15], $0x80, s28, s15, $0xb8;
	[tilespmem:$0x1C8C0] =	vst v63  }
0x51: {  	_ =	swait.ge [sflag:s19], $0x4000  }
0x52: {  	[sflag:s19] =	ssyncset.done $0x0  }
0x53: {  	[sflag:s19] =	ssyncadd.s32 $0xFFFFC000  }
0x54: {  	[tilespmem:s16], [sflag:$0x1] =	stream.indirect.gather [hbm4b:s3+s15], $0x80, s29, s15, $0xb8;
	[tilespmem:$0x1C8C0] =	vst v63  }
0x55: {  	_ =	swait.ge [sflag:s17], $0x4000  }
0x56: {  	[sflag:s17] =	ssyncset.done $0x0  }
0x57: {  	[sflag:s17] =	ssyncadd.s32 $0xFFFFC000  }
0x58: {  	[tilespmem:s18], [sflag:$0x2] =	stream.indirect.gather [hbm4b:s3+s15], $0x80, s30, s15, $0xb8;
	[tilespmem:$0x1C8C0] =	vst v63  }
0x59: {  	_ =	swait.ge [sflag:s19], $0x4000  }
0x5a: {  	[sflag:s19] =	ssyncset.done $0x0  }
0x5b: {  	[sflag:s19] =	ssyncadd.s32 $0xFFFFC000  }
0x5c: {  	[tilespmem:s16], [sflag:$0x1] =	stream.indirect.gather [hbm4b:s3+s15], $0x80, s31, s15, $0xb8;
	[tilespmem:$0x1C8C0] =	vst v63  }
0x5d: {  	_ =	swait.ge [sflag:s17], $0x4000  }
0x5e: {  	[sflag:s17] =	ssyncset.done $0x0  }
0x5f: {  	[sflag:s17] =	ssyncadd.s32 $0xFFFFC000  }
0x60: {  	[tilespmem:s18], [sflag:$0x2] =	stream.indirect.gather [hbm4b:s3+s15], $0x80, s0, s15, $0xb8;
	[tilespmem:$0x1C8C0] =	vst v63  }
0x61: {  	_ =	swait.ge [sflag:s19], $0x4000  }
0x62: {  	[sflag:s19] =	ssyncset.done $0x0  }
0x63: {  	[sflag:s19] =	ssyncadd.s32 $0xFFFFC000  }
0x64: {  	[tilespmem:s16], [sflag:$0x1] =	stream.indirect.gather [hbm4b:s3+s15], $0x80, s1, s15, $0xb8;
	[tilespmem:$0x1C8C0] =	vst v63  }
0x65: {  	_ =	swait.ge [sflag:s17], $0x4000  }
0x66: {  	[sflag:s17] =	ssyncset.done $0x0  }
0x67: {  	[sflag:s17] =	ssyncadd.s32 $0xFFFFC000  }
0x68: {  	[tilespmem:s18], [sflag:$0x2] =	stream.indirect.gather [hbm4b:s3+s15], $0x80, s5, s15, $0xb8;
	[tilespmem:$0x1C8C0] =	vst v63  }
0x69: {  	_ =	swait.ge [sflag:s19], $0x4000  }
0x6a: {  	s7 =	simm.s32 $0x100;
	s4 =	simm.s32 $0x200;
	[sflag:s19] =	ssyncset.done $0x0  }
.LBB2_2:
0x6b: {  	s11 =	sadd.s32 s7, s9  }
0x6c: {  	[sflag:s19] =	ssyncadd.s32 $0xFFFFC000;
	s12 =	smov.u32 s4;
	s10 =	sadd.s32 $0x100, s4  }
0x6d: {  	[tilespmem:s2], [sflag:$0x3] =	stream.linear.gather [hbm4b:s11+s2], $0x800, $0x38;
	[tilespmem:$0x1C8C0] =	vst v63  }
0x6e: {  	p1 =	sne.s32 s4, $0x900;
	_ =	swait.ge [sflag:s13], $0x800  }
0x6f: {  	[sflag:s13] =	ssyncset.done $0x0  }
0x70: {  	s4 =	sadd.s32 s7, s8;
	s7 =	smov.u32 s12;
	[sflag:s13] =	ssyncadd.s32 $0xFFFFF800  }
0x71: {  	[tilespmem:s14], [sflag:$0x3] =	stream.linear.gather [hbm4b:s4+s2], $0x800, $0x38;
	[tilespmem:$0x1C8C0] =	vst v63  }
0x72: {  	_ =	swait.ge [sflag:s13], $0x800  }
0x73: {  	[sflag:s13] =	ssyncset.done $0x0  }
0x74: {  	[sflag:s13] =	ssyncadd.s32 $0xFFFFF800  }
0x75: {  	[tilespmem:s16], [sflag:$0x1] =	stream.indirect.gather [hbm4b:s3+s15], $0x80, s2, s15, $0xb8;
	[tilespmem:$0x1C8C0] =	vst v63  }
0x76: {  	_ =	swait.ge [sflag:s17], $0x4000  }
0x77: {  	[sflag:s17] =	ssyncset.done $0x0  }
0x78: {  	[sflag:s17] =	ssyncadd.s32 $0xFFFFC000  }
0x79: {  	[tilespmem:s18], [sflag:$0x2] =	stream.indirect.gather [hbm4b:s3+s15], $0x80, s15, s15, $0xb8;
	[tilespmem:$0x1C8C0] =	vst v63  }
0x7a: {  	_ =	swait.ge [sflag:s19], $0x4000  }
0x7b: {  	[sflag:s19] =	ssyncset.done $0x0  }
0x7c: {  	[sflag:s19] =	ssyncadd.s32 $0xFFFFC000  }
0x7d: {  	[tilespmem:s16], [sflag:$0x1] =	stream.indirect.gather [hbm4b:s3+s15], $0x80, s20, s15, $0xb8;
	[tilespmem:$0x1C8C0] =	vst v63  }
0x7e: {  	_ =	swait.ge [sflag:s17], $0x4000  }
0x7f: {  	[sflag:s17] =	ssyncset.done $0x0  }
0x80: {  	[sflag:s17] =	ssyncadd.s32 $0xFFFFC000  }
0x81: {  	[tilespmem:s18], [sflag:$0x2] =	stream.indirect.gather [hbm4b:s3+s15], $0x80, s21, s15, $0xb8;
	[tilespmem:$0x1C8C0] =	vst v63  }
0x82: {  	_ =	swait.ge [sflag:s19], $0x4000  }
0x83: {  	[sflag:s19] =	ssyncset.done $0x0  }
0x84: {  	[sflag:s19] =	ssyncadd.s32 $0xFFFFC000  }
0x85: {  	[tilespmem:s16], [sflag:$0x1] =	stream.indirect.gather [hbm4b:s3+s15], $0x80, s22, s15, $0xb8;
	[tilespmem:$0x1C8C0] =	vst v63  }
0x86: {  	_ =	swait.ge [sflag:s17], $0x4000  }
0x87: {  	[sflag:s17] =	ssyncset.done $0x0  }
0x88: {  	[sflag:s17] =	ssyncadd.s32 $0xFFFFC000  }
0x89: {  	[tilespmem:s18], [sflag:$0x2] =	stream.indirect.gather [hbm4b:s3+s15], $0x80, s23, s15, $0xb8;
	[tilespmem:$0x1C8C0] =	vst v63  }
0x8a: {  	_ =	swait.ge [sflag:s19], $0x4000  }
0x8b: {  	[sflag:s19] =	ssyncset.done $0x0  }
0x8c: {  	[sflag:s19] =	ssyncadd.s32 $0xFFFFC000  }
0x8d: {  	[tilespmem:s16], [sflag:$0x1] =	stream.indirect.gather [hbm4b:s3+s15], $0x80, s24, s15, $0xb8;
	[tilespmem:$0x1C8C0] =	vst v63  }
0x8e: {  	_ =	swait.ge [sflag:s17], $0x4000  }
0x8f: {  	[sflag:s17] =	ssyncset.done $0x0  }
0x90: {  	[sflag:s17] =	ssyncadd.s32 $0xFFFFC000  }
0x91: {  	[tilespmem:s18], [sflag:$0x2] =	stream.indirect.gather [hbm4b:s3+s15], $0x80, s25, s15, $0xb8;
	[tilespmem:$0x1C8C0] =	vst v63  }
0x92: {  	_ =	swait.ge [sflag:s19], $0x4000  }
0x93: {  	[sflag:s19] =	ssyncset.done $0x0  }
0x94: {  	[sflag:s19] =	ssyncadd.s32 $0xFFFFC000  }
0x95: {  	[tilespmem:s16], [sflag:$0x1] =	stream.indirect.gather [hbm4b:s3+s15], $0x80, s26, s15, $0xb8;
	[tilespmem:$0x1C8C0] =	vst v63  }
0x96: {  	_ =	swait.ge [sflag:s17], $0x4000  }
0x97: {  	[sflag:s17] =	ssyncset.done $0x0  }
0x98: {  	[sflag:s17] =	ssyncadd.s32 $0xFFFFC000  }
0x99: {  	[tilespmem:s18], [sflag:$0x2] =	stream.indirect.gather [hbm4b:s3+s15], $0x80, s28, s15, $0xb8;
	[tilespmem:$0x1C8C0] =	vst v63  }
0x9a: {  	_ =	swait.ge [sflag:s19], $0x4000  }
0x9b: {  	[sflag:s19] =	ssyncset.done $0x0  }
0x9c: {  	[sflag:s19] =	ssyncadd.s32 $0xFFFFC000  }
0x9d: {  	[tilespmem:s16], [sflag:$0x1] =	stream.indirect.gather [hbm4b:s3+s15], $0x80, s29, s15, $0xb8;
	[tilespmem:$0x1C8C0] =	vst v63  }
0x9e: {  	_ =	swait.ge [sflag:s17], $0x4000  }
0x9f: {  	[sflag:s17] =	ssyncset.done $0x0  }
0xa0: {  	[sflag:s17] =	ssyncadd.s32 $0xFFFFC000  }
0xa1: {  	[tilespmem:s18], [sflag:$0x2] =	stream.indirect.gather [hbm4b:s3+s15], $0x80, s30, s15, $0xb8;
	[tilespmem:$0x1C8C0] =	vst v63  }
0xa2: {  	_ =	swait.ge [sflag:s19], $0x4000  }
0xa3: {  	[sflag:s19] =	ssyncset.done $0x0  }
0xa4: {  	[sflag:s19] =	ssyncadd.s32 $0xFFFFC000  }
0xa5: {  	[tilespmem:s16], [sflag:$0x1] =	stream.indirect.gather [hbm4b:s3+s15], $0x80, s31, s15, $0xb8;
	[tilespmem:$0x1C8C0] =	vst v63  }
0xa6: {  	_ =	swait.ge [sflag:s17], $0x4000  }
0xa7: {  	[sflag:s17] =	ssyncset.done $0x0  }
0xa8: {  	[sflag:s17] =	ssyncadd.s32 $0xFFFFC000  }
0xa9: {  	[tilespmem:s18], [sflag:$0x2] =	stream.indirect.gather [hbm4b:s3+s15], $0x80, s0, s15, $0xb8;
	[tilespmem:$0x1C8C0] =	vst v63  }
0xaa: {  	_ =	swait.ge [sflag:s19], $0x4000  }
0xab: {  	[sflag:s19] =	ssyncset.done $0x0  }
0xac: {  	[sflag:s19] =	ssyncadd.s32 $0xFFFFC000  }
0xad: {  	[tilespmem:s16], [sflag:$0x1] =	stream.indirect.gather [hbm4b:s3+s15], $0x80, s1, s15, $0xb8;
	[tilespmem:$0x1C8C0] =	vst v63  }
0xae: {  	_ =	swait.ge [sflag:s17], $0x4000  }
.Ltmp0:
0xaf: {  	[sflag:s17] =	ssyncset.done $0x0;
	(pc) =	sbr.rel @p1 .LBB2_2-.Ltmp0, $4  }
0xb0: {  	[sflag:s17] =	ssyncadd.s32 $0xFFFFC000  }
0xb1: {  	[tilespmem:s18], [sflag:$0x2] =	stream.indirect.gather [hbm4b:s3+s15], $0x80, s5, s15, $0xb8;
	[tilespmem:$0x1C8C0] =	vst v63  }
0xb2: {  	_ =	swait.ge [sflag:s19], $0x4000  }
0xb3: {  	s4 =	smov.u32 s10;
	[sflag:s19] =	ssyncset.done $0x0  }
0xb4: {  	s4 =	sadd.s32 s7, s9;
	[sflag:s19] =	ssyncadd.s32 $0xFFFFC000  }
0xb5: {  	[tilespmem:s2], [sflag:$0x3] =	stream.linear.gather [hbm4b:s4+s2], $0x800, $0x38;
	[tilespmem:$0x1C8C0] =	vst v63  }
0xb6: {  	_ =	swait.ge [sflag:s13], $0x800  }
0xb7: {  	[sflag:s13] =	ssyncset.done $0x0  }
0xb8: {  	s12 =	sadd.s32 s7, s8;
	[sflag:s13] =	ssyncadd.s32 $0xFFFFF800  }
0xb9: {  	[tilespmem:s14], [sflag:$0x3] =	stream.linear.gather [hbm4b:s12+s2], $0x800, $0x38;
	[tilespmem:$0x1C8C0] =	vst v63  }
0xba: {  	_ =	swait.ge [sflag:s13], $0x800  }
0xbb: {  	[sflag:s13] =	ssyncset.done $0x0  }
0xbc: {  	[sflag:s13] =	ssyncadd.s32 $0xFFFFF800  }
0xbd: {  	[tilespmem:s16], [sflag:$0x1] =	stream.indirect.gather [hbm4b:s3+s15], $0x80, s2, s15, $0xb8;
	[tilespmem:$0x1C8C0] =	vst v63  }
0xbe: {  	_ =	swait.ge [sflag:s17], $0x4000  }
0xbf: {  	[sflag:s17] =	ssyncset.done $0x0  }
0xc0: {  	[sflag:s17] =	ssyncadd.s32 $0xFFFFC000  }
0xc1: {  	[tilespmem:s18], [sflag:$0x2] =	stream.indirect.gather [hbm4b:s3+s15], $0x80, s15, s15, $0xb8;
	[tilespmem:$0x1C8C0] =	vst v63  }
0xc2: {  	_ =	swait.ge [sflag:s19], $0x4000  }
0xc3: {  	[sflag:s19] =	ssyncset.done $0x0  }
0xc4: {  	[sflag:s19] =	ssyncadd.s32 $0xFFFFC000  }
0xc5: {  	[tilespmem:s16], [sflag:$0x1] =	stream.indirect.gather [hbm4b:s3+s15], $0x80, s20, s15, $0xb8;
	[tilespmem:$0x1C8C0] =	vst v63  }
0xc6: {  	_ =	swait.ge [sflag:s17], $0x4000  }
0xc7: {  	[sflag:s17] =	ssyncset.done $0x0  }
0xc8: {  	[sflag:s17] =	ssyncadd.s32 $0xFFFFC000  }
0xc9: {  	[tilespmem:s18], [sflag:$0x2] =	stream.indirect.gather [hbm4b:s3+s15], $0x80, s21, s15, $0xb8;
	[tilespmem:$0x1C8C0] =	vst v63  }
0xca: {  	_ =	swait.ge [sflag:s19], $0x4000  }
0xcb: {  	[sflag:s19] =	ssyncset.done $0x0  }
0xcc: {  	[sflag:s19] =	ssyncadd.s32 $0xFFFFC000  }
0xcd: {  	[tilespmem:s16], [sflag:$0x1] =	stream.indirect.gather [hbm4b:s3+s15], $0x80, s22, s15, $0xb8;
	[tilespmem:$0x1C8C0] =	vst v63  }
0xce: {  	_ =	swait.ge [sflag:s17], $0x4000  }
0xcf: {  	[sflag:s17] =	ssyncset.done $0x0  }
0xd0: {  	[sflag:s17] =	ssyncadd.s32 $0xFFFFC000  }
0xd1: {  	[tilespmem:s18], [sflag:$0x2] =	stream.indirect.gather [hbm4b:s3+s15], $0x80, s23, s15, $0xb8;
	[tilespmem:$0x1C8C0] =	vst v63  }
0xd2: {  	_ =	swait.ge [sflag:s19], $0x4000  }
0xd3: {  	[sflag:s19] =	ssyncset.done $0x0  }
0xd4: {  	[sflag:s19] =	ssyncadd.s32 $0xFFFFC000  }
0xd5: {  	[tilespmem:s16], [sflag:$0x1] =	stream.indirect.gather [hbm4b:s3+s15], $0x80, s24, s15, $0xb8;
	[tilespmem:$0x1C8C0] =	vst v63  }
0xd6: {  	_ =	swait.ge [sflag:s17], $0x4000  }
0xd7: {  	[sflag:s17] =	ssyncset.done $0x0  }
0xd8: {  	[sflag:s17] =	ssyncadd.s32 $0xFFFFC000  }
0xd9: {  	[tilespmem:s18], [sflag:$0x2] =	stream.indirect.gather [hbm4b:s3+s15], $0x80, s25, s15, $0xb8;
	[tilespmem:$0x1C8C0] =	vst v63  }
0xda: {  	_ =	swait.ge [sflag:s19], $0x4000  }
0xdb: {  	[sflag:s19] =	ssyncset.done $0x0  }
0xdc: {  	[sflag:s19] =	ssyncadd.s32 $0xFFFFC000  }
0xdd: {  	[tilespmem:s16], [sflag:$0x1] =	stream.indirect.gather [hbm4b:s3+s15], $0x80, s26, s15, $0xb8;
	[tilespmem:$0x1C8C0] =	vst v63  }
0xde: {  	_ =	swait.ge [sflag:s17], $0x4000  }
0xdf: {  	[sflag:s17] =	ssyncset.done $0x0  }
0xe0: {  	[sflag:s17] =	ssyncadd.s32 $0xFFFFC000  }
0xe1: {  	[tilespmem:s18], [sflag:$0x2] =	stream.indirect.gather [hbm4b:s3+s15], $0x80, s28, s15, $0xb8;
	[tilespmem:$0x1C8C0] =	vst v63  }
0xe2: {  	_ =	swait.ge [sflag:s19], $0x4000  }
0xe3: {  	[sflag:s19] =	ssyncset.done $0x0  }
0xe4: {  	[sflag:s19] =	ssyncadd.s32 $0xFFFFC000  }
0xe5: {  	[tilespmem:s16], [sflag:$0x1] =	stream.indirect.gather [hbm4b:s3+s15], $0x80, s29, s15, $0xb8;
	[tilespmem:$0x1C8C0] =	vst v63  }
0xe6: {  	_ =	swait.ge [sflag:s17], $0x4000  }
0xe7: {  	[sflag:s17] =	ssyncset.done $0x0  }
0xe8: {  	[sflag:s17] =	ssyncadd.s32 $0xFFFFC000  }
0xe9: {  	[tilespmem:s18], [sflag:$0x2] =	stream.indirect.gather [hbm4b:s3+s15], $0x80, s30, s15, $0xb8;
	[tilespmem:$0x1C8C0] =	vst v63  }
0xea: {  	_ =	swait.ge [sflag:s19], $0x4000  }
0xeb: {  	[sflag:s19] =	ssyncset.done $0x0  }
0xec: {  	[sflag:s19] =	ssyncadd.s32 $0xFFFFC000  }
0xed: {  	[tilespmem:s16], [sflag:$0x1] =	stream.indirect.gather [hbm4b:s3+s15], $0x80, s31, s15, $0xb8;
	[tilespmem:$0x1C8C0] =	vst v63  }
0xee: {  	_ =	swait.ge [sflag:s17], $0x4000  }
0xef: {  	[sflag:s17] =	ssyncset.done $0x0  }
0xf0: {  	[sflag:s17] =	ssyncadd.s32 $0xFFFFC000  }
0xf1: {  	[tilespmem:s18], [sflag:$0x2] =	stream.indirect.gather [hbm4b:s3+s15], $0x80, s0, s15, $0xb8;
	[tilespmem:$0x1C8C0] =	vst v63  }
0xf2: {  	_ =	swait.ge [sflag:s19], $0x4000  }
0xf3: {  	[sflag:s19] =	ssyncset.done $0x0  }
0xf4: {  	[sflag:s19] =	ssyncadd.s32 $0xFFFFC000  }
0xf5: {  	[tilespmem:s16], [sflag:$0x1] =	stream.indirect.gather [hbm4b:s3+s15], $0x80, s1, s15, $0xb8;
	[tilespmem:$0x1C8C0] =	vst v63  }
0xf6: {  	_ =	swait.ge [sflag:s17], $0x4000  }
0xf7: {  	[sflag:s17] =	ssyncset.done $0x0  }
0xf8: {  	[sflag:s17] =	ssyncadd.s32 $0xFFFFC000  }
0xf9: {  	[tilespmem:s18], [sflag:$0x2] =	stream.indirect.gather [hbm4b:s3+s15], $0x80, s5, s15, $0xb8;
	[tilespmem:$0x1C8C0] =	vst v63  }
0xfa: {  	_ =	swait.ge [sflag:s19], $0x4000  }
0xfb: {  	[sflag:s19] =	ssyncset.done $0x0  }
0xfc: {  	[sflag:s19] =	ssyncadd.s32 $0xFFFFC000  }
0xfd: {  	[bflag:$0x0] =	sbarrier.arrive $0xFFFF  }
0xfe: {  	s7 =	rddreg [dreg:$0x6]  }
0xff: {  	s4 =	simm.s32 @p0 $0x1FC3;
	s10 =	rddreg [dreg:$0x8]  }
0x100: {  	[hbm:s7], [sflag:s4] =	dma.local @p0 [spmem:s10], $0x2080  }
0x101: {  	s4 =	simm.s32 @p0 $0x3  }
0x102: {  	_ =	swait.ge @p0 [sflag:s4], $0x2080  }
0x103: {  	s11 =	rddreg [dreg:$0x9]  }
0x104: {  	[sflag:s4] =	ssyncset.done @p0 $0x0;
	s12 =	rddreg [dreg:$0xa]  }
0x105: {  	[sflag:s4] =	ssyncadd.s32 @p0 $0xFFFFDF80;
	s4 =	rddreg [dreg:$0x5]  }
0x106: {  	[hbm:s4], [sflag:s11] =	dma.local @!p0 [spmem:s12], $0x2780  }
0x107: {  	s4 =	simm.s32 @!p0 $0x3  }
0x108: {  	_ =	swait.ge @!p0 [sflag:s4], $0x2780  }
0x109: {  	s6 =	sadd.s32 $0x1, s6;
	s7 =	rddreg [dreg:$0x7]  }
0x10a: {  	p1 =	sne.s32 s6, s7  }
.Ltmp1:
0x10b: {  	_ = 	snop;
	(pc) =	sbr.rel @p1 .LBB2_1-.Ltmp1, $3  }
0x10c: {  	_ =	sdelay $0x1  }
0x10d: {  	[sflag:s4] =	ssyncset.done @!p0 $0x0  }
0x10e: {  	[sflag:s4] =	ssyncadd.s32 @!p0 $0xFFFFD880  }
0x10f: {  	_ =	sfence.sel $0x180000  }
0x110: {  	[bflag:$0x0] =	sbarrier.arrive $0xFFFF  }
0x111: {  	_ =	strace $0x9000004A  }
0x112: {  	s0 =	stileid.u32;
	[bflag:$0x2] =	sbarrier.arrive $0xFFFF  }
0x113: {  	p0 =	sne.s32 s0, $0x0;
	s0 =	rddreg [dreg:$0x3]  }
0x114: {  	s0 =	sadd.s32 @!p0 $0x100000, s0  }
0x115: {  	[sflag:s0] =	ssyncadd.tile.s32 @!p0 $0x1;
	_ =	shalt  }
.Lfunc_end2:
_tile_overlayer_lowered:
.L_overlay_start_2:
0x116: {  	(tag) =	ssettag $0x2  }
0x117: {  	s0 =	rddreg [dreg:$0x0];
	s2 =	stileid.u32  }
0x118: {  	s1 =	rddreg [dreg:$0x1];
	p0 =	sne.s32 s2, $0x0  }
0x119: {  	s3 =	rddreg [dreg:$0x2];
	[bflag:$0x3] =	sbarrier.arrive $0xFFFF;
	s2 =	simm.s32 @!p0 $0x1C03  }
0x11a: {  	[timem:s3], [sflag:s2] =	dma.local @!p0 [hbm:s0], s1  }
0x11b: {  	s0 =	simm.s32 @!p0 $0x3  }
0x11c: {  	_ =	swait.ge @!p0 [sflag:s0], s1  }
0x11d: {  	s1 =	ssub.s32 @!p0 $0x0, s1;
	[sflag:s0] =	ssyncset.done @!p0 $0x0  }
0x11e: {  	[sflag:s0] =	ssyncadd.s32 @!p0 s1  }
0x11f: {  	[bflag:$0x3] =	sbarrier.arrive $0xFFFF  }
0x120: {  	_ =	shalt  }

// kernel: kernel.17.cloned.1.call-start
scs
__scs_entry_jumppad:
0x0: {  	(pc) =	sbr.rel $0x88, $3  }
0x1: {  	(tag) =	ssettag $0x0;
	lr =	simm.s32 $0x1  }
0x2: {  	[smem:$0x3F97] =	sst lr;
	_ =	strace $0xD0000000  }
0x3: {  	_ = 	snop  }
0x4: {  	_ = 	snop  }
0x5: {  	_ = 	snop  }
0x6: {  	_ = 	snop  }
0x7: {  	_ = 	snop  }
__scs_overlays_trampoline_lowered:
0x8: {  	[smem:$0x3FA6] =	sst s0  }
0x9: {  	[smem:$0x3FA7] =	sst s1  }
0xa: {  	[smem:$0x3FA8] =	sst s2  }
0xb: {  	[smem:$0x3FA9] =	sst s3  }
0xc: {  	[smem:$0x3FAA] =	sst s4  }
0xd: {  	[smem:$0x3FAB] =	sst s5  }
0xe: {  	[smem:$0x3FAC] =	sst s6  }
0xf: {  	[smem:$0x3FAD] =	sst s7  }
0x10: {  	[smem:$0x3FAE] =	sst s8  }
0x11: {  	[smem:$0x3FAF] =	sst s9;
	s0 =	simm.s32 @!p0 $0x0  }
0x12: {  	s1 =	sld [smem:$0x3F95];
	s0 =	simm.s32 @p0 $0x1  }
0x13: {  	[smem:$0x3FB0] =	sst s0;
	s0 =	simm.s32 @!p1 $0x0  }
0x14: {  	s2 =	sld [smem:$0x3F94];
	s0 =	simm.s32 @p1 $0x1  }
0x15: {  	[smem:$0x3FB1] =	sst s0;
	s0 =	simm.s32 @!p2 $0x0  }
0x16: {  	s3 =	sld [smem:$0x3FDB];
	s0 =	simm.s32 @p2 $0x1  }
0x17: {  	s4 =	simm.s32 $0x1BF5;
	[smem:$0x3FB3] =	sst s0  }
0x18: {  	s0 =	sld [smem:$0x3F96];
	_ =	swait.ge [sflag:s4], $0x0  }
0x19: {  	s7 =	sld [smem:$0x3F97]  }
0x1a: {  	s8 =	sadd.s32 $0xFFFFE003, lr  }
0x1b: {  	s9 =	sadd.s32 $0xFFFFFEF7, lr;
	s5 =	simm.s32 $0xFFFFFFFF;
	p2 =	slt.u32 s8, $0xFFFFF086  }
0x1c: {  	p1 =	slt.u32 s9, $0xF7A;
	s5 =	simm.s32 @!p2 $0x0  }
0x1d: {  	s5 =	simm.s32 @p1 $0x1;
	p0 =	seq.s32 s7, s2  }
0x1e: {  	s7 =	smul.u32 @!p0 $0xF7A, s2;
	p2 =	seq.s32 @!p0 s5, $0x0  }
0x1f: {  	s9 =	smul.u32 $0xF7A, s1;
	s8 =	simm.s32 @!p0 $0x1BF5;
	p2 =	por !p2, p0  }
0x20: {  	[sflag:s8] =	ssyncset.s32 @!p0 $0xFFFFF086;
	s6 =	sadd.s32 @!p0 s3, s7;
	s7 =	simm.s32 @!p0 $0x108  }
0x21: {  	s3 =	sadd.s32 s3, s9;
	s6 =	sadd.s32 @!p0 $0x88, s6;
	s7 =	simm.s32 @p2 $0x1082  }
0x22: {  	[simem:s7], [sflag:s8] =	dma.local @!p0 [hbm:s6], $0xF7A  }
0x23: {  	s9 =	sor.u32 $0xD0000000, s2;
	s6 =	simm.s32 $0x108;
	_ =	swait.ge @!p0 [sflag:s8], $0x0  }
0x24: {  	s3 =	sadd.s32 $0x88, s3;
	s6 =	simm.s32 @!p1 $0x1082;
	[sflag:s4] =	ssyncset.s32 $0xFFFFF086  }
0x25: {  	[simem:s6], [sflag:s4] =	dma.local [hbm:s3], $0xF7A  }
0x26: {  	[smem:$0x3F97] =	sst s1;
	(tag) =	ssettag s2;
	_ =	strace s9  }
0x27: {  	s1 =	sld [smem:$0x3FA7]  }
0x28: {  	s2 =	sld [smem:$0x3FA8]  }
0x29: {  	s4 =	sld [smem:$0x3FAA]  }
0x2a: {  	p0 =	seq.s32 s5, $0x0;
	s5 =	sld [smem:$0x3FAB]  }
0x2b: {  	s6 =	sld [smem:$0x3FAC]  }
0x2c: {  	s7 =	sld [smem:$0x3FAD]  }
0x2d: {  	s3 =	simm.s32 $0x108;
	s8 =	sld [smem:$0x3FAE]  }
0x2e: {  	s3 =	simm.s32 @!p0 $0x1082;
	s9 =	sld [smem:$0x3FAF]  }
0x2f: {  	lr =	sadd.s32 s0, s3;
	s0 =	sld [smem:$0x3FA6]  }
0x30: {  	s3 =	sld [smem:$0x3FA9]  }
0x31: {  	[smem:$0x3FB2] =	sst s10  }
0x32: {  	s10 =	sld [smem:$0x3FB0];
	_ =	sdelay $0x3  }
0x33: {  	p0 =	seq.s32 s10, $0x1;
	s10 =	sld [smem:$0x3FB2];
	_ =	sdelay $0x3  }
0x34: {  	[smem:$0x3FB2] =	sst s10  }
0x35: {  	s10 =	sld [smem:$0x3FB1];
	_ =	sdelay $0x3  }
0x36: {  	p1 =	seq.s32 s10, $0x1;
	s10 =	sld [smem:$0x3FB2];
	_ =	sdelay $0x3  }
0x37: {  	[smem:$0x3FB2] =	sst s10  }
0x38: {  	s10 =	sld [smem:$0x3FB3]  }
0x39: {  	_ = 	snop;
	(pc) =	sbr.ind lr, $3  }
0x3a: {  	_ = 	snop  }
0x3b: {  	_ = 	snop  }
0x3c: {  	p2 =	seq.s32 s10, $0x1;
	s10 =	sld [smem:$0x3FB2]  }
0x3d: {  	_ =	shalt  }
0x3e: {  	_ =	shalt  }
0x3f: {  	_ =	shalt  }
0x40: {  	_ =	shalt  }
0x41: {  	_ =	shalt  }
0x42: {  	_ =	shalt  }
0x43: {  	_ =	shalt  }
0x44: {  	_ =	shalt  }
0x45: {  	_ =	shalt  }
0x46: {  	_ =	shalt  }
0x47: {  	_ =	shalt  }
0x48: {  	_ =	shalt  }
0x49: {  	_ =	shalt  }
0x4a: {  	_ =	shalt  }
0x4b: {  	_ =	shalt  }
0x4c: {  	_ =	shalt  }
0x4d: {  	_ =	shalt  }
0x4e: {  	_ =	shalt  }
0x4f: {  	_ =	shalt  }
0x50: {  	_ =	shalt  }
0x51: {  	_ =	shalt  }
0x52: {  	_ =	shalt  }
0x53: {  	_ =	shalt  }
0x54: {  	_ =	shalt  }
0x55: {  	_ =	shalt  }
0x56: {  	_ =	shalt  }
0x57: {  	_ =	shalt  }
0x58: {  	_ =	shalt  }
0x59: {  	_ =	shalt  }
0x5a: {  	_ =	shalt  }
0x5b: {  	_ =	shalt  }
0x5c: {  	_ =	shalt  }
0x5d: {  	_ =	shalt  }
0x5e: {  	_ =	shalt  }
0x5f: {  	_ =	shalt  }
0x60: {  	_ =	shalt  }
0x61: {  	_ =	shalt  }
0x62: {  	_ =	shalt  }
0x63: {  	_ =	shalt  }
0x64: {  	_ =	shalt  }
0x65: {  	_ =	shalt  }
0x66: {  	_ =	shalt  }
0x67: {  	_ =	shalt  }
0x68: {  	_ =	shalt  }
0x69: {  	_ =	shalt  }
0x6a: {  	_ =	shalt  }
0x6b: {  	_ =	shalt  }
0x6c: {  	_ =	shalt  }
0x6d: {  	_ =	shalt  }
0x6e: {  	_ =	shalt  }
0x6f: {  	_ =	shalt  }
0x70: {  	_ =	shalt  }
0x71: {  	_ =	shalt  }
0x72: {  	_ =	shalt  }
0x73: {  	_ =	shalt  }
0x74: {  	_ =	shalt  }
0x75: {  	_ =	shalt  }
0x76: {  	_ =	shalt  }
0x77: {  	_ =	shalt  }
0x78: {  	_ =	shalt  }
0x79: {  	_ =	shalt  }
0x7a: {  	_ =	shalt  }
0x7b: {  	_ =	shalt  }
0x7c: {  	_ =	shalt  }
0x7d: {  	_ =	shalt  }
0x7e: {  	_ =	shalt  }
0x7f: {  	_ =	shalt  }
0x80: {  	_ =	shalt  }
0x81: {  	_ =	shalt  }
0x82: {  	_ =	shalt  }
0x83: {  	_ =	shalt  }
0x84: {  	_ =	shalt  }
0x85: {  	_ =	shalt  }
0x86: {  	_ =	shalt  }
0x87: {  	_ =	shalt  }
.Lfunc_end0:
.L_simem_size_0:
called_computation.2_lowered:
.L_overlay_start_0:
0x88: {  	s2 =	sld [smem:$0x3FD9]  }
0x89: {  	s3 =	sld [smem:$0x3FFE];
	_ =	sdelay $0x1  }
0x8a: {  	s1 =	srdreg.scid  }
0x8b: {  	s0 =	sand.u32 $0x1, s1  }
0x8c: {  	s17 =	sshll.u32 s0, $0xA;
	s2 =	sadd.s32 s3, s2  }
0x8d: {  	s2 =	sadd.s32 s2, s17  }
0x8e: {  	[smem:$0x3FBE] =	sst s2  }
0x8f: {  	_ = 	snop  }
0x90: {  	s2 =	sld [smem:$0x3FD0];
	(tm) =	ssettm $0x1  }
0x91: {  	s18 =	sld [smem:$0x3FFB];
	_ =	sdelay $0x3  }
0x92: {  	_ =	strace s18  }
0x93: {  	s3 =	sld [smem:$0x3FFC];
	_ =	sdelay $0x3  }
0x94: {  	_ =	strace s3  }
0x95: {  	s3 =	sld [smem:$0x3FFD];
	_ =	sdelay $0x3  }
0x96: {  	_ =	strace s3  }
0x97: {  	_ =	strace $0x8FFFFFFF  }
0x98: {  	s19 =	sld [smem:$0x3FDB];
	_ =	sdelay $0x1  }
0x99: {  	s4 =	simm.s32 $_scs_section_size  }
0x9a: {  	s5 =	simm.s32 $_size__tile_overlayer_lowered;
	s6 =	simm.s32 $_tile_overlayer_lowered  }
0x9b: {  	s22 =	simm.s32 $0x1BFF;
	s21 =	sshll.u32 s6, $0x1;
	s3 =	sadd.s32 s4, s19  }
0x9c: {  	s7 =	simm.s32 $0x0;
	s20 =	sshll.u32 s5, $0x1;
	s5 =	sadd.s32 s21, s3  }
0x9d: {  	[timem:s7], [sflag:s22] =	dma.local [hbm:s5], s20  }
0x9e: {  	_ =	swait.ge [sflag:s22], s20  }
0x9f: {  	s4 =	ssub.s32 $0x0, s20;
	[sflag:s22] =	ssyncset.done $0x0  }
0xa0: {  	[sflag:s22] =	ssyncadd.s32 s4;
	_ =	sdelay $0x1  }
0xa1: {  	s23 =	simm.s32 $0x1B8B  }
0xa2: {  	_ =	swait.ge [sflag:s23], $0x1  }
0xa3: {  	[sflag:s23] =	ssyncset.done $0x0  }
0xa4: {  	s25 =	simm.s32 $0x1B8E;
	s24 =	sld [smem:$0x3FFE];
	[sflag:s23] =	ssyncadd.s32 $0xFFFFFFFF  }
0xa5: {  	s26 =	simm.s32 $execute0_lowered;
	[smem:$0x3FD2] =	sst s25  }
0xa6: {  	s5 =	sshll.u32 s26, $0x1;
	_ =	strace $0x8000004C;
	[dreg:$0x1] =	wrdreg $0xFFFFFFFF  }
0xa7: {  	s28 =	simm.s32 $_size_execute0_lowered;
	s3 =	sadd.s32 s3, s5;
	[dreg:$0x0] =	wrdreg $0x0  }
0xa8: {  	s5 =	sshll.u32 s28, $0x1;
	[dreg:$0x2] =	wrdreg s3  }
0xa9: {  	[dreg:$0x3] =	wrdreg s5  }
0xaa: {  	[dreg:$0x4] =	wrdreg $0xC0  }
0xab: {  	_ =	task [dreg:s7], $0x5FFFF  }
0xac: {  	[dreg:$0x1] =	wrdreg $0xFFFFFFFF  }
0xad: {  	[dreg:$0x0] =	wrdreg $0x60  }
0xae: {  	[dreg:$0x2] =	wrdreg s24  }
0xaf: {  	[dreg:$0x3] =	wrdreg s2  }
0xb0: {  	[dreg:$0x4] =	wrdreg $0x90000  }
0xb1: {  	[dreg:$0x5] =	wrdreg $0x9  }
0xb2: {  	_ =	task.clear_ibuf [dreg:s7], $0x6FFFF;
	_ =	strace $0x9000004C  }
0xb3: {  	s29 =	simm.s32 $0x9;
	_ =	strace $0x8000004E  }
0xb4: {  	_ =	swait.ge [sflag:s29], $0x1  }
0xb5: {  	[sflag:s29] =	ssyncadd.s32 $0xFFFFFFFF  }
0xb6: {  	_ =	strace $0x9000004E  }
0xb7: {  	_ =	sfence  }
0xb8: {  	s30 =	sld [smem:$0x0];
	_ =	sdelay $0x2  }
0xb9: {  	s31 =	sshll.u32 s1, $0xD;
	s1 =	sshrl.u32 s1, $0x2  }
0xba: {  	s3 =	sand.u32 $0x4000, s31;
	s1 =	sadd.s32 s1, s30  }
0xbb: {  	s0 =	sor.u32 s3, s0;
	s1 =	sshll.u32 s1, $0x11  }
0xbc: {  	s0 =	sor.u32 s1, s0  }
0xbd: {  	s0 =	sadd.s32 $0x8F2B, s0  }
0xbe: {  	[sflag:s0] =	ssyncadd.remote.s32 $0x1  }
0xbf: {  	_ =	sfence.sel $0xFFFF  }
0xc0: {  	[dreg:$0x0] =	wrdreg $0xFFFFFFFF;
	(pc) =	sbr.abs _section_cstart, $3  }
0xc1: {  	[dreg:$0x1] =	wrdreg $0xFFFFFFFF  }
0xc2: {  	_ =	task.clear_ibuf [dreg:s7], $0x2FFFF;
	_ =	strace $0x9FFFFFFF  }
0xc3: {  	(tm) =	ssettm $0x7FFFFFFF  }
tec
execute0_lowered:
.L_overlay_start_1:
0x0: {  	(tag) =	ssettag $0x1  }
0x1: {  	s0 =	rddreg [dreg:$0x0]  }
0x2: {  	s1 =	rddreg [dreg:$0x1]  }
0x3: {  	s4 =	rddreg [dreg:$0x2];
	s2 =	simm.s32 $0x0;
	s14 =	stileid.u32  }
0x4: {  	s6 =	srdreg.scid;
	s15 =	simm.s32 $0x80;
	s16 =	simm.s32 $0x1000  }
0x5: {  	s17 =	simm.s32 $0x1;
	s18 =	simm.s32 $0x5000;
	s19 =	simm.s32 $0x2  }
0x6: {  	s20 =	simm.s32 $0x100;
	s28 =	simm.s32 $0x480;
	s29 =	simm.s32 $0x500  }
0x7: {  	s30 =	simm.s32 $0x580;
	s31 =	simm.s32 $0x600;
	s5 =	smul.u32 $0xA00, s14  }
0x8: {  	[smem:$0x7FF] =	sst s2;
	s3 =	sadd.s32 $0xD200, s0;
	s8 =	smul.u32 $0x4F000, s14  }
0x9: {  	s6 =	sand.u32 $0x1, s6;
	s9 =	sadd.s32 $0x5B400, s0;
	s22 =	smul.u32 $0x2780, s14  }
0xa: {  	p0 =	seq.s32 s14, $0xF;
	_ =	strace $0x8000004D;
	s10 =	smul.u32 $0x27100, s6  }
0xb: {  	[dreg:$0x4] =	wrdreg s9;
	s21 =	ssub.s32 $0x2, s6;
	s12 =	smul.u32 $0x138800, s6  }
0xc: {  	s6 =	smul.u32 $0xA000, s6;
	s7 =	sadd.s32 s5, s0;
	s11 =	sshrl.u32 s21, $0x1  }
0xd: {  	s0 =	sadd.s32 $0x5DC00, s0;
	s8 =	sshrl.u32 s8, $0x2;
	s9 =	ssub.s32 s21, s11  }
0xe: {  	s13 =	sadd.s32 s8, s4;
	s4 =	sadd.s32 $0x128400, s4;
	s23 =	sshrl.u32 s12, $0x3  }
0xf: {  	s10 =	sadd.s32 s22, s10;
	s26 =	sadd.s32 s6, s1;
	s21 =	simm.s32 $0x180  }
0x10: {  	s22 =	simm.s32 $0x200;
	s1 =	simm.s32 $0x700;
	s6 =	simm.s32 $0x0  }
0x11: {  	s8 =	sadd.s32 s0, s23;
	s0 =	sadd.s32 s0, s10;
	s25 =	smax.u32 s9, $0x1  }
0x12: {  	s9 =	sadd.s32 s5, s26;
	s10 =	sshrl.u32 @p0 s4, $0x3;
	s12 =	sshrl.u32 @!p0 s13, $0x3  }
0x13: {  	s13 =	simm.s32 $0x3;
	s23 =	simm.s32 $0x280;
	[dreg:$0x5] =	wrdreg s0  }
0x14: {  	s26 =	simm.s32 $0x400;
	s5 =	simm.s32 $0x780;
	[dreg:$0x7] =	wrdreg s25  }
0x15: {  	s24 =	sadd.s32 $0x25080, s8;
	s8 =	sadd.s32 $0x3200, s7;
	[dreg:$0x8] =	wrdreg s10  }
0x16: {  	s0 =	sshll.u32 @!p0 s14, $0x6;
	s14 =	simm.s32 $0x800;
	[dreg:$0xa] =	wrdreg s12  }
0x17: {  	s25 =	simm.s32 $0x380;
	[dreg:$0x6] =	wrdreg s24;
	s11 =	sor.u32 @!p0 $0x1C03, s0  }
0x18: {  	s24 =	simm.s32 $0x300;
	s0 =	simm.s32 $0x680;
	[dreg:$0x9] =	wrdreg s11  }
.LBB2_1:
0x19: {  	s4 =	simm.s32 @p0 $0x1FC3;
	s7 =	rddreg [dreg:$0x4]  }
0x1a: {  	[spmem:s10], [sflag:s4] =	dma.local @p0 [hbm:s7], $0x2100  }
0x1b: {  	s4 =	simm.s32 @p0 $0x3  }
0x1c: {  	_ =	swait.ge @p0 [sflag:s4], $0x2100  }
0x1d: {  	[sflag:s4] =	ssyncset.done @p0 $0x0  }
0x1e: {  	[sflag:s4] =	ssyncadd.s32 @p0 $0xFFFFDF00;
	s4 =	simm.s32 @!p0 $0x3  }
0x1f: {  	[spmem:s12], [sflag:s11] =	dma.local @!p0 [hbm:s7], $0x2780  }
0x20: {  	_ =	swait.ge @!p0 [sflag:s4], $0x2780  }
0x21: {  	[sflag:s4] =	ssyncset.done @!p0 $0x0  }
0x22: {  	[sflag:s4] =	ssyncadd.s32 @!p0 $0xFFFFD880  }
0x23: {  	s11 =	sadd.s32 $0x0, s9;
	[bflag:$0x0] =	sbarrier.arrive $0xFFFF  }
0x24: {  	[tilespmem:s2], [sflag:$0x3] =	stream.linear.gather [hbm4b:s11+s2], $0x800, $0x38;
	[tilespmem:$0x1C8C0] =	vst v63  }
0x25: {  	_ =	swait.ge [sflag:s13], $0x800  }
0x26: {  	[sflag:s13] =	ssyncset.done $0x0  }
0x27: {  	s12 =	sadd.s32 $0x0, s8;
	[sflag:s13] =	ssyncadd.s32 $0xFFFFF800  }
0x28: {  	[tilespmem:s14], [sflag:$0x3] =	stream.linear.gather [hbm4b:s12+s2], $0x800, $0x38;
	[tilespmem:$0x1C8C0] =	vst v63  }
0x29: {  	_ =	swait.ge [sflag:s13], $0x800  }
0x2a: {  	[sflag:s13] =	ssyncset.done $0x0  }
0x2b: {  	[sflag:s13] =	ssyncadd.s32 $0xFFFFF800  }
0x2c: {  	[tilespmem:s16], [sflag:$0x1] =	stream.indirect.gather [hbm4b:s3+s15], $0x80, s2, s15, $0xb8;
	[tilespmem:$0x1C8C0] =	vst v63  }
0x2d: {  	_ =	swait.ge [sflag:s17], $0x4000  }
0x2e: {  	[sflag:s17] =	ssyncset.done $0x0  }
0x2f: {  	[sflag:s17] =	ssyncadd.s32 $0xFFFFC000  }
0x30: {  	[tilespmem:s18], [sflag:$0x2] =	stream.indirect.gather [hbm4b:s3+s15], $0x80, s15, s15, $0xb8;
	[tilespmem:$0x1C8C0] =	vst v63  }
0x31: {  	_ =	swait.ge [sflag:s19], $0x4000  }
0x32: {  	[sflag:s19] =	ssyncset.done $0x0  }
0x33: {  	[sflag:s19] =	ssyncadd.s32 $0xFFFFC000  }
0x34: {  	[tilespmem:s16], [sflag:$0x1] =	stream.indirect.gather [hbm4b:s3+s15], $0x80, s20, s15, $0xb8;
	[tilespmem:$0x1C8C0] =	vst v63  }
0x35: {  	_ =	swait.ge [sflag:s17], $0x4000  }
0x36: {  	[sflag:s17] =	ssyncset.done $0x0  }
0x37: {  	[sflag:s17] =	ssyncadd.s32 $0xFFFFC000  }
0x38: {  	[tilespmem:s18], [sflag:$0x2] =	stream.indirect.gather [hbm4b:s3+s15], $0x80, s21, s15, $0xb8;
	[tilespmem:$0x1C8C0] =	vst v63  }
0x39: {  	_ =	swait.ge [sflag:s19], $0x4000  }
0x3a: {  	[sflag:s19] =	ssyncset.done $0x0  }
0x3b: {  	[sflag:s19] =	ssyncadd.s32 $0xFFFFC000  }
0x3c: {  	[tilespmem:s16], [sflag:$0x1] =	stream.indirect.gather [hbm4b:s3+s15], $0x80, s22, s15, $0xb8;
	[tilespmem:$0x1C8C0] =	vst v63  }
0x3d: {  	_ =	swait.ge [sflag:s17], $0x4000  }
0x3e: {  	[sflag:s17] =	ssyncset.done $0x0  }
0x3f: {  	[sflag:s17] =	ssyncadd.s32 $0xFFFFC000  }
0x40: {  	[tilespmem:s18], [sflag:$0x2] =	stream.indirect.gather [hbm4b:s3+s15], $0x80, s23, s15, $0xb8;
	[tilespmem:$0x1C8C0] =	vst v63  }
0x41: {  	_ =	swait.ge [sflag:s19], $0x4000  }
0x42: {  	[sflag:s19] =	ssyncset.done $0x0  }
0x43: {  	[sflag:s19] =	ssyncadd.s32 $0xFFFFC000  }
0x44: {  	[tilespmem:s16], [sflag:$0x1] =	stream.indirect.gather [hbm4b:s3+s15], $0x80, s24, s15, $0xb8;
	[tilespmem:$0x1C8C0] =	vst v63  }
0x45: {  	_ =	swait.ge [sflag:s17], $0x4000  }
0x46: {  	[sflag:s17] =	ssyncset.done $0x0  }
0x47: {  	[sflag:s17] =	ssyncadd.s32 $0xFFFFC000  }
0x48: {  	[tilespmem:s18], [sflag:$0x2] =	stream.indirect.gather [hbm4b:s3+s15], $0x80, s25, s15, $0xb8;
	[tilespmem:$0x1C8C0] =	vst v63  }
0x49: {  	_ =	swait.ge [sflag:s19], $0x4000  }
0x4a: {  	[sflag:s19] =	ssyncset.done $0x0  }
0x4b: {  	[sflag:s19] =	ssyncadd.s32 $0xFFFFC000  }
0x4c: {  	[tilespmem:s16], [sflag:$0x1] =	stream.indirect.gather [hbm4b:s3+s15], $0x80, s26, s15, $0xb8;
	[tilespmem:$0x1C8C0] =	vst v63  }
0x4d: {  	_ =	swait.ge [sflag:s17], $0x4000  }
0x4e: {  	[sflag:s17] =	ssyncset.done $0x0  }
0x4f: {  	[sflag:s17] =	ssyncadd.s32 $0xFFFFC000  }
0x50: {  	[tilespmem:s18], [sflag:$0x2] =	stream.indirect.gather [hbm4b:s3+s15], $0x80, s28, s15, $0xb8;
	[tilespmem:$0x1C8C0] =	vst v63  }
0x51: {  	_ =	swait.ge [sflag:s19], $0x4000  }
0x52: {  	[sflag:s19] =	ssyncset.done $0x0  }
0x53: {  	[sflag:s19] =	ssyncadd.s32 $0xFFFFC000  }
0x54: {  	[tilespmem:s16], [sflag:$0x1] =	stream.indirect.gather [hbm4b:s3+s15], $0x80, s29, s15, $0xb8;
	[tilespmem:$0x1C8C0] =	vst v63  }
0x55: {  	_ =	swait.ge [sflag:s17], $0x4000  }
0x56: {  	[sflag:s17] =	ssyncset.done $0x0  }
0x57: {  	[sflag:s17] =	ssyncadd.s32 $0xFFFFC000  }
0x58: {  	[tilespmem:s18], [sflag:$0x2] =	stream.indirect.gather [hbm4b:s3+s15], $0x80, s30, s15, $0xb8;
	[tilespmem:$0x1C8C0] =	vst v63  }
0x59: {  	_ =	swait.ge [sflag:s19], $0x4000  }
0x5a: {  	[sflag:s19] =	ssyncset.done $0x0  }
0x5b: {  	[sflag:s19] =	ssyncadd.s32 $0xFFFFC000  }
0x5c: {  	[tilespmem:s16], [sflag:$0x1] =	stream.indirect.gather [hbm4b:s3+s15], $0x80, s31, s15, $0xb8;
	[tilespmem:$0x1C8C0] =	vst v63  }
0x5d: {  	_ =	swait.ge [sflag:s17], $0x4000  }
0x5e: {  	[sflag:s17] =	ssyncset.done $0x0  }
0x5f: {  	[sflag:s17] =	ssyncadd.s32 $0xFFFFC000  }
0x60: {  	[tilespmem:s18], [sflag:$0x2] =	stream.indirect.gather [hbm4b:s3+s15], $0x80, s0, s15, $0xb8;
	[tilespmem:$0x1C8C0] =	vst v63  }
0x61: {  	_ =	swait.ge [sflag:s19], $0x4000  }
0x62: {  	[sflag:s19] =	ssyncset.done $0x0  }
0x63: {  	[sflag:s19] =	ssyncadd.s32 $0xFFFFC000  }
0x64: {  	[tilespmem:s16], [sflag:$0x1] =	stream.indirect.gather [hbm4b:s3+s15], $0x80, s1, s15, $0xb8;
	[tilespmem:$0x1C8C0] =	vst v63  }
0x65: {  	_ =	swait.ge [sflag:s17], $0x4000  }
0x66: {  	[sflag:s17] =	ssyncset.done $0x0  }
0x67: {  	[sflag:s17] =	ssyncadd.s32 $0xFFFFC000  }
0x68: {  	[tilespmem:s18], [sflag:$0x2] =	stream.indirect.gather [hbm4b:s3+s15], $0x80, s5, s15, $0xb8;
	[tilespmem:$0x1C8C0] =	vst v63  }
0x69: {  	_ =	swait.ge [sflag:s19], $0x4000  }
0x6a: {  	s7 =	simm.s32 $0x100;
	s4 =	simm.s32 $0x200;
	[sflag:s19] =	ssyncset.done $0x0  }
.LBB2_2:
0x6b: {  	s11 =	sadd.s32 s7, s9  }
0x6c: {  	[sflag:s19] =	ssyncadd.s32 $0xFFFFC000;
	s12 =	smov.u32 s4;
	s10 =	sadd.s32 $0x100, s4  }
0x6d: {  	[tilespmem:s2], [sflag:$0x3] =	stream.linear.gather [hbm4b:s11+s2], $0x800, $0x38;
	[tilespmem:$0x1C8C0] =	vst v63  }
0x6e: {  	p1 =	sne.s32 s4, $0x900;
	_ =	swait.ge [sflag:s13], $0x800  }
0x6f: {  	[sflag:s13] =	ssyncset.done $0x0  }
0x70: {  	s4 =	sadd.s32 s7, s8;
	s7 =	smov.u32 s12;
	[sflag:s13] =	ssyncadd.s32 $0xFFFFF800  }
0x71: {  	[tilespmem:s14], [sflag:$0x3] =	stream.linear.gather [hbm4b:s4+s2], $0x800, $0x38;
	[tilespmem:$0x1C8C0] =	vst v63  }
0x72: {  	_ =	swait.ge [sflag:s13], $0x800  }
0x73: {  	[sflag:s13] =	ssyncset.done $0x0  }
0x74: {  	[sflag:s13] =	ssyncadd.s32 $0xFFFFF800  }
0x75: {  	[tilespmem:s16], [sflag:$0x1] =	stream.indirect.gather [hbm4b:s3+s15], $0x80, s2, s15, $0xb8;
	[tilespmem:$0x1C8C0] =	vst v63  }
0x76: {  	_ =	swait.ge [sflag:s17], $0x4000  }
0x77: {  	[sflag:s17] =	ssyncset.done $0x0  }
0x78: {  	[sflag:s17] =	ssyncadd.s32 $0xFFFFC000  }
0x79: {  	[tilespmem:s18], [sflag:$0x2] =	stream.indirect.gather [hbm4b:s3+s15], $0x80, s15, s15, $0xb8;
	[tilespmem:$0x1C8C0] =	vst v63  }
0x7a: {  	_ =	swait.ge [sflag:s19], $0x4000  }
0x7b: {  	[sflag:s19] =	ssyncset.done $0x0  }
0x7c: {  	[sflag:s19] =	ssyncadd.s32 $0xFFFFC000  }
0x7d: {  	[tilespmem:s16], [sflag:$0x1] =	stream.indirect.gather [hbm4b:s3+s15], $0x80, s20, s15, $0xb8;
	[tilespmem:$0x1C8C0] =	vst v63  }
0x7e: {  	_ =	swait.ge [sflag:s17], $0x4000  }
0x7f: {  	[sflag:s17] =	ssyncset.done $0x0  }
0x80: {  	[sflag:s17] =	ssyncadd.s32 $0xFFFFC000  }
0x81: {  	[tilespmem:s18], [sflag:$0x2] =	stream.indirect.gather [hbm4b:s3+s15], $0x80, s21, s15, $0xb8;
	[tilespmem:$0x1C8C0] =	vst v63  }
0x82: {  	_ =	swait.ge [sflag:s19], $0x4000  }
0x83: {  	[sflag:s19] =	ssyncset.done $0x0  }
0x84: {  	[sflag:s19] =	ssyncadd.s32 $0xFFFFC000  }
0x85: {  	[tilespmem:s16], [sflag:$0x1] =	stream.indirect.gather [hbm4b:s3+s15], $0x80, s22, s15, $0xb8;
	[tilespmem:$0x1C8C0] =	vst v63  }
0x86: {  	_ =	swait.ge [sflag:s17], $0x4000  }
0x87: {  	[sflag:s17] =	ssyncset.done $0x0  }
0x88: {  	[sflag:s17] =	ssyncadd.s32 $0xFFFFC000  }
0x89: {  	[tilespmem:s18], [sflag:$0x2] =	stream.indirect.gather [hbm4b:s3+s15], $0x80, s23, s15, $0xb8;
	[tilespmem:$0x1C8C0] =	vst v63  }
0x8a: {  	_ =	swait.ge [sflag:s19], $0x4000  }
0x8b: {  	[sflag:s19] =	ssyncset.done $0x0  }
0x8c: {  	[sflag:s19] =	ssyncadd.s32 $0xFFFFC000  }
0x8d: {  	[tilespmem:s16], [sflag:$0x1] =	stream.indirect.gather [hbm4b:s3+s15], $0x80, s24, s15, $0xb8;
	[tilespmem:$0x1C8C0] =	vst v63  }
0x8e: {  	_ =	swait.ge [sflag:s17], $0x4000  }
0x8f: {  	[sflag:s17] =	ssyncset.done $0x0  }
0x90: {  	[sflag:s17] =	ssyncadd.s32 $0xFFFFC000  }
0x91: {  	[tilespmem:s18], [sflag:$0x2] =	stream.indirect.gather [hbm4b:s3+s15], $0x80, s25, s15, $0xb8;
	[tilespmem:$0x1C8C0] =	vst v63  }
0x92: {  	_ =	swait.ge [sflag:s19], $0x4000  }
0x93: {  	[sflag:s19] =	ssyncset.done $0x0  }
0x94: {  	[sflag:s19] =	ssyncadd.s32 $0xFFFFC000  }
0x95: {  	[tilespmem:s16], [sflag:$0x1] =	stream.indirect.gather [hbm4b:s3+s15], $0x80, s26, s15, $0xb8;
	[tilespmem:$0x1C8C0] =	vst v63  }
0x96: {  	_ =	swait.ge [sflag:s17], $0x4000  }
0x97: {  	[sflag:s17] =	ssyncset.done $0x0  }
0x98: {  	[sflag:s17] =	ssyncadd.s32 $0xFFFFC000  }
0x99: {  	[tilespmem:s18], [sflag:$0x2] =	stream.indirect.gather [hbm4b:s3+s15], $0x80, s28, s15, $0xb8;
	[tilespmem:$0x1C8C0] =	vst v63  }
0x9a: {  	_ =	swait.ge [sflag:s19], $0x4000  }
0x9b: {  	[sflag:s19] =	ssyncset.done $0x0  }
0x9c: {  	[sflag:s19] =	ssyncadd.s32 $0xFFFFC000  }
0x9d: {  	[tilespmem:s16], [sflag:$0x1] =	stream.indirect.gather [hbm4b:s3+s15], $0x80, s29, s15, $0xb8;
	[tilespmem:$0x1C8C0] =	vst v63  }
0x9e: {  	_ =	swait.ge [sflag:s17], $0x4000  }
0x9f: {  	[sflag:s17] =	ssyncset.done $0x0  }
0xa0: {  	[sflag:s17] =	ssyncadd.s32 $0xFFFFC000  }
0xa1: {  	[tilespmem:s18], [sflag:$0x2] =	stream.indirect.gather [hbm4b:s3+s15], $0x80, s30, s15, $0xb8;
	[tilespmem:$0x1C8C0] =	vst v63  }
0xa2: {  	_ =	swait.ge [sflag:s19], $0x4000  }
0xa3: {  	[sflag:s19] =	ssyncset.done $0x0  }
0xa4: {  	[sflag:s19] =	ssyncadd.s32 $0xFFFFC000  }
0xa5: {  	[tilespmem:s16], [sflag:$0x1] =	stream.indirect.gather [hbm4b:s3+s15], $0x80, s31, s15, $0xb8;
	[tilespmem:$0x1C8C0] =	vst v63  }
0xa6: {  	_ =	swait.ge [sflag:s17], $0x4000  }
0xa7: {  	[sflag:s17] =	ssyncset.done $0x0  }
0xa8: {  	[sflag:s17] =	ssyncadd.s32 $0xFFFFC000  }
0xa9: {  	[tilespmem:s18], [sflag:$0x2] =	stream.indirect.gather [hbm4b:s3+s15], $0x80, s0, s15, $0xb8;
	[tilespmem:$0x1C8C0] =	vst v63  }
0xaa: {  	_ =	swait.ge [sflag:s19], $0x4000  }
0xab: {  	[sflag:s19] =	ssyncset.done $0x0  }
0xac: {  	[sflag:s19] =	ssyncadd.s32 $0xFFFFC000  }
0xad: {  	[tilespmem:s16], [sflag:$0x1] =	stream.indirect.gather [hbm4b:s3+s15], $0x80, s1, s15, $0xb8;
	[tilespmem:$0x1C8C0] =	vst v63  }
0xae: {  	_ =	swait.ge [sflag:s17], $0x4000  }
.Ltmp0:
0xaf: {  	[sflag:s17] =	ssyncset.done $0x0;
	(pc) =	sbr.rel @p1 .LBB2_2-.Ltmp0, $4  }
0xb0: {  	[sflag:s17] =	ssyncadd.s32 $0xFFFFC000  }
0xb1: {  	[tilespmem:s18], [sflag:$0x2] =	stream.indirect.gather [hbm4b:s3+s15], $0x80, s5, s15, $0xb8;
	[tilespmem:$0x1C8C0] =	vst v63  }
0xb2: {  	_ =	swait.ge [sflag:s19], $0x4000  }
0xb3: {  	s4 =	smov.u32 s10;
	[sflag:s19] =	ssyncset.done $0x0  }
0xb4: {  	s4 =	sadd.s32 s7, s9;
	[sflag:s19] =	ssyncadd.s32 $0xFFFFC000  }
0xb5: {  	[tilespmem:s2], [sflag:$0x3] =	stream.linear.gather [hbm4b:s4+s2], $0x800, $0x38;
	[tilespmem:$0x1C8C0] =	vst v63  }
0xb6: {  	_ =	swait.ge [sflag:s13], $0x800  }
0xb7: {  	[sflag:s13] =	ssyncset.done $0x0  }
0xb8: {  	s12 =	sadd.s32 s7, s8;
	[sflag:s13] =	ssyncadd.s32 $0xFFFFF800  }
0xb9: {  	[tilespmem:s14], [sflag:$0x3] =	stream.linear.gather [hbm4b:s12+s2], $0x800, $0x38;
	[tilespmem:$0x1C8C0] =	vst v63  }
0xba: {  	_ =	swait.ge [sflag:s13], $0x800  }
0xbb: {  	[sflag:s13] =	ssyncset.done $0x0  }
0xbc: {  	[sflag:s13] =	ssyncadd.s32 $0xFFFFF800  }
0xbd: {  	[tilespmem:s16], [sflag:$0x1] =	stream.indirect.gather [hbm4b:s3+s15], $0x80, s2, s15, $0xb8;
	[tilespmem:$0x1C8C0] =	vst v63  }
0xbe: {  	_ =	swait.ge [sflag:s17], $0x4000  }
0xbf: {  	[sflag:s17] =	ssyncset.done $0x0  }
0xc0: {  	[sflag:s17] =	ssyncadd.s32 $0xFFFFC000  }
0xc1: {  	[tilespmem:s18], [sflag:$0x2] =	stream.indirect.gather [hbm4b:s3+s15], $0x80, s15, s15, $0xb8;
	[tilespmem:$0x1C8C0] =	vst v63  }
0xc2: {  	_ =	swait.ge [sflag:s19], $0x4000  }
0xc3: {  	[sflag:s19] =	ssyncset.done $0x0  }
0xc4: {  	[sflag:s19] =	ssyncadd.s32 $0xFFFFC000  }
0xc5: {  	[tilespmem:s16], [sflag:$0x1] =	stream.indirect.gather [hbm4b:s3+s15], $0x80, s20, s15, $0xb8;
	[tilespmem:$0x1C8C0] =	vst v63  }
0xc6: {  	_ =	swait.ge [sflag:s17], $0x4000  }
0xc7: {  	[sflag:s17] =	ssyncset.done $0x0  }
0xc8: {  	[sflag:s17] =	ssyncadd.s32 $0xFFFFC000  }
0xc9: {  	[tilespmem:s18], [sflag:$0x2] =	stream.indirect.gather [hbm4b:s3+s15], $0x80, s21, s15, $0xb8;
	[tilespmem:$0x1C8C0] =	vst v63  }
0xca: {  	_ =	swait.ge [sflag:s19], $0x4000  }
0xcb: {  	[sflag:s19] =	ssyncset.done $0x0  }
0xcc: {  	[sflag:s19] =	ssyncadd.s32 $0xFFFFC000  }
0xcd: {  	[tilespmem:s16], [sflag:$0x1] =	stream.indirect.gather [hbm4b:s3+s15], $0x80, s22, s15, $0xb8;
	[tilespmem:$0x1C8C0] =	vst v63  }
0xce: {  	_ =	swait.ge [sflag:s17], $0x4000  }
0xcf: {  	[sflag:s17] =	ssyncset.done $0x0  }
0xd0: {  	[sflag:s17] =	ssyncadd.s32 $0xFFFFC000  }
0xd1: {  	[tilespmem:s18], [sflag:$0x2] =	stream.indirect.gather [hbm4b:s3+s15], $0x80, s23, s15, $0xb8;
	[tilespmem:$0x1C8C0] =	vst v63  }
0xd2: {  	_ =	swait.ge [sflag:s19], $0x4000  }
0xd3: {  	[sflag:s19] =	ssyncset.done $0x0  }
0xd4: {  	[sflag:s19] =	ssyncadd.s32 $0xFFFFC000  }
0xd5: {  	[tilespmem:s16], [sflag:$0x1] =	stream.indirect.gather [hbm4b:s3+s15], $0x80, s24, s15, $0xb8;
	[tilespmem:$0x1C8C0] =	vst v63  }
0xd6: {  	_ =	swait.ge [sflag:s17], $0x4000  }
0xd7: {  	[sflag:s17] =	ssyncset.done $0x0  }
0xd8: {  	[sflag:s17] =	ssyncadd.s32 $0xFFFFC000  }
0xd9: {  	[tilespmem:s18], [sflag:$0x2] =	stream.indirect.gather [hbm4b:s3+s15], $0x80, s25, s15, $0xb8;
	[tilespmem:$0x1C8C0] =	vst v63  }
0xda: {  	_ =	swait.ge [sflag:s19], $0x4000  }
0xdb: {  	[sflag:s19] =	ssyncset.done $0x0  }
0xdc: {  	[sflag:s19] =	ssyncadd.s32 $0xFFFFC000  }
0xdd: {  	[tilespmem:s16], [sflag:$0x1] =	stream.indirect.gather [hbm4b:s3+s15], $0x80, s26, s15, $0xb8;
	[tilespmem:$0x1C8C0] =	vst v63  }
0xde: {  	_ =	swait.ge [sflag:s17], $0x4000  }
0xdf: {  	[sflag:s17] =	ssyncset.done $0x0  }
0xe0: {  	[sflag:s17] =	ssyncadd.s32 $0xFFFFC000  }
0xe1: {  	[tilespmem:s18], [sflag:$0x2] =	stream.indirect.gather [hbm4b:s3+s15], $0x80, s28, s15, $0xb8;
	[tilespmem:$0x1C8C0] =	vst v63  }
0xe2: {  	_ =	swait.ge [sflag:s19], $0x4000  }
0xe3: {  	[sflag:s19] =	ssyncset.done $0x0  }
0xe4: {  	[sflag:s19] =	ssyncadd.s32 $0xFFFFC000  }
0xe5: {  	[tilespmem:s16], [sflag:$0x1] =	stream.indirect.gather [hbm4b:s3+s15], $0x80, s29, s15, $0xb8;
	[tilespmem:$0x1C8C0] =	vst v63  }
0xe6: {  	_ =	swait.ge [sflag:s17], $0x4000  }
0xe7: {  	[sflag:s17] =	ssyncset.done $0x0  }
0xe8: {  	[sflag:s17] =	ssyncadd.s32 $0xFFFFC000  }
0xe9: {  	[tilespmem:s18], [sflag:$0x2] =	stream.indirect.gather [hbm4b:s3+s15], $0x80, s30, s15, $0xb8;
	[tilespmem:$0x1C8C0] =	vst v63  }
0xea: {  	_ =	swait.ge [sflag:s19], $0x4000  }
0xeb: {  	[sflag:s19] =	ssyncset.done $0x0  }
0xec: {  	[sflag:s19] =	ssyncadd.s32 $0xFFFFC000  }
0xed: {  	[tilespmem:s16], [sflag:$0x1] =	stream.indirect.gather [hbm4b:s3+s15], $0x80, s31, s15, $0xb8;
	[tilespmem:$0x1C8C0] =	vst v63  }
0xee: {  	_ =	swait.ge [sflag:s17], $0x4000  }
0xef: {  	[sflag:s17] =	ssyncset.done $0x0  }
0xf0: {  	[sflag:s17] =	ssyncadd.s32 $0xFFFFC000  }
0xf1: {  	[tilespmem:s18], [sflag:$0x2] =	stream.indirect.gather [hbm4b:s3+s15], $0x80, s0, s15, $0xb8;
	[tilespmem:$0x1C8C0] =	vst v63  }
0xf2: {  	_ =	swait.ge [sflag:s19], $0x4000  }
0xf3: {  	[sflag:s19] =	ssyncset.done $0x0  }
0xf4: {  	[sflag:s19] =	ssyncadd.s32 $0xFFFFC000  }
0xf5: {  	[tilespmem:s16], [sflag:$0x1] =	stream.indirect.gather [hbm4b:s3+s15], $0x80, s1, s15, $0xb8;
	[tilespmem:$0x1C8C0] =	vst v63  }
0xf6: {  	_ =	swait.ge [sflag:s17], $0x4000  }
0xf7: {  	[sflag:s17] =	ssyncset.done $0x0  }
0xf8: {  	[sflag:s17] =	ssyncadd.s32 $0xFFFFC000  }
0xf9: {  	[tilespmem:s18], [sflag:$0x2] =	stream.indirect.gather [hbm4b:s3+s15], $0x80, s5, s15, $0xb8;
	[tilespmem:$0x1C8C0] =	vst v63  }
0xfa: {  	_ =	swait.ge [sflag:s19], $0x4000  }
0xfb: {  	[sflag:s19] =	ssyncset.done $0x0  }
0xfc: {  	[sflag:s19] =	ssyncadd.s32 $0xFFFFC000  }
0xfd: {  	[bflag:$0x0] =	sbarrier.arrive $0xFFFF  }
0xfe: {  	s7 =	rddreg [dreg:$0x6]  }
0xff: {  	s4 =	simm.s32 @p0 $0x1FC3;
	s10 =	rddreg [dreg:$0x8]  }
0x100: {  	[hbm:s7], [sflag:s4] =	dma.local @p0 [spmem:s10], $0x2080  }
0x101: {  	s4 =	simm.s32 @p0 $0x3  }
0x102: {  	_ =	swait.ge @p0 [sflag:s4], $0x2080  }
0x103: {  	s11 =	rddreg [dreg:$0x9]  }
0x104: {  	[sflag:s4] =	ssyncset.done @p0 $0x0;
	s12 =	rddreg [dreg:$0xa]  }
0x105: {  	[sflag:s4] =	ssyncadd.s32 @p0 $0xFFFFDF80;
	s4 =	rddreg [dreg:$0x5]  }
0x106: {  	[hbm:s4], [sflag:s11] =	dma.local @!p0 [spmem:s12], $0x2780  }
0x107: {  	s4 =	simm.s32 @!p0 $0x3  }
0x108: {  	_ =	swait.ge @!p0 [sflag:s4], $0x2780  }
0x109: {  	s6 =	sadd.s32 $0x1, s6;
	s7 =	rddreg [dreg:$0x7]  }
0x10a: {  	p1 =	sne.s32 s6, s7  }
.Ltmp1:
0x10b: {  	_ = 	snop;
	(pc) =	sbr.rel @p1 .LBB2_1-.Ltmp1, $3  }
0x10c: {  	_ =	sdelay $0x1  }
0x10d: {  	[sflag:s4] =	ssyncset.done @!p0 $0x0  }
0x10e: {  	[sflag:s4] =	ssyncadd.s32 @!p0 $0xFFFFD880  }
0x10f: {  	_ =	sfence.sel $0x180000  }
0x110: {  	[bflag:$0x0] =	sbarrier.arrive $0xFFFF  }
0x111: {  	_ =	strace $0x9000004D  }
0x112: {  	s0 =	stileid.u32;
	[bflag:$0x2] =	sbarrier.arrive $0xFFFF  }
0x113: {  	p0 =	sne.s32 s0, $0x0;
	s0 =	rddreg [dreg:$0x3]  }
0x114: {  	s0 =	sadd.s32 @!p0 $0x100000, s0  }
0x115: {  	[sflag:s0] =	ssyncadd.tile.s32 @!p0 $0x1;
	_ =	shalt  }
.Lfunc_end2:
_tile_overlayer_lowered:
.L_overlay_start_2:
0x116: {  	(tag) =	ssettag $0x2  }
0x117: {  	s0 =	rddreg [dreg:$0x0];
	s2 =	stileid.u32  }
0x118: {  	s1 =	rddreg [dreg:$0x1];
	p0 =	sne.s32 s2, $0x0  }
0x119: {  	s3 =	rddreg [dreg:$0x2];
	[bflag:$0x3] =	sbarrier.arrive $0xFFFF;
	s2 =	simm.s32 @!p0 $0x1C03  }
0x11a: {  	[timem:s3], [sflag:s2] =	dma.local @!p0 [hbm:s0], s1  }
0x11b: {  	s0 =	simm.s32 @!p0 $0x3  }
0x11c: {  	_ =	swait.ge @!p0 [sflag:s0], s1  }
0x11d: {  	s1 =	ssub.s32 @!p0 $0x0, s1;
	[sflag:s0] =	ssyncset.done @!p0 $0x0  }
0x11e: {  	[sflag:s0] =	ssyncadd.s32 @!p0 s1  }
0x11f: {  	[bflag:$0x3] =	sbarrier.arrive $0xFFFF  }
0x120: {  	_ =	shalt  }

// kernel: kernel.20.cloned.1.call-start
scs
__scs_entry_jumppad:
0x0: {  	(pc) =	sbr.rel $0x88, $3  }
0x1: {  	(tag) =	ssettag $0x0;
	lr =	simm.s32 $0x1  }
0x2: {  	[smem:$0x3F97] =	sst lr;
	_ =	strace $0xD0000000  }
0x3: {  	_ = 	snop  }
0x4: {  	_ = 	snop  }
0x5: {  	_ = 	snop  }
0x6: {  	_ = 	snop  }
0x7: {  	_ = 	snop  }
__scs_overlays_trampoline_lowered:
0x8: {  	[smem:$0x3FA6] =	sst s0  }
0x9: {  	[smem:$0x3FA7] =	sst s1  }
0xa: {  	[smem:$0x3FA8] =	sst s2  }
0xb: {  	[smem:$0x3FA9] =	sst s3  }
0xc: {  	[smem:$0x3FAA] =	sst s4  }
0xd: {  	[smem:$0x3FAB] =	sst s5  }
0xe: {  	[smem:$0x3FAC] =	sst s6  }
0xf: {  	[smem:$0x3FAD] =	sst s7  }
0x10: {  	[smem:$0x3FAE] =	sst s8  }
0x11: {  	[smem:$0x3FAF] =	sst s9;
	s0 =	simm.s32 @!p0 $0x0  }
0x12: {  	s1 =	sld [smem:$0x3F95];
	s0 =	simm.s32 @p0 $0x1  }
0x13: {  	[smem:$0x3FB0] =	sst s0;
	s0 =	simm.s32 @!p1 $0x0  }
0x14: {  	s2 =	sld [smem:$0x3F94];
	s0 =	simm.s32 @p1 $0x1  }
0x15: {  	[smem:$0x3FB1] =	sst s0;
	s0 =	simm.s32 @!p2 $0x0  }
0x16: {  	s3 =	sld [smem:$0x3FDB];
	s0 =	simm.s32 @p2 $0x1  }
0x17: {  	s4 =	simm.s32 $0x1BF5;
	[smem:$0x3FB3] =	sst s0  }
0x18: {  	s0 =	sld [smem:$0x3F96];
	_ =	swait.ge [sflag:s4], $0x0  }
0x19: {  	s7 =	sld [smem:$0x3F97]  }
0x1a: {  	s8 =	sadd.s32 $0xFFFFE003, lr  }
0x1b: {  	s9 =	sadd.s32 $0xFFFFFEF7, lr;
	s5 =	simm.s32 $0xFFFFFFFF;
	p2 =	slt.u32 s8, $0xFFFFF086  }
0x1c: {  	p1 =	slt.u32 s9, $0xF7A;
	s5 =	simm.s32 @!p2 $0x0  }
0x1d: {  	s5 =	simm.s32 @p1 $0x1;
	p0 =	seq.s32 s7, s2  }
0x1e: {  	s7 =	smul.u32 @!p0 $0xF7A, s2;
	p2 =	seq.s32 @!p0 s5, $0x0  }
0x1f: {  	s9 =	smul.u32 $0xF7A, s1;
	s8 =	simm.s32 @!p0 $0x1BF5;
	p2 =	por !p2, p0  }
0x20: {  	[sflag:s8] =	ssyncset.s32 @!p0 $0xFFFFF086;
	s6 =	sadd.s32 @!p0 s3, s7;
	s7 =	simm.s32 @!p0 $0x108  }
0x21: {  	s3 =	sadd.s32 s3, s9;
	s6 =	sadd.s32 @!p0 $0x88, s6;
	s7 =	simm.s32 @p2 $0x1082  }
0x22: {  	[simem:s7], [sflag:s8] =	dma.local @!p0 [hbm:s6], $0xF7A  }
0x23: {  	s9 =	sor.u32 $0xD0000000, s2;
	s6 =	simm.s32 $0x108;
	_ =	swait.ge @!p0 [sflag:s8], $0x0  }
0x24: {  	s3 =	sadd.s32 $0x88, s3;
	s6 =	simm.s32 @!p1 $0x1082;
	[sflag:s4] =	ssyncset.s32 $0xFFFFF086  }
0x25: {  	[simem:s6], [sflag:s4] =	dma.local [hbm:s3], $0xF7A  }
0x26: {  	[smem:$0x3F97] =	sst s1;
	(tag) =	ssettag s2;
	_ =	strace s9  }
0x27: {  	s1 =	sld [smem:$0x3FA7]  }
0x28: {  	s2 =	sld [smem:$0x3FA8]  }
0x29: {  	s4 =	sld [smem:$0x3FAA]  }
0x2a: {  	p0 =	seq.s32 s5, $0x0;
	s5 =	sld [smem:$0x3FAB]  }
0x2b: {  	s6 =	sld [smem:$0x3FAC]  }
0x2c: {  	s7 =	sld [smem:$0x3FAD]  }
0x2d: {  	s3 =	simm.s32 $0x108;
	s8 =	sld [smem:$0x3FAE]  }
0x2e: {  	s3 =	simm.s32 @!p0 $0x1082;
	s9 =	sld [smem:$0x3FAF]  }
0x2f: {  	lr =	sadd.s32 s0, s3;
	s0 =	sld [smem:$0x3FA6]  }
0x30: {  	s3 =	sld [smem:$0x3FA9]  }
0x31: {  	[smem:$0x3FB2] =	sst s10  }
0x32: {  	s10 =	sld [smem:$0x3FB0];
	_ =	sdelay $0x3  }
0x33: {  	p0 =	seq.s32 s10, $0x1;
	s10 =	sld [smem:$0x3FB2];
	_ =	sdelay $0x3  }
0x34: {  	[smem:$0x3FB2] =	sst s10  }
0x35: {  	s10 =	sld [smem:$0x3FB1];
	_ =	sdelay $0x3  }
0x36: {  	p1 =	seq.s32 s10, $0x1;
	s10 =	sld [smem:$0x3FB2];
	_ =	sdelay $0x3  }
0x37: {  	[smem:$0x3FB2] =	sst s10  }
0x38: {  	s10 =	sld [smem:$0x3FB3]  }
0x39: {  	_ = 	snop;
	(pc) =	sbr.ind lr, $3  }
0x3a: {  	_ = 	snop  }
0x3b: {  	_ = 	snop  }
0x3c: {  	p2 =	seq.s32 s10, $0x1;
	s10 =	sld [smem:$0x3FB2]  }
0x3d: {  	_ =	shalt  }
0x3e: {  	_ =	shalt  }
0x3f: {  	_ =	shalt  }
0x40: {  	_ =	shalt  }
0x41: {  	_ =	shalt  }
0x42: {  	_ =	shalt  }
0x43: {  	_ =	shalt  }
0x44: {  	_ =	shalt  }
0x45: {  	_ =	shalt  }
0x46: {  	_ =	shalt  }
0x47: {  	_ =	shalt  }
0x48: {  	_ =	shalt  }
0x49: {  	_ =	shalt  }
0x4a: {  	_ =	shalt  }
0x4b: {  	_ =	shalt  }
0x4c: {  	_ =	shalt  }
0x4d: {  	_ =	shalt  }
0x4e: {  	_ =	shalt  }
0x4f: {  	_ =	shalt  }
0x50: {  	_ =	shalt  }
0x51: {  	_ =	shalt  }
0x52: {  	_ =	shalt  }
0x53: {  	_ =	shalt  }
0x54: {  	_ =	shalt  }
0x55: {  	_ =	shalt  }
0x56: {  	_ =	shalt  }
0x57: {  	_ =	shalt  }
0x58: {  	_ =	shalt  }
0x59: {  	_ =	shalt  }
0x5a: {  	_ =	shalt  }
0x5b: {  	_ =	shalt  }
0x5c: {  	_ =	shalt  }
0x5d: {  	_ =	shalt  }
0x5e: {  	_ =	shalt  }
0x5f: {  	_ =	shalt  }
0x60: {  	_ =	shalt  }
0x61: {  	_ =	shalt  }
0x62: {  	_ =	shalt  }
0x63: {  	_ =	shalt  }
0x64: {  	_ =	shalt  }
0x65: {  	_ =	shalt  }
0x66: {  	_ =	shalt  }
0x67: {  	_ =	shalt  }
0x68: {  	_ =	shalt  }
0x69: {  	_ =	shalt  }
0x6a: {  	_ =	shalt  }
0x6b: {  	_ =	shalt  }
0x6c: {  	_ =	shalt  }
0x6d: {  	_ =	shalt  }
0x6e: {  	_ =	shalt  }
0x6f: {  	_ =	shalt  }
0x70: {  	_ =	shalt  }
0x71: {  	_ =	shalt  }
0x72: {  	_ =	shalt  }
0x73: {  	_ =	shalt  }
0x74: {  	_ =	shalt  }
0x75: {  	_ =	shalt  }
0x76: {  	_ =	shalt  }
0x77: {  	_ =	shalt  }
0x78: {  	_ =	shalt  }
0x79: {  	_ =	shalt  }
0x7a: {  	_ =	shalt  }
0x7b: {  	_ =	shalt  }
0x7c: {  	_ =	shalt  }
0x7d: {  	_ =	shalt  }
0x7e: {  	_ =	shalt  }
0x7f: {  	_ =	shalt  }
0x80: {  	_ =	shalt  }
0x81: {  	_ =	shalt  }
0x82: {  	_ =	shalt  }
0x83: {  	_ =	shalt  }
0x84: {  	_ =	shalt  }
0x85: {  	_ =	shalt  }
0x86: {  	_ =	shalt  }
0x87: {  	_ =	shalt  }
.Lfunc_end0:
.L_simem_size_0:
called_computation.3_lowered:
.L_overlay_start_0:
0x88: {  	s2 =	sld [smem:$0x3FD9]  }
0x89: {  	s3 =	sld [smem:$0x3FFE];
	_ =	sdelay $0x1  }
0x8a: {  	s1 =	srdreg.scid  }
0x8b: {  	s0 =	sand.u32 $0x1, s1  }
0x8c: {  	s17 =	sshll.u32 s0, $0xA;
	s2 =	sadd.s32 s3, s2  }
0x8d: {  	s2 =	sadd.s32 s2, s17  }
0x8e: {  	[smem:$0x3FBE] =	sst s2  }
0x8f: {  	_ = 	snop  }
0x90: {  	s2 =	sld [smem:$0x3FD0];
	(tm) =	ssettm $0x1  }
0x91: {  	s18 =	sld [smem:$0x3FFB];
	_ =	sdelay $0x3  }
0x92: {  	_ =	strace s18  }
0x93: {  	s3 =	sld [smem:$0x3FFC];
	_ =	sdelay $0x3  }
0x94: {  	_ =	strace s3  }
0x95: {  	s3 =	sld [smem:$0x3FFD];
	_ =	sdelay $0x3  }
0x96: {  	_ =	strace s3  }
0x97: {  	_ =	strace $0x8FFFFFFF  }
0x98: {  	s19 =	sld [smem:$0x3FDB];
	_ =	sdelay $0x1  }
0x99: {  	s4 =	simm.s32 $_scs_section_size  }
0x9a: {  	s5 =	simm.s32 $_size__tile_overlayer_lowered;
	s6 =	simm.s32 $_tile_overlayer_lowered  }
0x9b: {  	s22 =	simm.s32 $0x1BFF;
	s21 =	sshll.u32 s6, $0x1;
	s3 =	sadd.s32 s4, s19  }
0x9c: {  	s7 =	simm.s32 $0x0;
	s20 =	sshll.u32 s5, $0x1;
	s5 =	sadd.s32 s21, s3  }
0x9d: {  	[timem:s7], [sflag:s22] =	dma.local [hbm:s5], s20  }
0x9e: {  	_ =	swait.ge [sflag:s22], s20  }
0x9f: {  	s4 =	ssub.s32 $0x0, s20;
	[sflag:s22] =	ssyncset.done $0x0  }
0xa0: {  	[sflag:s22] =	ssyncadd.s32 s4;
	_ =	sdelay $0x1  }
0xa1: {  	s23 =	simm.s32 $0x1B8B  }
0xa2: {  	_ =	swait.ge [sflag:s23], $0x1  }
0xa3: {  	[sflag:s23] =	ssyncset.done $0x0  }
0xa4: {  	s25 =	simm.s32 $0x1B8E;
	s24 =	sld [smem:$0x3FFE];
	[sflag:s23] =	ssyncadd.s32 $0xFFFFFFFF  }
0xa5: {  	s26 =	simm.s32 $execute0_lowered;
	[smem:$0x3FD2] =	sst s25  }
0xa6: {  	s5 =	sshll.u32 s26, $0x1;
	_ =	strace $0x8000004F;
	[dreg:$0x1] =	wrdreg $0xFFFFFFFF  }
0xa7: {  	s28 =	simm.s32 $_size_execute0_lowered;
	s3 =	sadd.s32 s3, s5;
	[dreg:$0x0] =	wrdreg $0x0  }
0xa8: {  	s5 =	sshll.u32 s28, $0x1;
	[dreg:$0x2] =	wrdreg s3  }
0xa9: {  	[dreg:$0x3] =	wrdreg s5  }
0xaa: {  	[dreg:$0x4] =	wrdreg $0xC0  }
0xab: {  	_ =	task [dreg:s7], $0x5FFFF  }
0xac: {  	[dreg:$0x1] =	wrdreg $0xFFFFFFFF  }
0xad: {  	[dreg:$0x0] =	wrdreg $0x60  }
0xae: {  	[dreg:$0x2] =	wrdreg s24  }
0xaf: {  	[dreg:$0x3] =	wrdreg s2  }
0xb0: {  	[dreg:$0x4] =	wrdreg $0x90000  }
0xb1: {  	[dreg:$0x5] =	wrdreg $0x9  }
0xb2: {  	_ =	task.clear_ibuf [dreg:s7], $0x6FFFF;
	_ =	strace $0x9000004F  }
0xb3: {  	s29 =	simm.s32 $0x9;
	_ =	strace $0x80000051  }
0xb4: {  	_ =	swait.ge [sflag:s29], $0x1  }
0xb5: {  	[sflag:s29] =	ssyncadd.s32 $0xFFFFFFFF  }
0xb6: {  	_ =	strace $0x90000051  }
0xb7: {  	_ =	sfence  }
0xb8: {  	s30 =	sld [smem:$0x0];
	_ =	sdelay $0x2  }
0xb9: {  	s31 =	sshll.u32 s1, $0xD;
	s1 =	sshrl.u32 s1, $0x2  }
0xba: {  	s3 =	sand.u32 $0x4000, s31;
	s1 =	sadd.s32 s1, s30  }
0xbb: {  	s0 =	sor.u32 s3, s0;
	s1 =	sshll.u32 s1, $0x11  }
0xbc: {  	s0 =	sor.u32 s1, s0  }
0xbd: {  	s0 =	sadd.s32 $0x8F2B, s0  }
0xbe: {  	[sflag:s0] =	ssyncadd.remote.s32 $0x1  }
0xbf: {  	_ =	sfence.sel $0xFFFF  }
0xc0: {  	[dreg:$0x0] =	wrdreg $0xFFFFFFFF;
	(pc) =	sbr.abs _section_cstart, $3  }
0xc1: {  	[dreg:$0x1] =	wrdreg $0xFFFFFFFF  }
0xc2: {  	_ =	task.clear_ibuf [dreg:s7], $0x2FFFF;
	_ =	strace $0x9FFFFFFF  }
0xc3: {  	(tm) =	ssettm $0x7FFFFFFF  }
tec
execute0_lowered:
.L_overlay_start_1:
0x0: {  	(tag) =	ssettag $0x1  }
0x1: {  	s0 =	rddreg [dreg:$0x0]  }
0x2: {  	s1 =	rddreg [dreg:$0x1]  }
0x3: {  	s4 =	rddreg [dreg:$0x2];
	s2 =	simm.s32 $0x0;
	s14 =	stileid.u32  }
0x4: {  	s6 =	srdreg.scid;
	s15 =	simm.s32 $0x80;
	s16 =	simm.s32 $0x1000  }
0x5: {  	s17 =	simm.s32 $0x1;
	s18 =	simm.s32 $0x5000;
	s19 =	simm.s32 $0x2  }
0x6: {  	s20 =	simm.s32 $0x100;
	s28 =	simm.s32 $0x480;
	s29 =	simm.s32 $0x500  }
0x7: {  	s30 =	simm.s32 $0x580;
	s31 =	simm.s32 $0x600;
	s5 =	smul.u32 $0xA00, s14  }
0x8: {  	[smem:$0x7FF] =	sst s2;
	s3 =	sadd.s32 $0xD200, s0;
	s8 =	smul.u32 $0x4F000, s14  }
0x9: {  	s6 =	sand.u32 $0x1, s6;
	s9 =	sadd.s32 $0x5B400, s0;
	s22 =	smul.u32 $0x2780, s14  }
0xa: {  	p0 =	seq.s32 s14, $0xF;
	_ =	strace $0x80000050;
	s10 =	smul.u32 $0x27100, s6  }
0xb: {  	[dreg:$0x4] =	wrdreg s9;
	s21 =	ssub.s32 $0x2, s6;
	s12 =	smul.u32 $0x138800, s6  }
0xc: {  	s6 =	smul.u32 $0xA000, s6;
	s7 =	sadd.s32 s5, s0;
	s11 =	sshrl.u32 s21, $0x1  }
0xd: {  	s0 =	sadd.s32 $0x5DC00, s0;
	s8 =	sshrl.u32 s8, $0x2;
	s9 =	ssub.s32 s21, s11  }
0xe: {  	s13 =	sadd.s32 s8, s4;
	s4 =	sadd.s32 $0x128400, s4;
	s23 =	sshrl.u32 s12, $0x3  }
0xf: {  	s10 =	sadd.s32 s22, s10;
	s26 =	sadd.s32 s6, s1;
	s21 =	simm.s32 $0x180  }
0x10: {  	s22 =	simm.s32 $0x200;
	s1 =	simm.s32 $0x700;
	s6 =	simm.s32 $0x0  }
0x11: {  	s8 =	sadd.s32 s0, s23;
	s0 =	sadd.s32 s0, s10;
	s25 =	smax.u32 s9, $0x1  }
0x12: {  	s9 =	sadd.s32 s5, s26;
	s10 =	sshrl.u32 @p0 s4, $0x3;
	s12 =	sshrl.u32 @!p0 s13, $0x3  }
0x13: {  	s13 =	simm.s32 $0x3;
	s23 =	simm.s32 $0x280;
	[dreg:$0x5] =	wrdreg s0  }
0x14: {  	s26 =	simm.s32 $0x400;
	s5 =	simm.s32 $0x780;
	[dreg:$0x7] =	wrdreg s25  }
0x15: {  	s24 =	sadd.s32 $0x25080, s8;
	s8 =	sadd.s32 $0x3200, s7;
	[dreg:$0x8] =	wrdreg s10  }
0x16: {  	s0 =	sshll.u32 @!p0 s14, $0x6;
	s14 =	simm.s32 $0x800;
	[dreg:$0xa] =	wrdreg s12  }
0x17: {  	s25 =	simm.s32 $0x380;
	[dreg:$0x6] =	wrdreg s24;
	s11 =	sor.u32 @!p0 $0x1C03, s0  }
0x18: {  	s24 =	simm.s32 $0x300;
	s0 =	simm.s32 $0x680;
	[dreg:$0x9] =	wrdreg s11  }
.LBB2_1:
0x19: {  	s4 =	simm.s32 @p0 $0x1FC3;
	s7 =	rddreg [dreg:$0x4]  }
0x1a: {  	[spmem:s10], [sflag:s4] =	dma.local @p0 [hbm:s7], $0x2100  }
0x1b: {  	s4 =	simm.s32 @p0 $0x3  }
0x1c: {  	_ =	swait.ge @p0 [sflag:s4], $0x2100  }
0x1d: {  	[sflag:s4] =	ssyncset.done @p0 $0x0  }
0x1e: {  	[sflag:s4] =	ssyncadd.s32 @p0 $0xFFFFDF00;
	s4 =	simm.s32 @!p0 $0x3  }
0x1f: {  	[spmem:s12], [sflag:s11] =	dma.local @!p0 [hbm:s7], $0x2780  }
0x20: {  	_ =	swait.ge @!p0 [sflag:s4], $0x2780  }
0x21: {  	[sflag:s4] =	ssyncset.done @!p0 $0x0  }
0x22: {  	[sflag:s4] =	ssyncadd.s32 @!p0 $0xFFFFD880  }
0x23: {  	s11 =	sadd.s32 $0x0, s9;
	[bflag:$0x0] =	sbarrier.arrive $0xFFFF  }
0x24: {  	[tilespmem:s2], [sflag:$0x3] =	stream.linear.gather [hbm4b:s11+s2], $0x800, $0x38;
	[tilespmem:$0x1C8C0] =	vst v63  }
0x25: {  	_ =	swait.ge [sflag:s13], $0x800  }
0x26: {  	[sflag:s13] =	ssyncset.done $0x0  }
0x27: {  	s12 =	sadd.s32 $0x0, s8;
	[sflag:s13] =	ssyncadd.s32 $0xFFFFF800  }
0x28: {  	[tilespmem:s14], [sflag:$0x3] =	stream.linear.gather [hbm4b:s12+s2], $0x800, $0x38;
	[tilespmem:$0x1C8C0] =	vst v63  }
0x29: {  	_ =	swait.ge [sflag:s13], $0x800  }
0x2a: {  	[sflag:s13] =	ssyncset.done $0x0  }
0x2b: {  	[sflag:s13] =	ssyncadd.s32 $0xFFFFF800  }
0x2c: {  	[tilespmem:s16], [sflag:$0x1] =	stream.indirect.gather [hbm4b:s3+s15], $0x80, s2, s15, $0xb8;
	[tilespmem:$0x1C8C0] =	vst v63  }
0x2d: {  	_ =	swait.ge [sflag:s17], $0x4000  }
0x2e: {  	[sflag:s17] =	ssyncset.done $0x0  }
0x2f: {  	[sflag:s17] =	ssyncadd.s32 $0xFFFFC000  }
0x30: {  	[tilespmem:s18], [sflag:$0x2] =	stream.indirect.gather [hbm4b:s3+s15], $0x80, s15, s15, $0xb8;
	[tilespmem:$0x1C8C0] =	vst v63  }
0x31: {  	_ =	swait.ge [sflag:s19], $0x4000  }
0x32: {  	[sflag:s19] =	ssyncset.done $0x0  }
0x33: {  	[sflag:s19] =	ssyncadd.s32 $0xFFFFC000  }
0x34: {  	[tilespmem:s16], [sflag:$0x1] =	stream.indirect.gather [hbm4b:s3+s15], $0x80, s20, s15, $0xb8;
	[tilespmem:$0x1C8C0] =	vst v63  }
0x35: {  	_ =	swait.ge [sflag:s17], $0x4000  }
0x36: {  	[sflag:s17] =	ssyncset.done $0x0  }
0x37: {  	[sflag:s17] =	ssyncadd.s32 $0xFFFFC000  }
0x38: {  	[tilespmem:s18], [sflag:$0x2] =	stream.indirect.gather [hbm4b:s3+s15], $0x80, s21, s15, $0xb8;
	[tilespmem:$0x1C8C0] =	vst v63  }
0x39: {  	_ =	swait.ge [sflag:s19], $0x4000  }
0x3a: {  	[sflag:s19] =	ssyncset.done $0x0  }
0x3b: {  	[sflag:s19] =	ssyncadd.s32 $0xFFFFC000  }
0x3c: {  	[tilespmem:s16], [sflag:$0x1] =	stream.indirect.gather [hbm4b:s3+s15], $0x80, s22, s15, $0xb8;
	[tilespmem:$0x1C8C0] =	vst v63  }
0x3d: {  	_ =	swait.ge [sflag:s17], $0x4000  }
0x3e: {  	[sflag:s17] =	ssyncset.done $0x0  }
0x3f: {  	[sflag:s17] =	ssyncadd.s32 $0xFFFFC000  }
0x40: {  	[tilespmem:s18], [sflag:$0x2] =	stream.indirect.gather [hbm4b:s3+s15], $0x80, s23, s15, $0xb8;
	[tilespmem:$0x1C8C0] =	vst v63  }
0x41: {  	_ =	swait.ge [sflag:s19], $0x4000  }
0x42: {  	[sflag:s19] =	ssyncset.done $0x0  }
0x43: {  	[sflag:s19] =	ssyncadd.s32 $0xFFFFC000  }
0x44: {  	[tilespmem:s16], [sflag:$0x1] =	stream.indirect.gather [hbm4b:s3+s15], $0x80, s24, s15, $0xb8;
	[tilespmem:$0x1C8C0] =	vst v63  }
0x45: {  	_ =	swait.ge [sflag:s17], $0x4000  }
0x46: {  	[sflag:s17] =	ssyncset.done $0x0  }
0x47: {  	[sflag:s17] =	ssyncadd.s32 $0xFFFFC000  }
0x48: {  	[tilespmem:s18], [sflag:$0x2] =	stream.indirect.gather [hbm4b:s3+s15], $0x80, s25, s15, $0xb8;
	[tilespmem:$0x1C8C0] =	vst v63  }
0x49: {  	_ =	swait.ge [sflag:s19], $0x4000  }
0x4a: {  	[sflag:s19] =	ssyncset.done $0x0  }
0x4b: {  	[sflag:s19] =	ssyncadd.s32 $0xFFFFC000  }
0x4c: {  	[tilespmem:s16], [sflag:$0x1] =	stream.indirect.gather [hbm4b:s3+s15], $0x80, s26, s15, $0xb8;
	[tilespmem:$0x1C8C0] =	vst v63  }
0x4d: {  	_ =	swait.ge [sflag:s17], $0x4000  }
0x4e: {  	[sflag:s17] =	ssyncset.done $0x0  }
0x4f: {  	[sflag:s17] =	ssyncadd.s32 $0xFFFFC000  }
0x50: {  	[tilespmem:s18], [sflag:$0x2] =	stream.indirect.gather [hbm4b:s3+s15], $0x80, s28, s15, $0xb8;
	[tilespmem:$0x1C8C0] =	vst v63  }
0x51: {  	_ =	swait.ge [sflag:s19], $0x4000  }
0x52: {  	[sflag:s19] =	ssyncset.done $0x0  }
0x53: {  	[sflag:s19] =	ssyncadd.s32 $0xFFFFC000  }
0x54: {  	[tilespmem:s16], [sflag:$0x1] =	stream.indirect.gather [hbm4b:s3+s15], $0x80, s29, s15, $0xb8;
	[tilespmem:$0x1C8C0] =	vst v63  }
0x55: {  	_ =	swait.ge [sflag:s17], $0x4000  }
0x56: {  	[sflag:s17] =	ssyncset.done $0x0  }
0x57: {  	[sflag:s17] =	ssyncadd.s32 $0xFFFFC000  }
0x58: {  	[tilespmem:s18], [sflag:$0x2] =	stream.indirect.gather [hbm4b:s3+s15], $0x80, s30, s15, $0xb8;
	[tilespmem:$0x1C8C0] =	vst v63  }
0x59: {  	_ =	swait.ge [sflag:s19], $0x4000  }
0x5a: {  	[sflag:s19] =	ssyncset.done $0x0  }
0x5b: {  	[sflag:s19] =	ssyncadd.s32 $0xFFFFC000  }
0x5c: {  	[tilespmem:s16], [sflag:$0x1] =	stream.indirect.gather [hbm4b:s3+s15], $0x80, s31, s15, $0xb8;
	[tilespmem:$0x1C8C0] =	vst v63  }
0x5d: {  	_ =	swait.ge [sflag:s17], $0x4000  }
0x5e: {  	[sflag:s17] =	ssyncset.done $0x0  }
0x5f: {  	[sflag:s17] =	ssyncadd.s32 $0xFFFFC000  }
0x60: {  	[tilespmem:s18], [sflag:$0x2] =	stream.indirect.gather [hbm4b:s3+s15], $0x80, s0, s15, $0xb8;
	[tilespmem:$0x1C8C0] =	vst v63  }
0x61: {  	_ =	swait.ge [sflag:s19], $0x4000  }
0x62: {  	[sflag:s19] =	ssyncset.done $0x0  }
0x63: {  	[sflag:s19] =	ssyncadd.s32 $0xFFFFC000  }
0x64: {  	[tilespmem:s16], [sflag:$0x1] =	stream.indirect.gather [hbm4b:s3+s15], $0x80, s1, s15, $0xb8;
	[tilespmem:$0x1C8C0] =	vst v63  }
0x65: {  	_ =	swait.ge [sflag:s17], $0x4000  }
0x66: {  	[sflag:s17] =	ssyncset.done $0x0  }
0x67: {  	[sflag:s17] =	ssyncadd.s32 $0xFFFFC000  }
0x68: {  	[tilespmem:s18], [sflag:$0x2] =	stream.indirect.gather [hbm4b:s3+s15], $0x80, s5, s15, $0xb8;
	[tilespmem:$0x1C8C0] =	vst v63  }
0x69: {  	_ =	swait.ge [sflag:s19], $0x4000  }
0x6a: {  	s7 =	simm.s32 $0x100;
	s4 =	simm.s32 $0x200;
	[sflag:s19] =	ssyncset.done $0x0  }
.LBB2_2:
0x6b: {  	s11 =	sadd.s32 s7, s9  }
0x6c: {  	[sflag:s19] =	ssyncadd.s32 $0xFFFFC000;
	s12 =	smov.u32 s4;
	s10 =	sadd.s32 $0x100, s4  }
0x6d: {  	[tilespmem:s2], [sflag:$0x3] =	stream.linear.gather [hbm4b:s11+s2], $0x800, $0x38;
	[tilespmem:$0x1C8C0] =	vst v63  }
0x6e: {  	p1 =	sne.s32 s4, $0x900;
	_ =	swait.ge [sflag:s13], $0x800  }
0x6f: {  	[sflag:s13] =	ssyncset.done $0x0  }
0x70: {  	s4 =	sadd.s32 s7, s8;
	s7 =	smov.u32 s12;
	[sflag:s13] =	ssyncadd.s32 $0xFFFFF800  }
0x71: {  	[tilespmem:s14], [sflag:$0x3] =	stream.linear.gather [hbm4b:s4+s2], $0x800, $0x38;
	[tilespmem:$0x1C8C0] =	vst v63  }
0x72: {  	_ =	swait.ge [sflag:s13], $0x800  }
0x73: {  	[sflag:s13] =	ssyncset.done $0x0  }
0x74: {  	[sflag:s13] =	ssyncadd.s32 $0xFFFFF800  }
0x75: {  	[tilespmem:s16], [sflag:$0x1] =	stream.indirect.gather [hbm4b:s3+s15], $0x80, s2, s15, $0xb8;
	[tilespmem:$0x1C8C0] =	vst v63  }
0x76: {  	_ =	swait.ge [sflag:s17], $0x4000  }
0x77: {  	[sflag:s17] =	ssyncset.done $0x0  }
0x78: {  	[sflag:s17] =	ssyncadd.s32 $0xFFFFC000  }
0x79: {  	[tilespmem:s18], [sflag:$0x2] =	stream.indirect.gather [hbm4b:s3+s15], $0x80, s15, s15, $0xb8;
	[tilespmem:$0x1C8C0] =	vst v63  }
0x7a: {  	_ =	swait.ge [sflag:s19], $0x4000  }
0x7b: {  	[sflag:s19] =	ssyncset.done $0x0  }
0x7c: {  	[sflag:s19] =	ssyncadd.s32 $0xFFFFC000  }
0x7d: {  	[tilespmem:s16], [sflag:$0x1] =	stream.indirect.gather [hbm4b:s3+s15], $0x80, s20, s15, $0xb8;
	[tilespmem:$0x1C8C0] =	vst v63  }
0x7e: {  	_ =	swait.ge [sflag:s17], $0x4000  }
0x7f: {  	[sflag:s17] =	ssyncset.done $0x0  }
0x80: {  	[sflag:s17] =	ssyncadd.s32 $0xFFFFC000  }
0x81: {  	[tilespmem:s18], [sflag:$0x2] =	stream.indirect.gather [hbm4b:s3+s15], $0x80, s21, s15, $0xb8;
	[tilespmem:$0x1C8C0] =	vst v63  }
0x82: {  	_ =	swait.ge [sflag:s19], $0x4000  }
0x83: {  	[sflag:s19] =	ssyncset.done $0x0  }
0x84: {  	[sflag:s19] =	ssyncadd.s32 $0xFFFFC000  }
0x85: {  	[tilespmem:s16], [sflag:$0x1] =	stream.indirect.gather [hbm4b:s3+s15], $0x80, s22, s15, $0xb8;
	[tilespmem:$0x1C8C0] =	vst v63  }
0x86: {  	_ =	swait.ge [sflag:s17], $0x4000  }
0x87: {  	[sflag:s17] =	ssyncset.done $0x0  }
0x88: {  	[sflag:s17] =	ssyncadd.s32 $0xFFFFC000  }
0x89: {  	[tilespmem:s18], [sflag:$0x2] =	stream.indirect.gather [hbm4b:s3+s15], $0x80, s23, s15, $0xb8;
	[tilespmem:$0x1C8C0] =	vst v63  }
0x8a: {  	_ =	swait.ge [sflag:s19], $0x4000  }
0x8b: {  	[sflag:s19] =	ssyncset.done $0x0  }
0x8c: {  	[sflag:s19] =	ssyncadd.s32 $0xFFFFC000  }
0x8d: {  	[tilespmem:s16], [sflag:$0x1] =	stream.indirect.gather [hbm4b:s3+s15], $0x80, s24, s15, $0xb8;
	[tilespmem:$0x1C8C0] =	vst v63  }
0x8e: {  	_ =	swait.ge [sflag:s17], $0x4000  }
0x8f: {  	[sflag:s17] =	ssyncset.done $0x0  }
0x90: {  	[sflag:s17] =	ssyncadd.s32 $0xFFFFC000  }
0x91: {  	[tilespmem:s18], [sflag:$0x2] =	stream.indirect.gather [hbm4b:s3+s15], $0x80, s25, s15, $0xb8;
	[tilespmem:$0x1C8C0] =	vst v63  }
0x92: {  	_ =	swait.ge [sflag:s19], $0x4000  }
0x93: {  	[sflag:s19] =	ssyncset.done $0x0  }
0x94: {  	[sflag:s19] =	ssyncadd.s32 $0xFFFFC000  }
0x95: {  	[tilespmem:s16], [sflag:$0x1] =	stream.indirect.gather [hbm4b:s3+s15], $0x80, s26, s15, $0xb8;
	[tilespmem:$0x1C8C0] =	vst v63  }
0x96: {  	_ =	swait.ge [sflag:s17], $0x4000  }
0x97: {  	[sflag:s17] =	ssyncset.done $0x0  }
0x98: {  	[sflag:s17] =	ssyncadd.s32 $0xFFFFC000  }
0x99: {  	[tilespmem:s18], [sflag:$0x2] =	stream.indirect.gather [hbm4b:s3+s15], $0x80, s28, s15, $0xb8;
	[tilespmem:$0x1C8C0] =	vst v63  }
0x9a: {  	_ =	swait.ge [sflag:s19], $0x4000  }
0x9b: {  	[sflag:s19] =	ssyncset.done $0x0  }
0x9c: {  	[sflag:s19] =	ssyncadd.s32 $0xFFFFC000  }
0x9d: {  	[tilespmem:s16], [sflag:$0x1] =	stream.indirect.gather [hbm4b:s3+s15], $0x80, s29, s15, $0xb8;
	[tilespmem:$0x1C8C0] =	vst v63  }
0x9e: {  	_ =	swait.ge [sflag:s17], $0x4000  }
0x9f: {  	[sflag:s17] =	ssyncset.done $0x0  }
0xa0: {  	[sflag:s17] =	ssyncadd.s32 $0xFFFFC000  }
0xa1: {  	[tilespmem:s18], [sflag:$0x2] =	stream.indirect.gather [hbm4b:s3+s15], $0x80, s30, s15, $0xb8;
	[tilespmem:$0x1C8C0] =	vst v63  }
0xa2: {  	_ =	swait.ge [sflag:s19], $0x4000  }
0xa3: {  	[sflag:s19] =	ssyncset.done $0x0  }
0xa4: {  	[sflag:s19] =	ssyncadd.s32 $0xFFFFC000  }
0xa5: {  	[tilespmem:s16], [sflag:$0x1] =	stream.indirect.gather [hbm4b:s3+s15], $0x80, s31, s15, $0xb8;
	[tilespmem:$0x1C8C0] =	vst v63  }
0xa6: {  	_ =	swait.ge [sflag:s17], $0x4000  }
0xa7: {  	[sflag:s17] =	ssyncset.done $0x0  }
0xa8: {  	[sflag:s17] =	ssyncadd.s32 $0xFFFFC000  }
0xa9: {  	[tilespmem:s18], [sflag:$0x2] =	stream.indirect.gather [hbm4b:s3+s15], $0x80, s0, s15, $0xb8;
	[tilespmem:$0x1C8C0] =	vst v63  }
0xaa: {  	_ =	swait.ge [sflag:s19], $0x4000  }
0xab: {  	[sflag:s19] =	ssyncset.done $0x0  }
0xac: {  	[sflag:s19] =	ssyncadd.s32 $0xFFFFC000  }
0xad: {  	[tilespmem:s16], [sflag:$0x1] =	stream.indirect.gather [hbm4b:s3+s15], $0x80, s1, s15, $0xb8;
	[tilespmem:$0x1C8C0] =	vst v63  }
0xae: {  	_ =	swait.ge [sflag:s17], $0x4000  }
.Ltmp0:
0xaf: {  	[sflag:s17] =	ssyncset.done $0x0;
	(pc) =	sbr.rel @p1 .LBB2_2-.Ltmp0, $4  }
0xb0: {  	[sflag:s17] =	ssyncadd.s32 $0xFFFFC000  }
0xb1: {  	[tilespmem:s18], [sflag:$0x2] =	stream.indirect.gather [hbm4b:s3+s15], $0x80, s5, s15, $0xb8;
	[tilespmem:$0x1C8C0] =	vst v63  }
0xb2: {  	_ =	swait.ge [sflag:s19], $0x4000  }
0xb3: {  	s4 =	smov.u32 s10;
	[sflag:s19] =	ssyncset.done $0x0  }
0xb4: {  	s4 =	sadd.s32 s7, s9;
	[sflag:s19] =	ssyncadd.s32 $0xFFFFC000  }
0xb5: {  	[tilespmem:s2], [sflag:$0x3] =	stream.linear.gather [hbm4b:s4+s2], $0x800, $0x38;
	[tilespmem:$0x1C8C0] =	vst v63  }
0xb6: {  	_ =	swait.ge [sflag:s13], $0x800  }
0xb7: {  	[sflag:s13] =	ssyncset.done $0x0  }
0xb8: {  	s12 =	sadd.s32 s7, s8;
	[sflag:s13] =	ssyncadd.s32 $0xFFFFF800  }
0xb9: {  	[tilespmem:s14], [sflag:$0x3] =	stream.linear.gather [hbm4b:s12+s2], $0x800, $0x38;
	[tilespmem:$0x1C8C0] =	vst v63  }
0xba: {  	_ =	swait.ge [sflag:s13], $0x800  }
0xbb: {  	[sflag:s13] =	ssyncset.done $0x0  }
0xbc: {  	[sflag:s13] =	ssyncadd.s32 $0xFFFFF800  }
0xbd: {  	[tilespmem:s16], [sflag:$0x1] =	stream.indirect.gather [hbm4b:s3+s15], $0x80, s2, s15, $0xb8;
	[tilespmem:$0x1C8C0] =	vst v63  }
0xbe: {  	_ =	swait.ge [sflag:s17], $0x4000  }
0xbf: {  	[sflag:s17] =	ssyncset.done $0x0  }
0xc0: {  	[sflag:s17] =	ssyncadd.s32 $0xFFFFC000  }
0xc1: {  	[tilespmem:s18], [sflag:$0x2] =	stream.indirect.gather [hbm4b:s3+s15], $0x80, s15, s15, $0xb8;
	[tilespmem:$0x1C8C0] =	vst v63  }
0xc2: {  	_ =	swait.ge [sflag:s19], $0x4000  }
0xc3: {  	[sflag:s19] =	ssyncset.done $0x0  }
0xc4: {  	[sflag:s19] =	ssyncadd.s32 $0xFFFFC000  }
0xc5: {  	[tilespmem:s16], [sflag:$0x1] =	stream.indirect.gather [hbm4b:s3+s15], $0x80, s20, s15, $0xb8;
	[tilespmem:$0x1C8C0] =	vst v63  }
0xc6: {  	_ =	swait.ge [sflag:s17], $0x4000  }
0xc7: {  	[sflag:s17] =	ssyncset.done $0x0  }
0xc8: {  	[sflag:s17] =	ssyncadd.s32 $0xFFFFC000  }
0xc9: {  	[tilespmem:s18], [sflag:$0x2] =	stream.indirect.gather [hbm4b:s3+s15], $0x80, s21, s15, $0xb8;
	[tilespmem:$0x1C8C0] =	vst v63  }
0xca: {  	_ =	swait.ge [sflag:s19], $0x4000  }
0xcb: {  	[sflag:s19] =	ssyncset.done $0x0  }
0xcc: {  	[sflag:s19] =	ssyncadd.s32 $0xFFFFC000  }
0xcd: {  	[tilespmem:s16], [sflag:$0x1] =	stream.indirect.gather [hbm4b:s3+s15], $0x80, s22, s15, $0xb8;
	[tilespmem:$0x1C8C0] =	vst v63  }
0xce: {  	_ =	swait.ge [sflag:s17], $0x4000  }
0xcf: {  	[sflag:s17] =	ssyncset.done $0x0  }
0xd0: {  	[sflag:s17] =	ssyncadd.s32 $0xFFFFC000  }
0xd1: {  	[tilespmem:s18], [sflag:$0x2] =	stream.indirect.gather [hbm4b:s3+s15], $0x80, s23, s15, $0xb8;
	[tilespmem:$0x1C8C0] =	vst v63  }
0xd2: {  	_ =	swait.ge [sflag:s19], $0x4000  }
0xd3: {  	[sflag:s19] =	ssyncset.done $0x0  }
0xd4: {  	[sflag:s19] =	ssyncadd.s32 $0xFFFFC000  }
0xd5: {  	[tilespmem:s16], [sflag:$0x1] =	stream.indirect.gather [hbm4b:s3+s15], $0x80, s24, s15, $0xb8;
	[tilespmem:$0x1C8C0] =	vst v63  }
0xd6: {  	_ =	swait.ge [sflag:s17], $0x4000  }
0xd7: {  	[sflag:s17] =	ssyncset.done $0x0  }
0xd8: {  	[sflag:s17] =	ssyncadd.s32 $0xFFFFC000  }
0xd9: {  	[tilespmem:s18], [sflag:$0x2] =	stream.indirect.gather [hbm4b:s3+s15], $0x80, s25, s15, $0xb8;
	[tilespmem:$0x1C8C0] =	vst v63  }
0xda: {  	_ =	swait.ge [sflag:s19], $0x4000  }
0xdb: {  	[sflag:s19] =	ssyncset.done $0x0  }
0xdc: {  	[sflag:s19] =	ssyncadd.s32 $0xFFFFC000  }
0xdd: {  	[tilespmem:s16], [sflag:$0x1] =	stream.indirect.gather [hbm4b:s3+s15], $0x80, s26, s15, $0xb8;
	[tilespmem:$0x1C8C0] =	vst v63  }
0xde: {  	_ =	swait.ge [sflag:s17], $0x4000  }
0xdf: {  	[sflag:s17] =	ssyncset.done $0x0  }
0xe0: {  	[sflag:s17] =	ssyncadd.s32 $0xFFFFC000  }
0xe1: {  	[tilespmem:s18], [sflag:$0x2] =	stream.indirect.gather [hbm4b:s3+s15], $0x80, s28, s15, $0xb8;
	[tilespmem:$0x1C8C0] =	vst v63  }
0xe2: {  	_ =	swait.ge [sflag:s19], $0x4000  }
0xe3: {  	[sflag:s19] =	ssyncset.done $0x0  }
0xe4: {  	[sflag:s19] =	ssyncadd.s32 $0xFFFFC000  }
0xe5: {  	[tilespmem:s16], [sflag:$0x1] =	stream.indirect.gather [hbm4b:s3+s15], $0x80, s29, s15, $0xb8;
	[tilespmem:$0x1C8C0] =	vst v63  }
0xe6: {  	_ =	swait.ge [sflag:s17], $0x4000  }
0xe7: {  	[sflag:s17] =	ssyncset.done $0x0  }
0xe8: {  	[sflag:s17] =	ssyncadd.s32 $0xFFFFC000  }
0xe9: {  	[tilespmem:s18], [sflag:$0x2] =	stream.indirect.gather [hbm4b:s3+s15], $0x80, s30, s15, $0xb8;
	[tilespmem:$0x1C8C0] =	vst v63  }
0xea: {  	_ =	swait.ge [sflag:s19], $0x4000  }
0xeb: {  	[sflag:s19] =	ssyncset.done $0x0  }
0xec: {  	[sflag:s19] =	ssyncadd.s32 $0xFFFFC000  }
0xed: {  	[tilespmem:s16], [sflag:$0x1] =	stream.indirect.gather [hbm4b:s3+s15], $0x80, s31, s15, $0xb8;
	[tilespmem:$0x1C8C0] =	vst v63  }
0xee: {  	_ =	swait.ge [sflag:s17], $0x4000  }
0xef: {  	[sflag:s17] =	ssyncset.done $0x0  }
0xf0: {  	[sflag:s17] =	ssyncadd.s32 $0xFFFFC000  }
0xf1: {  	[tilespmem:s18], [sflag:$0x2] =	stream.indirect.gather [hbm4b:s3+s15], $0x80, s0, s15, $0xb8;
	[tilespmem:$0x1C8C0] =	vst v63  }
0xf2: {  	_ =	swait.ge [sflag:s19], $0x4000  }
0xf3: {  	[sflag:s19] =	ssyncset.done $0x0  }
0xf4: {  	[sflag:s19] =	ssyncadd.s32 $0xFFFFC000  }
0xf5: {  	[tilespmem:s16], [sflag:$0x1] =	stream.indirect.gather [hbm4b:s3+s15], $0x80, s1, s15, $0xb8;
	[tilespmem:$0x1C8C0] =	vst v63  }
0xf6: {  	_ =	swait.ge [sflag:s17], $0x4000  }
0xf7: {  	[sflag:s17] =	ssyncset.done $0x0  }
0xf8: {  	[sflag:s17] =	ssyncadd.s32 $0xFFFFC000  }
0xf9: {  	[tilespmem:s18], [sflag:$0x2] =	stream.indirect.gather [hbm4b:s3+s15], $0x80, s5, s15, $0xb8;
	[tilespmem:$0x1C8C0] =	vst v63  }
0xfa: {  	_ =	swait.ge [sflag:s19], $0x4000  }
0xfb: {  	[sflag:s19] =	ssyncset.done $0x0  }
0xfc: {  	[sflag:s19] =	ssyncadd.s32 $0xFFFFC000  }
0xfd: {  	[bflag:$0x0] =	sbarrier.arrive $0xFFFF  }
0xfe: {  	s7 =	rddreg [dreg:$0x6]  }
0xff: {  	s4 =	simm.s32 @p0 $0x1FC3;
	s10 =	rddreg [dreg:$0x8]  }
0x100: {  	[hbm:s7], [sflag:s4] =	dma.local @p0 [spmem:s10], $0x2080  }
0x101: {  	s4 =	simm.s32 @p0 $0x3  }
0x102: {  	_ =	swait.ge @p0 [sflag:s4], $0x2080  }
0x103: {  	s11 =	rddreg [dreg:$0x9]  }
0x104: {  	[sflag:s4] =	ssyncset.done @p0 $0x0;
	s12 =	rddreg [dreg:$0xa]  }
0x105: {  	[sflag:s4] =	ssyncadd.s32 @p0 $0xFFFFDF80;
	s4 =	rddreg [dreg:$0x5]  }
0x106: {  	[hbm:s4], [sflag:s11] =	dma.local @!p0 [spmem:s12], $0x2780  }
0x107: {  	s4 =	simm.s32 @!p0 $0x3  }
0x108: {  	_ =	swait.ge @!p0 [sflag:s4], $0x2780  }
0x109: {  	s6 =	sadd.s32 $0x1, s6;
	s7 =	rddreg [dreg:$0x7]  }
0x10a: {  	p1 =	sne.s32 s6, s7  }
.Ltmp1:
0x10b: {  	_ = 	snop;
	(pc) =	sbr.rel @p1 .LBB2_1-.Ltmp1, $3  }
0x10c: {  	_ =	sdelay $0x1  }
0x10d: {  	[sflag:s4] =	ssyncset.done @!p0 $0x0  }
0x10e: {  	[sflag:s4] =	ssyncadd.s32 @!p0 $0xFFFFD880  }
0x10f: {  	_ =	sfence.sel $0x180000  }
0x110: {  	[bflag:$0x0] =	sbarrier.arrive $0xFFFF  }
0x111: {  	_ =	strace $0x90000050  }
0x112: {  	s0 =	stileid.u32;
	[bflag:$0x2] =	sbarrier.arrive $0xFFFF  }
0x113: {  	p0 =	sne.s32 s0, $0x0;
	s0 =	rddreg [dreg:$0x3]  }
0x114: {  	s0 =	sadd.s32 @!p0 $0x100000, s0  }
0x115: {  	[sflag:s0] =	ssyncadd.tile.s32 @!p0 $0x1;
	_ =	shalt  }
.Lfunc_end2:
_tile_overlayer_lowered:
.L_overlay_start_2:
0x116: {  	(tag) =	ssettag $0x2  }
0x117: {  	s0 =	rddreg [dreg:$0x0];
	s2 =	stileid.u32  }
0x118: {  	s1 =	rddreg [dreg:$0x1];
	p0 =	sne.s32 s2, $0x0  }
0x119: {  	s3 =	rddreg [dreg:$0x2];
	[bflag:$0x3] =	sbarrier.arrive $0xFFFF;
	s2 =	simm.s32 @!p0 $0x1C03  }
0x11a: {  	[timem:s3], [sflag:s2] =	dma.local @!p0 [hbm:s0], s1  }
0x11b: {  	s0 =	simm.s32 @!p0 $0x3  }
0x11c: {  	_ =	swait.ge @!p0 [sflag:s0], s1  }
0x11d: {  	s1 =	ssub.s32 @!p0 $0x0, s1;
	[sflag:s0] =	ssyncset.done @!p0 $0x0  }
0x11e: {  	[sflag:s0] =	ssyncadd.s32 @!p0 s1  }
0x11f: {  	[bflag:$0x3] =	sbarrier.arrive $0xFFFF  }
0x120: {  	_ =	shalt  }

</sc_bundles>
